<compile_context>
chip_gen: v7x
topology: tpu7x:2x2x1
jax: 0.10.2.dev20260603
libtpu: 0.0.44.dev20260713+nightly
codegen_flags: <defaults>
</compile_context>

<pallas_src>
import functools

import jax
import jax.numpy as jnp
from jax import lax
from jax.experimental import pallas as pl
from jax.experimental.pallas import tpu as pltpu
from jax.experimental.pallas import tpu_sc as plsc

NC = 2
NS = 16
NW = NC * NS
CHUNK = 64
SLOW_C = 0
FAST_FRAC = 0.9


def _sc_mesh():
    return plsc.VectorSubcoreMesh(
        core_axis_name="c", subcore_axis_name="s", num_cores=NC,
        num_subcores=NS)


def _fill_f32(ref, n_rows, n_cols, value):
    def row(j, _):
        def col(k, _):
            ref[j, pl.ds(k * 16, 16)] = jnp.full((16,), value, jnp.float32)
            return _
        return lax.fori_loop(0, n_cols // 16, col, _)
    lax.fori_loop(0, n_rows, row, None)


def _deg_body(ec, n_pad, dst_hbm, deg_hbm, dst_v, ones_v, zrow_v, deg_sh):
    c = lax.axis_index("c")
    s = lax.axis_index("s")
    wid = s * NC + c
    rpt = n_pad // NS

    _fill_f32(ones_v, 1, CHUNK, 1.0)
    _fill_f32(zrow_v, 1, rpt, 0.0)
    pltpu.sync_copy(zrow_v.at[0], deg_sh.at[pl.ds(s * rpt, rpt)])
    plsc.subcore_barrier()

    pltpu.sync_copy(dst_hbm.at[pl.ds(wid * ec, ec)], dst_v)

    def edge(j, _):
        pltpu.sync_copy(ones_v.at[0], deg_sh.at[dst_v.at[j]], add=True)
        return _
    lax.fori_loop(0, ec, edge, None)
    plsc.subcore_barrier()

    pltpu.sync_copy(deg_sh.at[pl.ds(s * rpt, rpt)],
                    deg_hbm.at[pl.ds(c * n_pad + s * rpt, rpt)])


def _sc_degree(dst_p, n_pad):
    ec = dst_p.shape[0] // NW
    kern = pl.kernel(
        functools.partial(_deg_body, ec, n_pad),
        out_type=jax.ShapeDtypeStruct((NC * n_pad,), jnp.float32),
        mesh=_sc_mesh(),
        scratch_types=[
            pltpu.VMEM((ec, CHUNK), jnp.int32),
            pltpu.VMEM((1, CHUNK), jnp.float32),
            pltpu.VMEM((1, n_pad // NS), jnp.float32),
            pltpu.VMEM_SHARED((n_pad,), jnp.float32),
        ],
    )
    return kern(dst_p)


def _edge_pipeline(z_hbm, src_hbm, dst_hbm, agg_sh, src_v, dst_v, bufs,
                   base, ec):
    nstg = 4 if ec >= 128 else 1
    hc = ec // nstg
    for half in range(nstg):
        hbase = base + half * hc
        pltpu.sync_copy(src_hbm.at[pl.ds(hbase, hc)], src_v.at[pl.ds(0, hc)])
        pltpu.sync_copy(dst_hbm.at[pl.ds(hbase, hc)], dst_v.at[pl.ds(0, hc)])

        for b, (rows, sem) in enumerate(bufs):
            pltpu.async_copy(z_hbm.at[src_v.at[b]], rows, sem)

        def outer(g, _):
            for b, (rows, sem) in enumerate(bufs):
                j = 2 * g + b
                pltpu.make_async_copy(z_hbm.at[src_v.at[j]], rows, sem).wait()
                pltpu.sync_copy(rows, agg_sh.at[dst_v.at[j]], add=True)

                @pl.when(j + 2 < hc)
                def _():
                    pltpu.async_copy(z_hbm.at[src_v.at[j + 2]], rows, sem)
            return _
        lax.fori_loop(0, hc // 2, outer, None)


def _agg_body(ec_f, ec_s, n_pad, z_hbm, src_hbm, dst_hbm, agg_hbm,
              src_v, dst_v, rows0, rows1, zidx_v, agg_sh, sem0, sem1):
    c = lax.axis_index("c")
    s = lax.axis_index("s")
    rpt = n_pad // NS
    bufs = ((rows0, sem0), (rows1, sem1))

    def work(base, ec):
        _fill_f32(rows0, CHUNK, 128, 0.0)

        def zero(i, _):
            row0 = s * rpt + i * CHUNK
            for k in range(CHUNK // 16):
                zidx_v[0, pl.ds(k * 16, 16)] = (
                    lax.iota(jnp.int32, 16) + (row0 + k * 16))
            pltpu.sync_copy(rows0, agg_sh.at[zidx_v.at[0]])
            return _
        lax.fori_loop(0, rpt // CHUNK, zero, None)
        plsc.subcore_barrier()

        _edge_pipeline(z_hbm, src_hbm, dst_hbm, agg_sh, src_v, dst_v, bufs,
                       base, ec)
        plsc.subcore_barrier()

        def out(g, _):
            for b, (rows, sem) in enumerate(bufs):
                ii = 2 * g + b
                sl = pl.ds(s * rpt + ii * CHUNK, CHUNK)

                @pl.when(ii >= 2)
                def _():
                    pltpu.make_async_copy(
                        rows, agg_hbm.at[c, pl.ds(s * rpt, CHUNK)],
                        sem).wait()
                pltpu.sync_copy(agg_sh.at[sl], rows)
                pltpu.async_copy(rows, agg_hbm.at[c, sl], sem)
            return _
        lax.fori_loop(0, rpt // CHUNK // 2, out, None)
        for b, (rows, sem) in enumerate(bufs):
            pltpu.make_async_copy(
                rows, agg_hbm.at[c, pl.ds(s * rpt, CHUNK)], sem).wait()

    if ec_s == 0:
        @pl.when(c != SLOW_C)
        def _():
            work(s * ec_f, ec_f)
    else:
        @pl.when(c == SLOW_C)
        def _():
            work(NS * ec_f + s * ec_s, ec_s)

        @pl.when(c != SLOW_C)
        def _():
            work(s * ec_f, ec_f)


def _sc_aggregate(z, src_p, dst_p, n_pad):
    nchunks = src_p.shape[0]
    per_pair = nchunks // NS
    ec_f = min(per_pair, max(16, round(per_pair * FAST_FRAC / 16) * 16))
    ec_s = per_pair - ec_f
    ixrows = max(ec // (4 if ec >= 128 else 1) for ec in (ec_f, max(ec_s, 1)))
    kern = pl.kernel(
        functools.partial(_agg_body, ec_f, ec_s, n_pad),
        out_type=jax.ShapeDtypeStruct((NC, n_pad, 128), jnp.float32),
        mesh=_sc_mesh(),
        scratch_types=[
            pltpu.VMEM((ixrows, CHUNK), jnp.int32),
            pltpu.VMEM((ixrows, CHUNK), jnp.int32),
            pltpu.VMEM((CHUNK, 128), jnp.float32),
            pltpu.VMEM((CHUNK, 128), jnp.float32),
            pltpu.VMEM((1, CHUNK), jnp.int32),
            pltpu.VMEM_SHARED((n_pad, 128), jnp.float32),
            pltpu.SemaphoreType.DMA,
            pltpu.SemaphoreType.DMA,
        ],
    )
    return kern(z, src_p, dst_p)


def _z_kernel(x_ref, w_ref, deg_ref, z_ref):
    i = pl.program_id(0)
    rb = x_ref.shape[0]
    dv = deg_ref[0, pl.ds(i * rb, rb)] + deg_ref[1, pl.ds(i * rb, rb)] + 1.0
    dinv = lax.rsqrt(dv)
    xw = jnp.dot(x_ref[...], w_ref[...], preferred_element_type=jnp.float32)
    z_ref[...] = xw * dinv[:, None]


def _tc_z(x_pad, w_cat, deg2, rb):
    n_pad, d_in = x_pad.shape
    grid = n_pad // rb
    return pl.pallas_call(
        _z_kernel,
        grid=(grid,),
        in_specs=[
            pl.BlockSpec((rb, d_in), lambda i: (i, 0)),
            pl.BlockSpec((d_in, 128), lambda i: (0, 0)),
            pl.BlockSpec((NC, n_pad), lambda i: (0, 0)),
        ],
        out_specs=pl.BlockSpec((rb, 128), lambda i: (i, 0)),
        out_shape=jax.ShapeDtypeStruct((n_pad, 128), jnp.float32),
    )(x_pad, w_cat, deg2)


def _out_kernel(agg_ref, z_ref, deg_ref, b_ref, out_ref):
    dv = deg_ref[:, 0] + deg_ref[:, 1] + 1.0
    dinv = lax.rsqrt(dv)
    ssum = agg_ref[0] + z_ref[...]
    if agg_ref.shape[0] == 2:
        ssum = ssum + agg_ref[1]
    out_ref[...] = ssum * dinv[:, None] + b_ref[...]


def _tc_out(agg2, z, deg2, b_cat, n, rb, single):
    grid = n // rb
    fc = 1 - SLOW_C
    agg_spec = (pl.BlockSpec((1, rb, 128), lambda i: (fc, i, 0)) if single
                else pl.BlockSpec((NC, rb, 128), lambda i: (0, i, 0)))
    return pl.pallas_call(
        _out_kernel,
        grid=(grid,),
        in_specs=[
            agg_spec,
            pl.BlockSpec((rb, 128), lambda i: (i, 0)),
            pl.BlockSpec((rb, NC), lambda i: (i, 0)),
            pl.BlockSpec((1, 128), lambda i: (0, 0)),
        ],
        out_specs=pl.BlockSpec((rb, 128), lambda i: (i, 0)),
        out_shape=jax.ShapeDtypeStruct((n, 128), jnp.float32),
    )(agg2, z, deg2.T, b_cat)


def kernel(x, edge_index, W_mu, b_mu, W_logstd, b_logstd):
    n, d_in = x.shape
    d_out = W_mu.shape[1]
    e = edge_index.shape[1]

    n_pad = ((n + 1 + NS * 64 - 1) // (NS * 64)) * (NS * 64)
    ec = (e + NW * CHUNK - 1) // (NW * CHUNK)
    ec = ((ec + 15) // 16) * 16
    e_pad = ec * NW * CHUNK

    src = edge_index[0].astype(jnp.int32)
    dst = edge_index[1].astype(jnp.int32)
    pad = jnp.full((e_pad - e,), n, dtype=jnp.int32)
    src_p = jnp.concatenate([src, pad]).reshape(NW * ec, CHUNK)
    dst_p = jnp.concatenate([dst, pad]).reshape(NW * ec, CHUNK)

    x_pad = jnp.concatenate(
        [x, jnp.zeros((n_pad - n, d_in), dtype=x.dtype)], axis=0)
    w_cat = jnp.concatenate([W_mu, W_logstd], axis=1)
    b_cat = jnp.concatenate([b_mu, b_logstd]).reshape(1, 2 * d_out)

    rb = n_pad // 16

    rb_out = max(d for d in range(8, 513, 8) if n % d == 0)

    deg2 = _sc_degree(dst_p, n_pad).reshape(NC, n_pad)
    z = _tc_z(x_pad, w_cat, deg2, rb)
    agg2 = _sc_aggregate(z, src_p, dst_p, n_pad)
    out_full = _tc_out(agg2, z, deg2, b_cat, n, rb_out,
                       single=(FAST_FRAC >= 1.0))
    return (out_full[:, :d_out], out_full[:, d_out:])

# --- scband reference (transcript-rebuilt; emitter-appended) ---
"""Pipeline reference for scband-variational-linear-encoder-67551245631644 (READ-ONLY COPY).

The authoritative reference and input builder live on the scoring server;
editing this copy changes nothing except your own understanding.
"""

import jax, jax.numpy as jnp
import numpy as np

N = 10000
E = 320000
D_IN = 128
D_OUT = 64


def setup_inputs(seed: int = 0) -> dict:
    key = jax.random.key(seed)
    k1, k2, k3, k4 = jax.random.split(key, 4)
    x = jax.random.normal(k1, (N, D_IN), dtype=jnp.float32)
    edge_index = jax.random.randint(k2, (2, E), 0, N)
    glorot = float(np.sqrt(2.0 / (D_IN + D_OUT)))
    W_mu = jax.random.normal(k3, (D_IN, D_OUT), dtype=jnp.float32) * glorot
    W_logstd = jax.random.normal(k4, (D_IN, D_OUT), dtype=jnp.float32) * glorot
    b_mu = jnp.zeros((D_OUT,), dtype=jnp.float32)
    b_logstd = jnp.zeros((D_OUT,), dtype=jnp.float32)
    return {"x": x, "edge_index": edge_index, "W_mu": W_mu, "b_mu": b_mu,
            "W_logstd": W_logstd, "b_logstd": b_logstd}


def _gcn_conv(x, src, dst, W, b):
    # PyG GCNConv: add self-loops, symmetric normalization, linear transform,
    # scatter-add aggregation over destination nodes, bias.
    n = x.shape[0]
    xw = x @ W
    loop = jnp.arange(n)
    src_f = jnp.concatenate([src, loop])
    dst_f = jnp.concatenate([dst, loop])
    ew = jnp.ones((src_f.shape[0],), dtype=x.dtype)
    deg = jax.ops.segment_sum(ew, dst_f, num_segments=n)
    dinv = jnp.where(deg > 0, jax.lax.rsqrt(deg), 0.0)
    norm = dinv[src_f] * dinv[dst_f]
    msg = xw[src_f] * norm[:, None]
    out = jax.ops.segment_sum(msg, dst_f, num_segments=n)
    return out + b


def reference(x, edge_index, W_mu, b_mu, W_logstd, b_logstd):
    src = edge_index[0]
    dst = edge_index[1]
    mu = _gcn_conv(x, src, dst, W_mu, b_mu)
    logstd = _gcn_conv(x, src, dst, W_logstd, b_logstd)
    return (mu, logstd)

if __name__ == "__main__":
    import jax
    _d = setup_inputs()
    print(jax.jit(kernel)(*tuple(_d.values())))

</pallas_src>

<mosaic_0001>
#map = affine_map<(d0, d1) -> (0, 0)>
#map1 = affine_map<(d0, d1) -> (0, 0, 0)>
module attributes {stable_mosaic.version = 14 : i64} {
  func.func @_agg_body(%arg0: i32, %arg1: i32, %arg2: memref<10240x128xf32, #tpu.memory_space<hbm>>, %arg3: memref<5120x64xi32, #tpu.memory_space<hbm>>, %arg4: memref<5120x64xi32, #tpu.memory_space<hbm>>, %arg5: memref<2x10240x128xf32, #tpu.memory_space<hbm>>, %arg6: memref<72x64xi32, #tpu.memory_space<vmem>>, %arg7: memref<72x64xi32, #tpu.memory_space<vmem>>, %arg8: memref<64x128xf32, #tpu.memory_space<vmem>>, %arg9: memref<64x128xf32, #tpu.memory_space<vmem>>, %arg10: memref<1x64xi32, #tpu.memory_space<vmem>>, %arg11: memref<10240x128xf32, #tpu.memory_space<vmem_shared>>, %arg12: memref<!tpu.dma_semaphore, #tpu.memory_space<semaphore_mem>>, %arg13: memref<!tpu.dma_semaphore, #tpu.memory_space<semaphore_mem>>) attributes {dimension_semantics = [#tpu.dimension_semantics<core_parallel>, #tpu.dimension_semantics<subcore_parallel>], iteration_bounds = array<i64: 2, 16>, scalar_prefetch = 0 : i64, scratch_operands = 8 : i64, tpu.core_type = #tpu.core_type<sc_vector_subcore>, window_params = [{transform_indices = #map}, {transform_indices = #map}, {transform_indices = #map}, {transform_indices = #map1}]} {
    %eq3A = arith.constant 0 : i32
    %eq3A_0 = arith.cmpi eq, %arg0, %eq3A : i32
    %convert_element_type3A = arith.extui %eq3A_0 : i1 to i32
    %cond3A = arith.constant 0 : i32
    %cond3A_1 = arith.cmpi ne, %convert_element_type3A, %cond3A : i32
    scf.if %cond3A_1 {
      %mul3A = arith.constant 32 : i32
      %mul3A_6 = arith.muli %arg1, %mul3A : i32
      %add3A = arith.constant 4608 : i32
      %add3A_7 = arith.addi %add3A, %mul3A_6 : i32
      %scan3A = arith.constant 0 : i32
      %scan3A_8 = arith.constant 64 : i32
      %scan3A_9 = arith.addi %scan3A, %scan3A_8 : i32
      %scan3A_10 = arith.constant 1 : i32
      scf.for %scan3A_58 = %scan3A to %scan3A_9 step %scan3A_10  : i32 {
        %scan3A_59 = arith.constant 0 : i32
        %scan3A_60 = arith.constant 8 : i32
        %scan3A_61 = arith.addi %scan3A_59, %scan3A_60 : i32
        %scan3A_62 = arith.constant 1 : i32
        scf.for %scan3A_64 = %scan3A_59 to %scan3A_61 step %scan3A_62  : i32 {
          %broadcast_in_dim3A = arith.constant 0.000000e+00 : f32
          %broadcast_in_dim3A_65 = vector.broadcast %broadcast_in_dim3A : f32 to vector<16xf32>
          %mul3A_66 = arith.constant 16 : i32
          %mul3A_67 = arith.muli %scan3A_64, %mul3A_66 : i32
          %swap3A = arith.index_cast %scan3A_58 : i32 to index
          %swap3A_68 = arith.index_cast %mul3A_67 : i32 to index
          %swap3A_69 = tpu.vector_load %arg8[%swap3A, %swap3A_68] {strides = array<i32>} : memref<64x128xf32, #tpu.memory_space<vmem>>, vector<1x16xf32>,
          %swap3A_70 = vector.shape_cast %swap3A_69 : vector<1x16xf32> to vector<16xf32>
          %swap3A_71 = vector.shape_cast %broadcast_in_dim3A_65 : vector<16xf32> to vector<1x16xf32>
          tpu.vector_store %arg8[%swap3A, %swap3A_68], %swap3A_71 {strides = array<i32>} : memref<64x128xf32, #tpu.memory_space<vmem>>, vector<1x16xf32>,
        }
        %scan3A_63 = arith.constant 8 : i32
      }
      %scan3A_11 = arith.constant 64 : i32
      %scan3A_12 = arith.constant 0 : i32
      %scan3A_13 = arith.constant 10 : i32
      %scan3A_14 = arith.addi %scan3A_12, %scan3A_13 : i32
      %scan3A_15 = arith.constant 1 : i32
      scf.for %scan3A_58 = %scan3A_12 to %scan3A_14 step %scan3A_15  : i32 {
        %mul3A_59 = arith.constant 640 : i32
        %mul3A_60 = arith.muli %arg1, %mul3A_59 : i32
        %mul3A_61 = arith.constant 64 : i32
        %mul3A_62 = arith.muli %scan3A_58, %mul3A_61 : i32
        %add3A_63 = arith.addi %mul3A_60, %mul3A_62 : i32
        %iota3A = tpu.iota {dimensions = array<i32: 0>} : vector<16xi32>
        %add3A_64 = arith.constant 0 : i32
        %add3A_65 = arith.addi %add3A_63, %add3A_64 : i32
        %add3A_66 = vector.broadcast %add3A_65 : i32 to vector<16xi32>
        %add3A_67 = arith.addi %iota3A, %add3A_66 : vector<16xi32>
        %swap3A = arith.constant 0 : i32
        %swap3A_68 = arith.index_cast %swap3A : i32 to index
        %swap3A_69 = arith.constant 0 : index
        %swap3A_70 = tpu.vector_load %arg10[%swap3A_68, %swap3A_69] {strides = array<i32>} : memref<1x64xi32, #tpu.memory_space<vmem>>, vector<1x16xi32>,
        %swap3A_71 = vector.shape_cast %swap3A_70 : vector<1x16xi32> to vector<16xi32>
        %swap3A_72 = vector.shape_cast %add3A_67 : vector<16xi32> to vector<1x16xi32>
        tpu.vector_store %arg10[%swap3A_68, %swap3A_69], %swap3A_72 {strides = array<i32>} : memref<1x64xi32, #tpu.memory_space<vmem>>, vector<1x16xi32>,
        %iota3A_73 = tpu.iota {dimensions = array<i32: 0>} : vector<16xi32>
        %add3A_74 = arith.constant 16 : i32
        %add3A_75 = arith.addi %add3A_63, %add3A_74 : i32
        %add3A_76 = vector.broadcast %add3A_75 : i32 to vector<16xi32>
        %add3A_77 = arith.addi %iota3A_73, %add3A_76 : vector<16xi32>
        %swap3A_78 = arith.constant 0 : i32
        %swap3A_79 = arith.index_cast %swap3A_78 : i32 to index
        %swap3A_80 = arith.constant 16 : index
        %swap3A_81 = tpu.vector_load %arg10[%swap3A_79, %swap3A_80] {strides = array<i32>} : memref<1x64xi32, #tpu.memory_space<vmem>>, vector<1x16xi32>,
        %swap3A_82 = vector.shape_cast %swap3A_81 : vector<1x16xi32> to vector<16xi32>
        %swap3A_83 = vector.shape_cast %add3A_77 : vector<16xi32> to vector<1x16xi32>
        tpu.vector_store %arg10[%swap3A_79, %swap3A_80], %swap3A_83 {strides = array<i32>} : memref<1x64xi32, #tpu.memory_space<vmem>>, vector<1x16xi32>,
        %iota3A_84 = tpu.iota {dimensions = array<i32: 0>} : vector<16xi32>
        %add3A_85 = arith.constant 32 : i32
        %add3A_86 = arith.addi %add3A_63, %add3A_85 : i32
        %add3A_87 = vector.broadcast %add3A_86 : i32 to vector<16xi32>
        %add3A_88 = arith.addi %iota3A_84, %add3A_87 : vector<16xi32>
        %swap3A_89 = arith.constant 0 : i32
        %swap3A_90 = arith.index_cast %swap3A_89 : i32 to index
        %swap3A_91 = arith.constant 32 : index
        %swap3A_92 = tpu.vector_load %arg10[%swap3A_90, %swap3A_91] {strides = array<i32>} : memref<1x64xi32, #tpu.memory_space<vmem>>, vector<1x16xi32>,
        %swap3A_93 = vector.shape_cast %swap3A_92 : vector<1x16xi32> to vector<16xi32>
        %swap3A_94 = vector.shape_cast %add3A_88 : vector<16xi32> to vector<1x16xi32>
        tpu.vector_store %arg10[%swap3A_90, %swap3A_91], %swap3A_94 {strides = array<i32>} : memref<1x64xi32, #tpu.memory_space<vmem>>, vector<1x16xi32>,
        %iota3A_95 = tpu.iota {dimensions = array<i32: 0>} : vector<16xi32>
        %add3A_96 = arith.constant 48 : i32
        %add3A_97 = arith.addi %add3A_63, %add3A_96 : i32
        %add3A_98 = vector.broadcast %add3A_97 : i32 to vector<16xi32>
        %add3A_99 = arith.addi %iota3A_95, %add3A_98 : vector<16xi32>
        %swap3A_100 = arith.constant 0 : i32
        %swap3A_101 = arith.index_cast %swap3A_100 : i32 to index
        %swap3A_102 = arith.constant 48 : index
        %swap3A_103 = tpu.vector_load %arg10[%swap3A_101, %swap3A_102] {strides = array<i32>} : memref<1x64xi32, #tpu.memory_space<vmem>>, vector<1x16xi32>,
        %swap3A_104 = vector.shape_cast %swap3A_103 : vector<1x16xi32> to vector<16xi32>
        %swap3A_105 = vector.shape_cast %add3A_99 : vector<16xi32> to vector<1x16xi32>
        tpu.vector_store %arg10[%swap3A_101, %swap3A_102], %swap3A_105 {strides = array<i32>} : memref<1x64xi32, #tpu.memory_space<vmem>>, vector<1x16xi32>,
        %run_scoped3A = arith.constant 0 : i32
        "tpu.region"() ({
          %run_scoped3A_106 = tpu.sem_alloc : memref<!tpu.dma_semaphore, #tpu.memory_space<semaphore_mem>>
          %dma_start3A_107 = arith.constant 0 : i32
          %dma_start3A_108 = tpu.memref_slice %arg10[%run_scoped3A, %dma_start3A_107] : memref<1x64xi32, #tpu.memory_space<vmem>> -> memref<1x64xi32, #tpu.memory_space<vmem>>
          %dma_start3A_109 = tpu.memref_squeeze %dma_start3A_108 : memref<1x64xi32, #tpu.memory_space<vmem>> -> memref<64xi32, #tpu.memory_space<vmem>>
          %dma_start3A_110 = arith.constant 0 : i32
          %dma_start3A_111 = arith.constant 0 : i32
          %dma_start3A_112 = tpu.memref_slice %arg11[%dma_start3A_110, %dma_start3A_111] : memref<10240x128xf32, #tpu.memory_space<vmem_shared>> -> memref<10240x128xf32, #tpu.memory_space<vmem_shared>>
          tpu.enqueue_indirect_dma source(%arg8 : memref<64x128xf32, #tpu.memory_space<vmem>>) target(%dma_start3A_112 : memref<10240x128xf32, #tpu.memory_space<vmem_shared>>) offsets(%dma_start3A_109 : memref<64xi32, #tpu.memory_space<vmem>>) semaphore(%run_scoped3A_106 : memref<!tpu.dma_semaphore, #tpu.memory_space<semaphore_mem>>)
          %dma_wait3A_113 = arith.constant 0 : i32
          %dma_wait3A_114 = tpu.memref_slice %arg10[%run_scoped3A, %dma_wait3A_113] : memref<1x64xi32, #tpu.memory_space<vmem>> -> memref<1x64xi32, #tpu.memory_space<vmem>>
          %dma_wait3A_115 = tpu.memref_squeeze %dma_wait3A_114 : memref<1x64xi32, #tpu.memory_space<vmem>> -> memref<64xi32, #tpu.memory_space<vmem>>
          %dma_wait3A_116 = arith.constant 0 : i32
          %dma_wait3A_117 = arith.constant 0 : i32
          %dma_wait3A_118 = tpu.memref_slice %arg11[%dma_wait3A_116, %dma_wait3A_117] : memref<10240x128xf32, #tpu.memory_space<vmem_shared>> -> memref<10240x128xf32, #tpu.memory_space<vmem_shared>>
          tpu.wait_indirect_dma semaphore(%run_scoped3A_106 : memref<!tpu.dma_semaphore, #tpu.memory_space<semaphore_mem>>) src(%arg8 : memref<64x128xf32, #tpu.memory_space<vmem>>) dst(%dma_wait3A_118 : memref<10240x128xf32, #tpu.memory_space<vmem_shared>>)
          tpu.yield
        }) : () -> ()
      }
      %scan3A_16 = arith.constant 10 : i32
      %barrier3A = arith.constant 0 : index
      tpu.barrier barrier_id(%barrier3A)
      %add3A_17 = arith.constant 0 : i32
      %add3A_18 = arith.addi %add3A_7, %add3A_17 : i32
      "tpu.region"() ({
        %run_scoped3A = tpu.sem_alloc : memref<!tpu.dma_semaphore, #tpu.memory_space<semaphore_mem>>
        %dma_start3A_58 = arith.constant 0 : i32
        %dma_start3A_59 = arith.constant 0 : i32
        %dma_start3A_60 = tpu.memref_slice %arg6[%dma_start3A_58, %dma_start3A_59] : memref<72x64xi32, #tpu.memory_space<vmem>> -> memref<32x64xi32, #tpu.memory_space<vmem>>
        %dma_start3A_61 = arith.constant 0 : i32
        %dma_start3A_62 = tpu.memref_slice %arg3[%add3A_18, %dma_start3A_61] : memref<5120x64xi32, #tpu.memory_space<hbm>> -> memref<32x64xi32, #tpu.memory_space<hbm>>
        %dma_start3A_63 = arith.constant 0 : i32
        %dma_start3A_64 = arith.constant 0 : i32
        %dma_start3A_65 = tpu.memref_slice %arg6[%dma_start3A_63, %dma_start3A_64] : memref<72x64xi32, #tpu.memory_space<vmem>> -> memref<32x64xi32, #tpu.memory_space<vmem>>
        %dma_start3A_66 = arith.constant 0 : i32
        %dma_start3A_67 = tpu.memref_slice %arg3[%add3A_18, %dma_start3A_66] : memref<5120x64xi32, #tpu.memory_space<hbm>> -> memref<32x64xi32, #tpu.memory_space<hbm>>
        tpu.enqueue_dma source(%dma_start3A_67 : memref<32x64xi32, #tpu.memory_space<hbm>>) target(%dma_start3A_65 : memref<32x64xi32, #tpu.memory_space<vmem>>) target_semaphore(%run_scoped3A : memref<!tpu.dma_semaphore, #tpu.memory_space<semaphore_mem>>)
        %dma_wait3A_68 = arith.constant 0 : i32
        %dma_wait3A_69 = arith.constant 0 : i32
        %dma_wait3A_70 = tpu.memref_slice %arg6[%dma_wait3A_68, %dma_wait3A_69] : memref<72x64xi32, #tpu.memory_space<vmem>> -> memref<32x64xi32, #tpu.memory_space<vmem>>
        %dma_wait3A_71 = arith.constant 0 : i32
        %dma_wait3A_72 = tpu.memref_slice %arg3[%add3A_18, %dma_wait3A_71] : memref<5120x64xi32, #tpu.memory_space<hbm>> -> memref<32x64xi32, #tpu.memory_space<hbm>>
        %dma_wait3A_73 = arith.constant 0 : i32
        %dma_wait3A_74 = arith.constant 0 : i32
        %dma_wait3A_75 = tpu.memref_slice %arg6[%dma_wait3A_73, %dma_wait3A_74] : memref<72x64xi32, #tpu.memory_space<vmem>> -> memref<32x64xi32, #tpu.memory_space<vmem>>
        %dma_wait3A_76 = arith.constant 0 : i32
        %dma_wait3A_77 = tpu.memref_slice %arg3[%add3A_18, %dma_wait3A_76] : memref<5120x64xi32, #tpu.memory_space<hbm>> -> memref<32x64xi32, #tpu.memory_space<hbm>>
        tpu.wait_dma2 semaphore(%run_scoped3A : memref<!tpu.dma_semaphore, #tpu.memory_space<semaphore_mem>>) src(%dma_wait3A_77 : memref<32x64xi32, #tpu.memory_space<hbm>>) dst(%dma_wait3A_75 : memref<32x64xi32, #tpu.memory_space<vmem>>)
        tpu.yield
      }) : () -> ()
      "tpu.region"() ({
        %run_scoped3A = tpu.sem_alloc : memref<!tpu.dma_semaphore, #tpu.memory_space<semaphore_mem>>
        %dma_start3A_58 = arith.constant 0 : i32
        %dma_start3A_59 = arith.constant 0 : i32
        %dma_start3A_60 = tpu.memref_slice %arg7[%dma_start3A_58, %dma_start3A_59] : memref<72x64xi32, #tpu.memory_space<vmem>> -> memref<32x64xi32, #tpu.memory_space<vmem>>
        %dma_start3A_61 = arith.constant 0 : i32
        %dma_start3A_62 = tpu.memref_slice %arg4[%add3A_18, %dma_start3A_61] : memref<5120x64xi32, #tpu.memory_space<hbm>> -> memref<32x64xi32, #tpu.memory_space<hbm>>
        %dma_start3A_63 = arith.constant 0 : i32
        %dma_start3A_64 = arith.constant 0 : i32
        %dma_start3A_65 = tpu.memref_slice %arg7[%dma_start3A_63, %dma_start3A_64] : memref<72x64xi32, #tpu.memory_space<vmem>> -> memref<32x64xi32, #tpu.memory_space<vmem>>
        %dma_start3A_66 = arith.constant 0 : i32
        %dma_start3A_67 = tpu.memref_slice %arg4[%add3A_18, %dma_start3A_66] : memref<5120x64xi32, #tpu.memory_space<hbm>> -> memref<32x64xi32, #tpu.memory_space<hbm>>
        tpu.enqueue_dma source(%dma_start3A_67 : memref<32x64xi32, #tpu.memory_space<hbm>>) target(%dma_start3A_65 : memref<32x64xi32, #tpu.memory_space<vmem>>) target_semaphore(%run_scoped3A : memref<!tpu.dma_semaphore, #tpu.memory_space<semaphore_mem>>)
        %dma_wait3A_68 = arith.constant 0 : i32
        %dma_wait3A_69 = arith.constant 0 : i32
        %dma_wait3A_70 = tpu.memref_slice %arg7[%dma_wait3A_68, %dma_wait3A_69] : memref<72x64xi32, #tpu.memory_space<vmem>> -> memref<32x64xi32, #tpu.memory_space<vmem>>
        %dma_wait3A_71 = arith.constant 0 : i32
        %dma_wait3A_72 = tpu.memref_slice %arg4[%add3A_18, %dma_wait3A_71] : memref<5120x64xi32, #tpu.memory_space<hbm>> -> memref<32x64xi32, #tpu.memory_space<hbm>>
        %dma_wait3A_73 = arith.constant 0 : i32
        %dma_wait3A_74 = arith.constant 0 : i32
        %dma_wait3A_75 = tpu.memref_slice %arg7[%dma_wait3A_73, %dma_wait3A_74] : memref<72x64xi32, #tpu.memory_space<vmem>> -> memref<32x64xi32, #tpu.memory_space<vmem>>
        %dma_wait3A_76 = arith.constant 0 : i32
        %dma_wait3A_77 = tpu.memref_slice %arg4[%add3A_18, %dma_wait3A_76] : memref<5120x64xi32, #tpu.memory_space<hbm>> -> memref<32x64xi32, #tpu.memory_space<hbm>>
        tpu.wait_dma2 semaphore(%run_scoped3A : memref<!tpu.dma_semaphore, #tpu.memory_space<semaphore_mem>>) src(%dma_wait3A_77 : memref<32x64xi32, #tpu.memory_space<hbm>>) dst(%dma_wait3A_75 : memref<32x64xi32, #tpu.memory_space<vmem>>)
        tpu.yield
      }) : () -> ()
      %dma_start3A = arith.constant 0 : i32
      %dma_start3A_19 = arith.constant 0 : i32
      %dma_start3A_20 = tpu.memref_slice %arg6[%dma_start3A, %dma_start3A_19] : memref<72x64xi32, #tpu.memory_space<vmem>> -> memref<1x64xi32, #tpu.memory_space<vmem>>
      %dma_start3A_21 = tpu.memref_squeeze %dma_start3A_20 : memref<1x64xi32, #tpu.memory_space<vmem>> -> memref<64xi32, #tpu.memory_space<vmem>>
      %dma_start3A_22 = arith.constant 0 : i32
      %dma_start3A_23 = arith.constant 0 : i32
      %dma_start3A_24 = tpu.memref_slice %arg2[%dma_start3A_22, %dma_start3A_23] : memref<10240x128xf32, #tpu.memory_space<hbm>> -> memref<10240x128xf32, #tpu.memory_space<hbm>>
      tpu.enqueue_indirect_dma source(%dma_start3A_24 : memref<10240x128xf32, #tpu.memory_space<hbm>>) target(%arg8 : memref<64x128xf32, #tpu.memory_space<vmem>>) offsets(%dma_start3A_21 : memref<64xi32, #tpu.memory_space<vmem>>) semaphore(%arg12 : memref<!tpu.dma_semaphore, #tpu.memory_space<semaphore_mem>>)
      %dma_start3A_25 = arith.constant 1 : i32
      %dma_start3A_26 = arith.constant 0 : i32
      %dma_start3A_27 = tpu.memref_slice %arg6[%dma_start3A_25, %dma_start3A_26] : memref<72x64xi32, #tpu.memory_space<vmem>> -> memref<1x64xi32, #tpu.memory_space<vmem>>
      %dma_start3A_28 = tpu.memref_squeeze %dma_start3A_27 : memref<1x64xi32, #tpu.memory_space<vmem>> -> memref<64xi32, #tpu.memory_space<vmem>>
      %dma_start3A_29 = arith.constant 0 : i32
      %dma_start3A_30 = arith.constant 0 : i32
      %dma_start3A_31 = tpu.memref_slice %arg2[%dma_start3A_29, %dma_start3A_30] : memref<10240x128xf32, #tpu.memory_space<hbm>> -> memref<10240x128xf32, #tpu.memory_space<hbm>>
      tpu.enqueue_indirect_dma source(%dma_start3A_31 : memref<10240x128xf32, #tpu.memory_space<hbm>>) target(%arg9 : memref<64x128xf32, #tpu.memory_space<vmem>>) offsets(%dma_start3A_28 : memref<64xi32, #tpu.memory_space<vmem>>) semaphore(%arg13 : memref<!tpu.dma_semaphore, #tpu.memory_space<semaphore_mem>>)
      %scan3A_32 = arith.constant 0 : i32
      %scan3A_33 = arith.constant 16 : i32
      %scan3A_34 = arith.addi %scan3A_32, %scan3A_33 : i32
      %scan3A_35 = arith.constant 1 : i32
      scf.for %scan3A_58 = %scan3A_32 to %scan3A_34 step %scan3A_35  : i32 {
        %mul3A_59 = arith.constant 2 : i32
        %mul3A_60 = arith.muli %mul3A_59, %scan3A_58 : i32
        %add3A_61 = arith.constant 0 : i32
        %add3A_62 = arith.addi %mul3A_60, %add3A_61 : i32
        %dma_wait3A_63 = arith.constant 0 : i32
        %dma_wait3A_64 = tpu.memref_slice %arg6[%add3A_62, %dma_wait3A_63] : memref<72x64xi32, #tpu.memory_space<vmem>> -> memref<1x64xi32, #tpu.memory_space<vmem>>
        %dma_wait3A_65 = tpu.memref_squeeze %dma_wait3A_64 : memref<1x64xi32, #tpu.memory_space<vmem>> -> memref<64xi32, #tpu.memory_space<vmem>>
        %dma_wait3A_66 = arith.constant 0 : i32
        %dma_wait3A_67 = arith.constant 0 : i32
        %dma_wait3A_68 = tpu.memref_slice %arg2[%dma_wait3A_66, %dma_wait3A_67] : memref<10240x128xf32, #tpu.memory_space<hbm>> -> memref<10240x128xf32, #tpu.memory_space<hbm>>
        tpu.wait_indirect_dma semaphore(%arg12 : memref<!tpu.dma_semaphore, #tpu.memory_space<semaphore_mem>>) src(%dma_wait3A_68 : memref<10240x128xf32, #tpu.memory_space<hbm>>) dst(%arg8 : memref<64x128xf32, #tpu.memory_space<vmem>>)
        "tpu.region"() ({
          %run_scoped3A = tpu.sem_alloc : memref<!tpu.dma_semaphore, #tpu.memory_space<semaphore_mem>>
          %dma_start3A_92 = arith.constant 0 : i32
          %dma_start3A_93 = tpu.memref_slice %arg7[%add3A_62, %dma_start3A_92] : memref<72x64xi32, #tpu.memory_space<vmem>> -> memref<1x64xi32, #tpu.memory_space<vmem>>
          %dma_start3A_94 = tpu.memref_squeeze %dma_start3A_93 : memref<1x64xi32, #tpu.memory_space<vmem>> -> memref<64xi32, #tpu.memory_space<vmem>>
          %dma_start3A_95 = arith.constant 0 : i32
          %dma_start3A_96 = arith.constant 0 : i32
          %dma_start3A_97 = tpu.memref_slice %arg11[%dma_start3A_95, %dma_start3A_96] : memref<10240x128xf32, #tpu.memory_space<vmem_shared>> -> memref<10240x128xf32, #tpu.memory_space<vmem_shared>>
          tpu.enqueue_indirect_dma source(%arg8 : memref<64x128xf32, #tpu.memory_space<vmem>>) target(%dma_start3A_97 : memref<10240x128xf32, #tpu.memory_space<vmem_shared>>) offsets(%dma_start3A_94 : memref<64xi32, #tpu.memory_space<vmem>>) semaphore(%run_scoped3A : memref<!tpu.dma_semaphore, #tpu.memory_space<semaphore_mem>>) {add = true}
          %dma_wait3A_98 = arith.constant 0 : i32
          %dma_wait3A_99 = tpu.memref_slice %arg7[%add3A_62, %dma_wait3A_98] : memref<72x64xi32, #tpu.memory_space<vmem>> -> memref<1x64xi32, #tpu.memory_space<vmem>>
          %dma_wait3A_100 = tpu.memref_squeeze %dma_wait3A_99 : memref<1x64xi32, #tpu.memory_space<vmem>> -> memref<64xi32, #tpu.memory_space<vmem>>
          %dma_wait3A_101 = arith.constant 0 : i32
          %dma_wait3A_102 = arith.constant 0 : i32
          %dma_wait3A_103 = tpu.memref_slice %arg11[%dma_wait3A_101, %dma_wait3A_102] : memref<10240x128xf32, #tpu.memory_space<vmem_shared>> -> memref<10240x128xf32, #tpu.memory_space<vmem_shared>>
          tpu.wait_indirect_dma semaphore(%run_scoped3A : memref<!tpu.dma_semaphore, #tpu.memory_space<semaphore_mem>>) src(%arg8 : memref<64x128xf32, #tpu.memory_space<vmem>>) dst(%dma_wait3A_103 : memref<10240x128xf32, #tpu.memory_space<vmem_shared>>)
          tpu.yield
        }) : () -> ()
        %add3A_69 = arith.constant 2 : i32
        %add3A_70 = arith.addi %add3A_62, %add3A_69 : i32
        %lt3A = arith.constant 32 : i32
        %lt3A_71 = arith.cmpi slt, %add3A_70, %lt3A : i32
        %convert_element_type3A_72 = arith.extui %lt3A_71 : i1 to i32
        %cond3A_73 = arith.constant 0 : i32
        %cond3A_74 = arith.cmpi ne, %convert_element_type3A_72, %cond3A_73 : i32
        scf.if %cond3A_74 {
          %add3A_92 = arith.constant 2 : i32
          %add3A_93 = arith.addi %add3A_62, %add3A_92 : i32
          %dma_start3A_94 = arith.constant 0 : i32
          %dma_start3A_95 = tpu.memref_slice %arg6[%add3A_93, %dma_start3A_94] : memref<72x64xi32, #tpu.memory_space<vmem>> -> memref<1x64xi32, #tpu.memory_space<vmem>>
          %dma_start3A_96 = tpu.memref_squeeze %dma_start3A_95 : memref<1x64xi32, #tpu.memory_space<vmem>> -> memref<64xi32, #tpu.memory_space<vmem>>
          %dma_start3A_97 = arith.constant 0 : i32
          %dma_start3A_98 = arith.constant 0 : i32
          %dma_start3A_99 = tpu.memref_slice %arg2[%dma_start3A_97, %dma_start3A_98] : memref<10240x128xf32, #tpu.memory_space<hbm>> -> memref<10240x128xf32, #tpu.memory_space<hbm>>
          tpu.enqueue_indirect_dma source(%dma_start3A_99 : memref<10240x128xf32, #tpu.memory_space<hbm>>) target(%arg8 : memref<64x128xf32, #tpu.memory_space<vmem>>) offsets(%dma_start3A_96 : memref<64xi32, #tpu.memory_space<vmem>>) semaphore(%arg12 : memref<!tpu.dma_semaphore, #tpu.memory_space<semaphore_mem>>)
        } else {
        }
        %mul3A_75 = arith.constant 2 : i32
        %mul3A_76 = arith.muli %mul3A_75, %scan3A_58 : i32
        %add3A_77 = arith.constant 1 : i32
        %add3A_78 = arith.addi %mul3A_76, %add3A_77 : i32
        %dma_wait3A_79 = arith.constant 0 : i32
        %dma_wait3A_80 = tpu.memref_slice %arg6[%add3A_78, %dma_wait3A_79] : memref<72x64xi32, #tpu.memory_space<vmem>> -> memref<1x64xi32, #tpu.memory_space<vmem>>
        %dma_wait3A_81 = tpu.memref_squeeze %dma_wait3A_80 : memref<1x64xi32, #tpu.memory_space<vmem>> -> memref<64xi32, #tpu.memory_space<vmem>>
        %dma_wait3A_82 = arith.constant 0 : i32
        %dma_wait3A_83 = arith.constant 0 : i32
        %dma_wait3A_84 = tpu.memref_slice %arg2[%dma_wait3A_82, %dma_wait3A_83] : memref<10240x128xf32, #tpu.memory_space<hbm>> -> memref<10240x128xf32, #tpu.memory_space<hbm>>
        tpu.wait_indirect_dma semaphore(%arg13 : memref<!tpu.dma_semaphore, #tpu.memory_space<semaphore_mem>>) src(%dma_wait3A_84 : memref<10240x128xf32, #tpu.memory_space<hbm>>) dst(%arg9 : memref<64x128xf32, #tpu.memory_space<vmem>>)
        "tpu.region"() ({
          %run_scoped3A = tpu.sem_alloc : memref<!tpu.dma_semaphore, #tpu.memory_space<semaphore_mem>>
          %dma_start3A_92 = arith.constant 0 : i32
          %dma_start3A_93 = tpu.memref_slice %arg7[%add3A_78, %dma_start3A_92] : memref<72x64xi32, #tpu.memory_space<vmem>> -> memref<1x64xi32, #tpu.memory_space<vmem>>
          %dma_start3A_94 = tpu.memref_squeeze %dma_start3A_93 : memref<1x64xi32, #tpu.memory_space<vmem>> -> memref<64xi32, #tpu.memory_space<vmem>>
          %dma_start3A_95 = arith.constant 0 : i32
          %dma_start3A_96 = arith.constant 0 : i32
          %dma_start3A_97 = tpu.memref_slice %arg11[%dma_start3A_95, %dma_start3A_96] : memref<10240x128xf32, #tpu.memory_space<vmem_shared>> -> memref<10240x128xf32, #tpu.memory_space<vmem_shared>>
          tpu.enqueue_indirect_dma source(%arg9 : memref<64x128xf32, #tpu.memory_space<vmem>>) target(%dma_start3A_97 : memref<10240x128xf32, #tpu.memory_space<vmem_shared>>) offsets(%dma_start3A_94 : memref<64xi32, #tpu.memory_space<vmem>>) semaphore(%run_scoped3A : memref<!tpu.dma_semaphore, #tpu.memory_space<semaphore_mem>>) {add = true}
          %dma_wait3A_98 = arith.constant 0 : i32
          %dma_wait3A_99 = tpu.memref_slice %arg7[%add3A_78, %dma_wait3A_98] : memref<72x64xi32, #tpu.memory_space<vmem>> -> memref<1x64xi32, #tpu.memory_space<vmem>>
          %dma_wait3A_100 = tpu.memref_squeeze %dma_wait3A_99 : memref<1x64xi32, #tpu.memory_space<vmem>> -> memref<64xi32, #tpu.memory_space<vmem>>
          %dma_wait3A_101 = arith.constant 0 : i32
          %dma_wait3A_102 = arith.constant 0 : i32
          %dma_wait3A_103 = tpu.memref_slice %arg11[%dma_wait3A_101, %dma_wait3A_102] : memref<10240x128xf32, #tpu.memory_space<vmem_shared>> -> memref<10240x128xf32, #tpu.memory_space<vmem_shared>>
          tpu.wait_indirect_dma semaphore(%run_scoped3A : memref<!tpu.dma_semaphore, #tpu.memory_space<semaphore_mem>>) src(%arg9 : memref<64x128xf32, #tpu.memory_space<vmem>>) dst(%dma_wait3A_103 : memref<10240x128xf32, #tpu.memory_space<vmem_shared>>)
          tpu.yield
        }) : () -> ()
        %add3A_85 = arith.constant 2 : i32
        %add3A_86 = arith.addi %add3A_78, %add3A_85 : i32
        %lt3A_87 = arith.constant 32 : i32
        %lt3A_88 = arith.cmpi slt, %add3A_86, %lt3A_87 : i32
        %convert_element_type3A_89 = arith.extui %lt3A_88 : i1 to i32
        %cond3A_90 = arith.constant 0 : i32
        %cond3A_91 = arith.cmpi ne, %convert_element_type3A_89, %cond3A_90 : i32
        scf.if %cond3A_91 {
          %add3A_92 = arith.constant 2 : i32
          %add3A_93 = arith.addi %add3A_78, %add3A_92 : i32
          %dma_start3A_94 = arith.constant 0 : i32
          %dma_start3A_95 = tpu.memref_slice %arg6[%add3A_93, %dma_start3A_94] : memref<72x64xi32, #tpu.memory_space<vmem>> -> memref<1x64xi32, #tpu.memory_space<vmem>>
          %dma_start3A_96 = tpu.memref_squeeze %dma_start3A_95 : memref<1x64xi32, #tpu.memory_space<vmem>> -> memref<64xi32, #tpu.memory_space<vmem>>
          %dma_start3A_97 = arith.constant 0 : i32
          %dma_start3A_98 = arith.constant 0 : i32
          %dma_start3A_99 = tpu.memref_slice %arg2[%dma_start3A_97, %dma_start3A_98] : memref<10240x128xf32, #tpu.memory_space<hbm>> -> memref<10240x128xf32, #tpu.memory_space<hbm>>
          tpu.enqueue_indirect_dma source(%dma_start3A_99 : memref<10240x128xf32, #tpu.memory_space<hbm>>) target(%arg9 : memref<64x128xf32, #tpu.memory_space<vmem>>) offsets(%dma_start3A_96 : memref<64xi32, #tpu.memory_space<vmem>>) semaphore(%arg13 : memref<!tpu.dma_semaphore, #tpu.memory_space<semaphore_mem>>)
        } else {
        }
      }
      %scan3A_36 = arith.constant 16 : i32
      %barrier3A_37 = arith.constant 0 : index
      tpu.barrier barrier_id(%barrier3A_37)
      %scan3A_38 = arith.constant 0 : i32
      %scan3A_39 = arith.constant 5 : i32
      %scan3A_40 = arith.addi %scan3A_38, %scan3A_39 : i32
      %scan3A_41 = arith.constant 1 : i32
      scf.for %scan3A_58 = %scan3A_38 to %scan3A_40 step %scan3A_41  : i32 {
        %mul3A_59 = arith.constant 2 : i32
        %mul3A_60 = arith.muli %mul3A_59, %scan3A_58 : i32
        %add3A_61 = arith.constant 0 : i32
        %add3A_62 = arith.addi %mul3A_60, %add3A_61 : i32
        %mul3A_63 = arith.constant 640 : i32
        %mul3A_64 = arith.muli %arg1, %mul3A_63 : i32
        %mul3A_65 = arith.constant 64 : i32
        %mul3A_66 = arith.muli %add3A_62, %mul3A_65 : i32
        %add3A_67 = arith.addi %mul3A_64, %mul3A_66 : i32
        %ge3A = arith.constant 2 : i32
        %ge3A_68 = arith.cmpi sge, %add3A_62, %ge3A : i32
        %convert_element_type3A_69 = arith.extui %ge3A_68 : i1 to i32
        %cond3A_70 = arith.constant 0 : i32
        %cond3A_71 = arith.cmpi ne, %convert_element_type3A_69, %cond3A_70 : i32
        scf.if %cond3A_71 {
          %mul3A_98 = arith.constant 640 : i32
          %mul3A_99 = arith.muli %arg1, %mul3A_98 : i32
          %dma_wait3A_100 = arith.constant 0 : i32
          %dma_wait3A_101 = tpu.memref_slice %arg5[%arg0, %mul3A_99, %dma_wait3A_100] : memref<2x10240x128xf32, #tpu.memory_space<hbm>> -> memref<1x64x128xf32, #tpu.memory_space<hbm>>
          %dma_wait3A_102 = tpu.memref_squeeze %dma_wait3A_101 : memref<1x64x128xf32, #tpu.memory_space<hbm>> -> memref<64x128xf32, #tpu.memory_space<hbm>>
          %dma_wait3A_103 = arith.constant 0 : i32
          %dma_wait3A_104 = tpu.memref_slice %arg5[%arg0, %mul3A_99, %dma_wait3A_103] : memref<2x10240x128xf32, #tpu.memory_space<hbm>> -> memref<1x64x128xf32, #tpu.memory_space<hbm>>
          %dma_wait3A_105 = tpu.memref_squeeze %dma_wait3A_104 : memref<1x64x128xf32, #tpu.memory_space<hbm>> -> memref<64x128xf32, #tpu.memory_space<hbm>>
          tpu.wait_dma2 semaphore(%arg12 : memref<!tpu.dma_semaphore, #tpu.memory_space<semaphore_mem>>) src(%arg8 : memref<64x128xf32, #tpu.memory_space<vmem>>) dst(%dma_wait3A_105 : memref<64x128xf32, #tpu.memory_space<hbm>>)
        } else {
        }
        "tpu.region"() ({
          %run_scoped3A = tpu.sem_alloc : memref<!tpu.dma_semaphore, #tpu.memory_space<semaphore_mem>>
          %dma_start3A_98 = arith.constant 0 : i32
          %dma_start3A_99 = tpu.memref_slice %arg11[%add3A_67, %dma_start3A_98] : memref<10240x128xf32, #tpu.memory_space<vmem_shared>> -> memref<64x128xf32, #tpu.memory_space<vmem_shared>>
          %dma_start3A_100 = arith.constant 0 : i32
          %dma_start3A_101 = tpu.memref_slice %arg11[%add3A_67, %dma_start3A_100] : memref<10240x128xf32, #tpu.memory_space<vmem_shared>> -> memref<64x128xf32, #tpu.memory_space<vmem_shared>>
          tpu.enqueue_dma source(%dma_start3A_101 : memref<64x128xf32, #tpu.memory_space<vmem_shared>>) target(%arg8 : memref<64x128xf32, #tpu.memory_space<vmem>>) target_semaphore(%run_scoped3A : memref<!tpu.dma_semaphore, #tpu.memory_space<semaphore_mem>>)
          %dma_wait3A_102 = arith.constant 0 : i32
          %dma_wait3A_103 = tpu.memref_slice %arg11[%add3A_67, %dma_wait3A_102] : memref<10240x128xf32, #tpu.memory_space<vmem_shared>> -> memref<64x128xf32, #tpu.memory_space<vmem_shared>>
          %dma_wait3A_104 = arith.constant 0 : i32
          %dma_wait3A_105 = tpu.memref_slice %arg11[%add3A_67, %dma_wait3A_104] : memref<10240x128xf32, #tpu.memory_space<vmem_shared>> -> memref<64x128xf32, #tpu.memory_space<vmem_shared>>
          tpu.wait_dma2 semaphore(%run_scoped3A : memref<!tpu.dma_semaphore, #tpu.memory_space<semaphore_mem>>) src(%dma_wait3A_105 : memref<64x128xf32, #tpu.memory_space<vmem_shared>>) dst(%arg8 : memref<64x128xf32, #tpu.memory_space<vmem>>)
          tpu.yield
        }) : () -> ()
        %dma_start3A_72 = arith.constant 0 : i32
        %dma_start3A_73 = tpu.memref_slice %arg5[%arg0, %add3A_67, %dma_start3A_72] : memref<2x10240x128xf32, #tpu.memory_space<hbm>> -> memref<1x64x128xf32, #tpu.memory_space<hbm>>
        %dma_start3A_74 = tpu.memref_squeeze %dma_start3A_73 : memref<1x64x128xf32, #tpu.memory_space<hbm>> -> memref<64x128xf32, #tpu.memory_space<hbm>>
        %dma_start3A_75 = arith.constant 0 : i32
        %dma_start3A_76 = tpu.memref_slice %arg5[%arg0, %add3A_67, %dma_start3A_75] : memref<2x10240x128xf32, #tpu.memory_space<hbm>> -> memref<1x64x128xf32, #tpu.memory_space<hbm>>
        %dma_start3A_77 = tpu.memref_squeeze %dma_start3A_76 : memref<1x64x128xf32, #tpu.memory_space<hbm>> -> memref<64x128xf32, #tpu.memory_space<hbm>>
        tpu.enqueue_dma source(%arg8 : memref<64x128xf32, #tpu.memory_space<vmem>>) target(%dma_start3A_77 : memref<64x128xf32, #tpu.memory_space<hbm>>) target_semaphore(%arg12 : memref<!tpu.dma_semaphore, #tpu.memory_space<semaphore_mem>>)
        %mul3A_78 = arith.constant 2 : i32
        %mul3A_79 = arith.muli %mul3A_78, %scan3A_58 : i32
        %add3A_80 = arith.constant 1 : i32
        %add3A_81 = arith.addi %mul3A_79, %add3A_80 : i32
        %mul3A_82 = arith.constant 640 : i32
        %mul3A_83 = arith.muli %arg1, %mul3A_82 : i32
        %mul3A_84 = arith.constant 64 : i32
        %mul3A_85 = arith.muli %add3A_81, %mul3A_84 : i32
        %add3A_86 = arith.addi %mul3A_83, %mul3A_85 : i32
        %ge3A_87 = arith.constant 2 : i32
        %ge3A_88 = arith.cmpi sge, %add3A_81, %ge3A_87 : i32
        %convert_element_type3A_89 = arith.extui %ge3A_88 : i1 to i32
        %cond3A_90 = arith.constant 0 : i32
        %cond3A_91 = arith.cmpi ne, %convert_element_type3A_89, %cond3A_90 : i32
        scf.if %cond3A_91 {
          %mul3A_98 = arith.constant 640 : i32
          %mul3A_99 = arith.muli %arg1, %mul3A_98 : i32
          %dma_wait3A_100 = arith.constant 0 : i32
          %dma_wait3A_101 = tpu.memref_slice %arg5[%arg0, %mul3A_99, %dma_wait3A_100] : memref<2x10240x128xf32, #tpu.memory_space<hbm>> -> memref<1x64x128xf32, #tpu.memory_space<hbm>>
          %dma_wait3A_102 = tpu.memref_squeeze %dma_wait3A_101 : memref<1x64x128xf32, #tpu.memory_space<hbm>> -> memref<64x128xf32, #tpu.memory_space<hbm>>
          %dma_wait3A_103 = arith.constant 0 : i32
          %dma_wait3A_104 = tpu.memref_slice %arg5[%arg0, %mul3A_99, %dma_wait3A_103] : memref<2x10240x128xf32, #tpu.memory_space<hbm>> -> memref<1x64x128xf32, #tpu.memory_space<hbm>>
          %dma_wait3A_105 = tpu.memref_squeeze %dma_wait3A_104 : memref<1x64x128xf32, #tpu.memory_space<hbm>> -> memref<64x128xf32, #tpu.memory_space<hbm>>
          tpu.wait_dma2 semaphore(%arg13 : memref<!tpu.dma_semaphore, #tpu.memory_space<semaphore_mem>>) src(%arg9 : memref<64x128xf32, #tpu.memory_space<vmem>>) dst(%dma_wait3A_105 : memref<64x128xf32, #tpu.memory_space<hbm>>)
        } else {
        }
        "tpu.region"() ({
          %run_scoped3A = tpu.sem_alloc : memref<!tpu.dma_semaphore, #tpu.memory_space<semaphore_mem>>
          %dma_start3A_98 = arith.constant 0 : i32
          %dma_start3A_99 = tpu.memref_slice %arg11[%add3A_86, %dma_start3A_98] : memref<10240x128xf32, #tpu.memory_space<vmem_shared>> -> memref<64x128xf32, #tpu.memory_space<vmem_shared>>
          %dma_start3A_100 = arith.constant 0 : i32
          %dma_start3A_101 = tpu.memref_slice %arg11[%add3A_86, %dma_start3A_100] : memref<10240x128xf32, #tpu.memory_space<vmem_shared>> -> memref<64x128xf32, #tpu.memory_space<vmem_shared>>
          tpu.enqueue_dma source(%dma_start3A_101 : memref<64x128xf32, #tpu.memory_space<vmem_shared>>) target(%arg9 : memref<64x128xf32, #tpu.memory_space<vmem>>) target_semaphore(%run_scoped3A : memref<!tpu.dma_semaphore, #tpu.memory_space<semaphore_mem>>)
          %dma_wait3A_102 = arith.constant 0 : i32
          %dma_wait3A_103 = tpu.memref_slice %arg11[%add3A_86, %dma_wait3A_102] : memref<10240x128xf32, #tpu.memory_space<vmem_shared>> -> memref<64x128xf32, #tpu.memory_space<vmem_shared>>
          %dma_wait3A_104 = arith.constant 0 : i32
          %dma_wait3A_105 = tpu.memref_slice %arg11[%add3A_86, %dma_wait3A_104] : memref<10240x128xf32, #tpu.memory_space<vmem_shared>> -> memref<64x128xf32, #tpu.memory_space<vmem_shared>>
          tpu.wait_dma2 semaphore(%run_scoped3A : memref<!tpu.dma_semaphore, #tpu.memory_space<semaphore_mem>>) src(%dma_wait3A_105 : memref<64x128xf32, #tpu.memory_space<vmem_shared>>) dst(%arg9 : memref<64x128xf32, #tpu.memory_space<vmem>>)
          tpu.yield
        }) : () -> ()
        %dma_start3A_92 = arith.constant 0 : i32
        %dma_start3A_93 = tpu.memref_slice %arg5[%arg0, %add3A_86, %dma_start3A_92] : memref<2x10240x128xf32, #tpu.memory_space<hbm>> -> memref<1x64x128xf32, #tpu.memory_space<hbm>>
        %dma_start3A_94 = tpu.memref_squeeze %dma_start3A_93 : memref<1x64x128xf32, #tpu.memory_space<hbm>> -> memref<64x128xf32, #tpu.memory_space<hbm>>
        %dma_start3A_95 = arith.constant 0 : i32
        %dma_start3A_96 = tpu.memref_slice %arg5[%arg0, %add3A_86, %dma_start3A_95] : memref<2x10240x128xf32, #tpu.memory_space<hbm>> -> memref<1x64x128xf32, #tpu.memory_space<hbm>>
        %dma_start3A_97 = tpu.memref_squeeze %dma_start3A_96 : memref<1x64x128xf32, #tpu.memory_space<hbm>> -> memref<64x128xf32, #tpu.memory_space<hbm>>
        tpu.enqueue_dma source(%arg9 : memref<64x128xf32, #tpu.memory_space<vmem>>) target(%dma_start3A_97 : memref<64x128xf32, #tpu.memory_space<hbm>>) target_semaphore(%arg13 : memref<!tpu.dma_semaphore, #tpu.memory_space<semaphore_mem>>)
      }
      %scan3A_42 = arith.constant 5 : i32
      %mul3A_43 = arith.constant 640 : i32
      %mul3A_44 = arith.muli %arg1, %mul3A_43 : i32
      %dma_wait3A = arith.constant 0 : i32
      %dma_wait3A_45 = tpu.memref_slice %arg5[%arg0, %mul3A_44, %dma_wait3A] : memref<2x10240x128xf32, #tpu.memory_space<hbm>> -> memref<1x64x128xf32, #tpu.memory_space<hbm>>
      %dma_wait3A_46 = tpu.memref_squeeze %dma_wait3A_45 : memref<1x64x128xf32, #tpu.memory_space<hbm>> -> memref<64x128xf32, #tpu.memory_space<hbm>>
      %dma_wait3A_47 = arith.constant 0 : i32
      %dma_wait3A_48 = tpu.memref_slice %arg5[%arg0, %mul3A_44, %dma_wait3A_47] : memref<2x10240x128xf32, #tpu.memory_space<hbm>> -> memref<1x64x128xf32, #tpu.memory_space<hbm>>
      %dma_wait3A_49 = tpu.memref_squeeze %dma_wait3A_48 : memref<1x64x128xf32, #tpu.memory_space<hbm>> -> memref<64x128xf32, #tpu.memory_space<hbm>>
      tpu.wait_dma2 semaphore(%arg12 : memref<!tpu.dma_semaphore, #tpu.memory_space<semaphore_mem>>) src(%arg8 : memref<64x128xf32, #tpu.memory_space<vmem>>) dst(%dma_wait3A_49 : memref<64x128xf32, #tpu.memory_space<hbm>>)
      %mul3A_50 = arith.constant 640 : i32
      %mul3A_51 = arith.muli %arg1, %mul3A_50 : i32
      %dma_wait3A_52 = arith.constant 0 : i32
      %dma_wait3A_53 = tpu.memref_slice %arg5[%arg0, %mul3A_51, %dma_wait3A_52] : memref<2x10240x128xf32, #tpu.memory_space<hbm>> -> memref<1x64x128xf32, #tpu.memory_space<hbm>>
      %dma_wait3A_54 = tpu.memref_squeeze %dma_wait3A_53 : memref<1x64x128xf32, #tpu.memory_space<hbm>> -> memref<64x128xf32, #tpu.memory_space<hbm>>
      %dma_wait3A_55 = arith.constant 0 : i32
      %dma_wait3A_56 = tpu.memref_slice %arg5[%arg0, %mul3A_51, %dma_wait3A_55] : memref<2x10240x128xf32, #tpu.memory_space<hbm>> -> memref<1x64x128xf32, #tpu.memory_space<hbm>>
      %dma_wait3A_57 = tpu.memref_squeeze %dma_wait3A_56 : memref<1x64x128xf32, #tpu.memory_space<hbm>> -> memref<64x128xf32, #tpu.memory_space<hbm>>
      tpu.wait_dma2 semaphore(%arg13 : memref<!tpu.dma_semaphore, #tpu.memory_space<semaphore_mem>>) src(%arg9 : memref<64x128xf32, #tpu.memory_space<vmem>>) dst(%dma_wait3A_57 : memref<64x128xf32, #tpu.memory_space<hbm>>)
    } else {
    }
    %ne3A = arith.constant 0 : i32
    %ne3A_2 = arith.cmpi ne, %arg0, %ne3A : i32
    %convert_element_type3A_3 = arith.extui %ne3A_2 : i1 to i32
    %cond3A_4 = arith.constant 0 : i32
    %cond3A_5 = arith.cmpi ne, %convert_element_type3A_3, %cond3A_4 : i32
    scf.if %cond3A_5 {
      %mul3A = arith.constant 288 : i32
      %mul3A_6 = arith.muli %arg1, %mul3A : i32
      %scan3A = arith.constant 0 : i32
      %scan3A_7 = arith.constant 64 : i32
      %scan3A_8 = arith.addi %scan3A, %scan3A_7 : i32
      %scan3A_9 = arith.constant 1 : i32
      scf.for %scan3A_119 = %scan3A to %scan3A_8 step %scan3A_9  : i32 {
        %scan3A_120 = arith.constant 0 : i32
        %scan3A_121 = arith.constant 8 : i32
        %scan3A_122 = arith.addi %scan3A_120, %scan3A_121 : i32
        %scan3A_123 = arith.constant 1 : i32
        scf.for %scan3A_125 = %scan3A_120 to %scan3A_122 step %scan3A_123  : i32 {
          %broadcast_in_dim3A = arith.constant 0.000000e+00 : f32
          %broadcast_in_dim3A_126 = vector.broadcast %broadcast_in_dim3A : f32 to vector<16xf32>
          %mul3A_127 = arith.constant 16 : i32
          %mul3A_128 = arith.muli %scan3A_125, %mul3A_127 : i32
          %swap3A = arith.index_cast %scan3A_119 : i32 to index
          %swap3A_129 = arith.index_cast %mul3A_128 : i32 to index
          %swap3A_130 = tpu.vector_load %arg8[%swap3A, %swap3A_129] {strides = array<i32>} : memref<64x128xf32, #tpu.memory_space<vmem>>, vector<1x16xf32>,
          %swap3A_131 = vector.shape_cast %swap3A_130 : vector<1x16xf32> to vector<16xf32>
          %swap3A_132 = vector.shape_cast %broadcast_in_dim3A_126 : vector<16xf32> to vector<1x16xf32>
          tpu.vector_store %arg8[%swap3A, %swap3A_129], %swap3A_132 {strides = array<i32>} : memref<64x128xf32, #tpu.memory_space<vmem>>, vector<1x16xf32>,
        }
        %scan3A_124 = arith.constant 8 : i32
      }
      %scan3A_10 = arith.constant 64 : i32
      %scan3A_11 = arith.constant 0 : i32
      %scan3A_12 = arith.constant 10 : i32
      %scan3A_13 = arith.addi %scan3A_11, %scan3A_12 : i32
      %scan3A_14 = arith.constant 1 : i32
      scf.for %scan3A_119 = %scan3A_11 to %scan3A_13 step %scan3A_14  : i32 {
        %mul3A_120 = arith.constant 640 : i32
        %mul3A_121 = arith.muli %arg1, %mul3A_120 : i32
        %mul3A_122 = arith.constant 64 : i32
        %mul3A_123 = arith.muli %scan3A_119, %mul3A_122 : i32
        %add3A_124 = arith.addi %mul3A_121, %mul3A_123 : i32
        %iota3A = tpu.iota {dimensions = array<i32: 0>} : vector<16xi32>
        %add3A_125 = arith.constant 0 : i32
        %add3A_126 = arith.addi %add3A_124, %add3A_125 : i32
        %add3A_127 = vector.broadcast %add3A_126 : i32 to vector<16xi32>
        %add3A_128 = arith.addi %iota3A, %add3A_127 : vector<16xi32>
        %swap3A = arith.constant 0 : i32
        %swap3A_129 = arith.index_cast %swap3A : i32 to index
        %swap3A_130 = arith.constant 0 : index
        %swap3A_131 = tpu.vector_load %arg10[%swap3A_129, %swap3A_130] {strides = array<i32>} : memref<1x64xi32, #tpu.memory_space<vmem>>, vector<1x16xi32>,
        %swap3A_132 = vector.shape_cast %swap3A_131 : vector<1x16xi32> to vector<16xi32>
        %swap3A_133 = vector.shape_cast %add3A_128 : vector<16xi32> to vector<1x16xi32>
        tpu.vector_store %arg10[%swap3A_129, %swap3A_130], %swap3A_133 {strides = array<i32>} : memref<1x64xi32, #tpu.memory_space<vmem>>, vector<1x16xi32>,
        %iota3A_134 = tpu.iota {dimensions = array<i32: 0>} : vector<16xi32>
        %add3A_135 = arith.constant 16 : i32
        %add3A_136 = arith.addi %add3A_124, %add3A_135 : i32
        %add3A_137 = vector.broadcast %add3A_136 : i32 to vector<16xi32>
        %add3A_138 = arith.addi %iota3A_134, %add3A_137 : vector<16xi32>
        %swap3A_139 = arith.constant 0 : i32
        %swap3A_140 = arith.index_cast %swap3A_139 : i32 to index
        %swap3A_141 = arith.constant 16 : index
        %swap3A_142 = tpu.vector_load %arg10[%swap3A_140, %swap3A_141] {strides = array<i32>} : memref<1x64xi32, #tpu.memory_space<vmem>>, vector<1x16xi32>,
        %swap3A_143 = vector.shape_cast %swap3A_142 : vector<1x16xi32> to vector<16xi32>
        %swap3A_144 = vector.shape_cast %add3A_138 : vector<16xi32> to vector<1x16xi32>
        tpu.vector_store %arg10[%swap3A_140, %swap3A_141], %swap3A_144 {strides = array<i32>} : memref<1x64xi32, #tpu.memory_space<vmem>>, vector<1x16xi32>,
        %iota3A_145 = tpu.iota {dimensions = array<i32: 0>} : vector<16xi32>
        %add3A_146 = arith.constant 32 : i32
        %add3A_147 = arith.addi %add3A_124, %add3A_146 : i32
        %add3A_148 = vector.broadcast %add3A_147 : i32 to vector<16xi32>
        %add3A_149 = arith.addi %iota3A_145, %add3A_148 : vector<16xi32>
        %swap3A_150 = arith.constant 0 : i32
        %swap3A_151 = arith.index_cast %swap3A_150 : i32 to index
        %swap3A_152 = arith.constant 32 : index
        %swap3A_153 = tpu.vector_load %arg10[%swap3A_151, %swap3A_152] {strides = array<i32>} : memref<1x64xi32, #tpu.memory_space<vmem>>, vector<1x16xi32>,
        %swap3A_154 = vector.shape_cast %swap3A_153 : vector<1x16xi32> to vector<16xi32>
        %swap3A_155 = vector.shape_cast %add3A_149 : vector<16xi32> to vector<1x16xi32>
        tpu.vector_store %arg10[%swap3A_151, %swap3A_152], %swap3A_155 {strides = array<i32>} : memref<1x64xi32, #tpu.memory_space<vmem>>, vector<1x16xi32>,
        %iota3A_156 = tpu.iota {dimensions = array<i32: 0>} : vector<16xi32>
        %add3A_157 = arith.constant 48 : i32
        %add3A_158 = arith.addi %add3A_124, %add3A_157 : i32
        %add3A_159 = vector.broadcast %add3A_158 : i32 to vector<16xi32>
        %add3A_160 = arith.addi %iota3A_156, %add3A_159 : vector<16xi32>
        %swap3A_161 = arith.constant 0 : i32
        %swap3A_162 = arith.index_cast %swap3A_161 : i32 to index
        %swap3A_163 = arith.constant 48 : index
        %swap3A_164 = tpu.vector_load %arg10[%swap3A_162, %swap3A_163] {strides = array<i32>} : memref<1x64xi32, #tpu.memory_space<vmem>>, vector<1x16xi32>,
        %swap3A_165 = vector.shape_cast %swap3A_164 : vector<1x16xi32> to vector<16xi32>
        %swap3A_166 = vector.shape_cast %add3A_160 : vector<16xi32> to vector<1x16xi32>
        tpu.vector_store %arg10[%swap3A_162, %swap3A_163], %swap3A_166 {strides = array<i32>} : memref<1x64xi32, #tpu.memory_space<vmem>>, vector<1x16xi32>,
        %run_scoped3A = arith.constant 0 : i32
        "tpu.region"() ({
          %run_scoped3A_167 = tpu.sem_alloc : memref<!tpu.dma_semaphore, #tpu.memory_space<semaphore_mem>>
          %dma_start3A_168 = arith.constant 0 : i32
          %dma_start3A_169 = tpu.memref_slice %arg10[%run_scoped3A, %dma_start3A_168] : memref<1x64xi32, #tpu.memory_space<vmem>> -> memref<1x64xi32, #tpu.memory_space<vmem>>
          %dma_start3A_170 = tpu.memref_squeeze %dma_start3A_169 : memref<1x64xi32, #tpu.memory_space<vmem>> -> memref<64xi32, #tpu.memory_space<vmem>>
          %dma_start3A_171 = arith.constant 0 : i32
          %dma_start3A_172 = arith.constant 0 : i32
          %dma_start3A_173 = tpu.memref_slice %arg11[%dma_start3A_171, %dma_start3A_172] : memref<10240x128xf32, #tpu.memory_space<vmem_shared>> -> memref<10240x128xf32, #tpu.memory_space<vmem_shared>>
          tpu.enqueue_indirect_dma source(%arg8 : memref<64x128xf32, #tpu.memory_space<vmem>>) target(%dma_start3A_173 : memref<10240x128xf32, #tpu.memory_space<vmem_shared>>) offsets(%dma_start3A_170 : memref<64xi32, #tpu.memory_space<vmem>>) semaphore(%run_scoped3A_167 : memref<!tpu.dma_semaphore, #tpu.memory_space<semaphore_mem>>)
          %dma_wait3A_174 = arith.constant 0 : i32
          %dma_wait3A_175 = tpu.memref_slice %arg10[%run_scoped3A, %dma_wait3A_174] : memref<1x64xi32, #tpu.memory_space<vmem>> -> memref<1x64xi32, #tpu.memory_space<vmem>>
          %dma_wait3A_176 = tpu.memref_squeeze %dma_wait3A_175 : memref<1x64xi32, #tpu.memory_space<vmem>> -> memref<64xi32, #tpu.memory_space<vmem>>
          %dma_wait3A_177 = arith.constant 0 : i32
          %dma_wait3A_178 = arith.constant 0 : i32
          %dma_wait3A_179 = tpu.memref_slice %arg11[%dma_wait3A_177, %dma_wait3A_178] : memref<10240x128xf32, #tpu.memory_space<vmem_shared>> -> memref<10240x128xf32, #tpu.memory_space<vmem_shared>>
          tpu.wait_indirect_dma semaphore(%run_scoped3A_167 : memref<!tpu.dma_semaphore, #tpu.memory_space<semaphore_mem>>) src(%arg8 : memref<64x128xf32, #tpu.memory_space<vmem>>) dst(%dma_wait3A_179 : memref<10240x128xf32, #tpu.memory_space<vmem_shared>>)
          tpu.yield
        }) : () -> ()
      }
      %scan3A_15 = arith.constant 10 : i32
      %barrier3A = arith.constant 0 : index
      tpu.barrier barrier_id(%barrier3A)
      %add3A = arith.constant 0 : i32
      %add3A_16 = arith.addi %mul3A_6, %add3A : i32
      "tpu.region"() ({
        %run_scoped3A = tpu.sem_alloc : memref<!tpu.dma_semaphore, #tpu.memory_space<semaphore_mem>>
        %dma_start3A_119 = arith.constant 0 : i32
        %dma_start3A_120 = arith.constant 0 : i32
        %dma_start3A_121 = tpu.memref_slice %arg6[%dma_start3A_119, %dma_start3A_120] : memref<72x64xi32, #tpu.memory_space<vmem>> -> memref<72x64xi32, #tpu.memory_space<vmem>>
        %dma_start3A_122 = arith.constant 0 : i32
        %dma_start3A_123 = tpu.memref_slice %arg3[%add3A_16, %dma_start3A_122] : memref<5120x64xi32, #tpu.memory_space<hbm>> -> memref<72x64xi32, #tpu.memory_space<hbm>>
        %dma_start3A_124 = arith.constant 0 : i32
        %dma_start3A_125 = arith.constant 0 : i32
        %dma_start3A_126 = tpu.memref_slice %arg6[%dma_start3A_124, %dma_start3A_125] : memref<72x64xi32, #tpu.memory_space<vmem>> -> memref<72x64xi32, #tpu.memory_space<vmem>>
        %dma_start3A_127 = arith.constant 0 : i32
        %dma_start3A_128 = tpu.memref_slice %arg3[%add3A_16, %dma_start3A_127] : memref<5120x64xi32, #tpu.memory_space<hbm>> -> memref<72x64xi32, #tpu.memory_space<hbm>>
        tpu.enqueue_dma source(%dma_start3A_128 : memref<72x64xi32, #tpu.memory_space<hbm>>) target(%dma_start3A_126 : memref<72x64xi32, #tpu.memory_space<vmem>>) target_semaphore(%run_scoped3A : memref<!tpu.dma_semaphore, #tpu.memory_space<semaphore_mem>>)
        %dma_wait3A_129 = arith.constant 0 : i32
        %dma_wait3A_130 = arith.constant 0 : i32
        %dma_wait3A_131 = tpu.memref_slice %arg6[%dma_wait3A_129, %dma_wait3A_130] : memref<72x64xi32, #tpu.memory_space<vmem>> -> memref<72x64xi32, #tpu.memory_space<vmem>>
        %dma_wait3A_132 = arith.constant 0 : i32
        %dma_wait3A_133 = tpu.memref_slice %arg3[%add3A_16, %dma_wait3A_132] : memref<5120x64xi32, #tpu.memory_space<hbm>> -> memref<72x64xi32, #tpu.memory_space<hbm>>
        %dma_wait3A_134 = arith.constant 0 : i32
        %dma_wait3A_135 = arith.constant 0 : i32
        %dma_wait3A_136 = tpu.memref_slice %arg6[%dma_wait3A_134, %dma_wait3A_135] : memref<72x64xi32, #tpu.memory_space<vmem>> -> memref<72x64xi32, #tpu.memory_space<vmem>>
        %dma_wait3A_137 = arith.constant 0 : i32
        %dma_wait3A_138 = tpu.memref_slice %arg3[%add3A_16, %dma_wait3A_137] : memref<5120x64xi32, #tpu.memory_space<hbm>> -> memref<72x64xi32, #tpu.memory_space<hbm>>
        tpu.wait_dma2 semaphore(%run_scoped3A : memref<!tpu.dma_semaphore, #tpu.memory_space<semaphore_mem>>) src(%dma_wait3A_138 : memref<72x64xi32, #tpu.memory_space<hbm>>) dst(%dma_wait3A_136 : memref<72x64xi32, #tpu.memory_space<vmem>>)
        tpu.yield
      }) : () -> ()
      "tpu.region"() ({
        %run_scoped3A = tpu.sem_alloc : memref<!tpu.dma_semaphore, #tpu.memory_space<semaphore_mem>>
        %dma_start3A_119 = arith.constant 0 : i32
        %dma_start3A_120 = arith.constant 0 : i32
        %dma_start3A_121 = tpu.memref_slice %arg7[%dma_start3A_119, %dma_start3A_120] : memref<72x64xi32, #tpu.memory_space<vmem>> -> memref<72x64xi32, #tpu.memory_space<vmem>>
        %dma_start3A_122 = arith.constant 0 : i32
        %dma_start3A_123 = tpu.memref_slice %arg4[%add3A_16, %dma_start3A_122] : memref<5120x64xi32, #tpu.memory_space<hbm>> -> memref<72x64xi32, #tpu.memory_space<hbm>>
        %dma_start3A_124 = arith.constant 0 : i32
        %dma_start3A_125 = arith.constant 0 : i32
        %dma_start3A_126 = tpu.memref_slice %arg7[%dma_start3A_124, %dma_start3A_125] : memref<72x64xi32, #tpu.memory_space<vmem>> -> memref<72x64xi32, #tpu.memory_space<vmem>>
        %dma_start3A_127 = arith.constant 0 : i32
        %dma_start3A_128 = tpu.memref_slice %arg4[%add3A_16, %dma_start3A_127] : memref<5120x64xi32, #tpu.memory_space<hbm>> -> memref<72x64xi32, #tpu.memory_space<hbm>>
        tpu.enqueue_dma source(%dma_start3A_128 : memref<72x64xi32, #tpu.memory_space<hbm>>) target(%dma_start3A_126 : memref<72x64xi32, #tpu.memory_space<vmem>>) target_semaphore(%run_scoped3A : memref<!tpu.dma_semaphore, #tpu.memory_space<semaphore_mem>>)
        %dma_wait3A_129 = arith.constant 0 : i32
        %dma_wait3A_130 = arith.constant 0 : i32
        %dma_wait3A_131 = tpu.memref_slice %arg7[%dma_wait3A_129, %dma_wait3A_130] : memref<72x64xi32, #tpu.memory_space<vmem>> -> memref<72x64xi32, #tpu.memory_space<vmem>>
        %dma_wait3A_132 = arith.constant 0 : i32
        %dma_wait3A_133 = tpu.memref_slice %arg4[%add3A_16, %dma_wait3A_132] : memref<5120x64xi32, #tpu.memory_space<hbm>> -> memref<72x64xi32, #tpu.memory_space<hbm>>
        %dma_wait3A_134 = arith.constant 0 : i32
        %dma_wait3A_135 = arith.constant 0 : i32
        %dma_wait3A_136 = tpu.memref_slice %arg7[%dma_wait3A_134, %dma_wait3A_135] : memref<72x64xi32, #tpu.memory_space<vmem>> -> memref<72x64xi32, #tpu.memory_space<vmem>>
        %dma_wait3A_137 = arith.constant 0 : i32
        %dma_wait3A_138 = tpu.memref_slice %arg4[%add3A_16, %dma_wait3A_137] : memref<5120x64xi32, #tpu.memory_space<hbm>> -> memref<72x64xi32, #tpu.memory_space<hbm>>
        tpu.wait_dma2 semaphore(%run_scoped3A : memref<!tpu.dma_semaphore, #tpu.memory_space<semaphore_mem>>) src(%dma_wait3A_138 : memref<72x64xi32, #tpu.memory_space<hbm>>) dst(%dma_wait3A_136 : memref<72x64xi32, #tpu.memory_space<vmem>>)
        tpu.yield
      }) : () -> ()
      %dma_start3A = arith.constant 0 : i32
      %dma_start3A_17 = arith.constant 0 : i32
      %dma_start3A_18 = tpu.memref_slice %arg6[%dma_start3A, %dma_start3A_17] : memref<72x64xi32, #tpu.memory_space<vmem>> -> memref<1x64xi32, #tpu.memory_space<vmem>>
      %dma_start3A_19 = tpu.memref_squeeze %dma_start3A_18 : memref<1x64xi32, #tpu.memory_space<vmem>> -> memref<64xi32, #tpu.memory_space<vmem>>
      %dma_start3A_20 = arith.constant 0 : i32
      %dma_start3A_21 = arith.constant 0 : i32
      %dma_start3A_22 = tpu.memref_slice %arg2[%dma_start3A_20, %dma_start3A_21] : memref<10240x128xf32, #tpu.memory_space<hbm>> -> memref<10240x128xf32, #tpu.memory_space<hbm>>
      tpu.enqueue_indirect_dma source(%dma_start3A_22 : memref<10240x128xf32, #tpu.memory_space<hbm>>) target(%arg8 : memref<64x128xf32, #tpu.memory_space<vmem>>) offsets(%dma_start3A_19 : memref<64xi32, #tpu.memory_space<vmem>>) semaphore(%arg12 : memref<!tpu.dma_semaphore, #tpu.memory_space<semaphore_mem>>)
      %dma_start3A_23 = arith.constant 1 : i32
      %dma_start3A_24 = arith.constant 0 : i32
      %dma_start3A_25 = tpu.memref_slice %arg6[%dma_start3A_23, %dma_start3A_24] : memref<72x64xi32, #tpu.memory_space<vmem>> -> memref<1x64xi32, #tpu.memory_space<vmem>>
      %dma_start3A_26 = tpu.memref_squeeze %dma_start3A_25 : memref<1x64xi32, #tpu.memory_space<vmem>> -> memref<64xi32, #tpu.memory_space<vmem>>
      %dma_start3A_27 = arith.constant 0 : i32
      %dma_start3A_28 = arith.constant 0 : i32
      %dma_start3A_29 = tpu.memref_slice %arg2[%dma_start3A_27, %dma_start3A_28] : memref<10240x128xf32, #tpu.memory_space<hbm>> -> memref<10240x128xf32, #tpu.memory_space<hbm>>
      tpu.enqueue_indirect_dma source(%dma_start3A_29 : memref<10240x128xf32, #tpu.memory_space<hbm>>) target(%arg9 : memref<64x128xf32, #tpu.memory_space<vmem>>) offsets(%dma_start3A_26 : memref<64xi32, #tpu.memory_space<vmem>>) semaphore(%arg13 : memref<!tpu.dma_semaphore, #tpu.memory_space<semaphore_mem>>)
      %scan3A_30 = arith.constant 0 : i32
      %scan3A_31 = arith.constant 36 : i32
      %scan3A_32 = arith.addi %scan3A_30, %scan3A_31 : i32
      %scan3A_33 = arith.constant 1 : i32
      scf.for %scan3A_119 = %scan3A_30 to %scan3A_32 step %scan3A_33  : i32 {
        %mul3A_120 = arith.constant 2 : i32
        %mul3A_121 = arith.muli %mul3A_120, %scan3A_119 : i32
        %add3A_122 = arith.constant 0 : i32
        %add3A_123 = arith.addi %mul3A_121, %add3A_122 : i32
        %dma_wait3A_124 = arith.constant 0 : i32
        %dma_wait3A_125 = tpu.memref_slice %arg6[%add3A_123, %dma_wait3A_124] : memref<72x64xi32, #tpu.memory_space<vmem>> -> memref<1x64xi32, #tpu.memory_space<vmem>>
        %dma_wait3A_126 = tpu.memref_squeeze %dma_wait3A_125 : memref<1x64xi32, #tpu.memory_space<vmem>> -> memref<64xi32, #tpu.memory_space<vmem>>
        %dma_wait3A_127 = arith.constant 0 : i32
        %dma_wait3A_128 = arith.constant 0 : i32
        %dma_wait3A_129 = tpu.memref_slice %arg2[%dma_wait3A_127, %dma_wait3A_128] : memref<10240x128xf32, #tpu.memory_space<hbm>> -> memref<10240x128xf32, #tpu.memory_space<hbm>>
        tpu.wait_indirect_dma semaphore(%arg12 : memref<!tpu.dma_semaphore, #tpu.memory_space<semaphore_mem>>) src(%dma_wait3A_129 : memref<10240x128xf32, #tpu.memory_space<hbm>>) dst(%arg8 : memref<64x128xf32, #tpu.memory_space<vmem>>)
        "tpu.region"() ({
          %run_scoped3A = tpu.sem_alloc : memref<!tpu.dma_semaphore, #tpu.memory_space<semaphore_mem>>
          %dma_start3A_153 = arith.constant 0 : i32
          %dma_start3A_154 = tpu.memref_slice %arg7[%add3A_123, %dma_start3A_153] : memref<72x64xi32, #tpu.memory_space<vmem>> -> memref<1x64xi32, #tpu.memory_space<vmem>>
          %dma_start3A_155 = tpu.memref_squeeze %dma_start3A_154 : memref<1x64xi32, #tpu.memory_space<vmem>> -> memref<64xi32, #tpu.memory_space<vmem>>
          %dma_start3A_156 = arith.constant 0 : i32
          %dma_start3A_157 = arith.constant 0 : i32
          %dma_start3A_158 = tpu.memref_slice %arg11[%dma_start3A_156, %dma_start3A_157] : memref<10240x128xf32, #tpu.memory_space<vmem_shared>> -> memref<10240x128xf32, #tpu.memory_space<vmem_shared>>
          tpu.enqueue_indirect_dma source(%arg8 : memref<64x128xf32, #tpu.memory_space<vmem>>) target(%dma_start3A_158 : memref<10240x128xf32, #tpu.memory_space<vmem_shared>>) offsets(%dma_start3A_155 : memref<64xi32, #tpu.memory_space<vmem>>) semaphore(%run_scoped3A : memref<!tpu.dma_semaphore, #tpu.memory_space<semaphore_mem>>) {add = true}
          %dma_wait3A_159 = arith.constant 0 : i32
          %dma_wait3A_160 = tpu.memref_slice %arg7[%add3A_123, %dma_wait3A_159] : memref<72x64xi32, #tpu.memory_space<vmem>> -> memref<1x64xi32, #tpu.memory_space<vmem>>
          %dma_wait3A_161 = tpu.memref_squeeze %dma_wait3A_160 : memref<1x64xi32, #tpu.memory_space<vmem>> -> memref<64xi32, #tpu.memory_space<vmem>>
          %dma_wait3A_162 = arith.constant 0 : i32
          %dma_wait3A_163 = arith.constant 0 : i32
          %dma_wait3A_164 = tpu.memref_slice %arg11[%dma_wait3A_162, %dma_wait3A_163] : memref<10240x128xf32, #tpu.memory_space<vmem_shared>> -> memref<10240x128xf32, #tpu.memory_space<vmem_shared>>
          tpu.wait_indirect_dma semaphore(%run_scoped3A : memref<!tpu.dma_semaphore, #tpu.memory_space<semaphore_mem>>) src(%arg8 : memref<64x128xf32, #tpu.memory_space<vmem>>) dst(%dma_wait3A_164 : memref<10240x128xf32, #tpu.memory_space<vmem_shared>>)
          tpu.yield
        }) : () -> ()
        %add3A_130 = arith.constant 2 : i32
        %add3A_131 = arith.addi %add3A_123, %add3A_130 : i32
        %lt3A = arith.constant 72 : i32
        %lt3A_132 = arith.cmpi slt, %add3A_131, %lt3A : i32
        %convert_element_type3A_133 = arith.extui %lt3A_132 : i1 to i32
        %cond3A_134 = arith.constant 0 : i32
        %cond3A_135 = arith.cmpi ne, %convert_element_type3A_133, %cond3A_134 : i32
        scf.if %cond3A_135 {
          %add3A_153 = arith.constant 2 : i32
          %add3A_154 = arith.addi %add3A_123, %add3A_153 : i32
          %dma_start3A_155 = arith.constant 0 : i32
          %dma_start3A_156 = tpu.memref_slice %arg6[%add3A_154, %dma_start3A_155] : memref<72x64xi32, #tpu.memory_space<vmem>> -> memref<1x64xi32, #tpu.memory_space<vmem>>
          %dma_start3A_157 = tpu.memref_squeeze %dma_start3A_156 : memref<1x64xi32, #tpu.memory_space<vmem>> -> memref<64xi32, #tpu.memory_space<vmem>>
          %dma_start3A_158 = arith.constant 0 : i32
          %dma_start3A_159 = arith.constant 0 : i32
          %dma_start3A_160 = tpu.memref_slice %arg2[%dma_start3A_158, %dma_start3A_159] : memref<10240x128xf32, #tpu.memory_space<hbm>> -> memref<10240x128xf32, #tpu.memory_space<hbm>>
          tpu.enqueue_indirect_dma source(%dma_start3A_160 : memref<10240x128xf32, #tpu.memory_space<hbm>>) target(%arg8 : memref<64x128xf32, #tpu.memory_space<vmem>>) offsets(%dma_start3A_157 : memref<64xi32, #tpu.memory_space<vmem>>) semaphore(%arg12 : memref<!tpu.dma_semaphore, #tpu.memory_space<semaphore_mem>>)
        } else {
        }
        %mul3A_136 = arith.constant 2 : i32
        %mul3A_137 = arith.muli %mul3A_136, %scan3A_119 : i32
        %add3A_138 = arith.constant 1 : i32
        %add3A_139 = arith.addi %mul3A_137, %add3A_138 : i32
        %dma_wait3A_140 = arith.constant 0 : i32
        %dma_wait3A_141 = tpu.memref_slice %arg6[%add3A_139, %dma_wait3A_140] : memref<72x64xi32, #tpu.memory_space<vmem>> -> memref<1x64xi32, #tpu.memory_space<vmem>>
        %dma_wait3A_142 = tpu.memref_squeeze %dma_wait3A_141 : memref<1x64xi32, #tpu.memory_space<vmem>> -> memref<64xi32, #tpu.memory_space<vmem>>
        %dma_wait3A_143 = arith.constant 0 : i32
        %dma_wait3A_144 = arith.constant 0 : i32
        %dma_wait3A_145 = tpu.memref_slice %arg2[%dma_wait3A_143, %dma_wait3A_144] : memref<10240x128xf32, #tpu.memory_space<hbm>> -> memref<10240x128xf32, #tpu.memory_space<hbm>>
        tpu.wait_indirect_dma semaphore(%arg13 : memref<!tpu.dma_semaphore, #tpu.memory_space<semaphore_mem>>) src(%dma_wait3A_145 : memref<10240x128xf32, #tpu.memory_space<hbm>>) dst(%arg9 : memref<64x128xf32, #tpu.memory_space<vmem>>)
        "tpu.region"() ({
          %run_scoped3A = tpu.sem_alloc : memref<!tpu.dma_semaphore, #tpu.memory_space<semaphore_mem>>
          %dma_start3A_153 = arith.constant 0 : i32
          %dma_start3A_154 = tpu.memref_slice %arg7[%add3A_139, %dma_start3A_153] : memref<72x64xi32, #tpu.memory_space<vmem>> -> memref<1x64xi32, #tpu.memory_space<vmem>>
          %dma_start3A_155 = tpu.memref_squeeze %dma_start3A_154 : memref<1x64xi32, #tpu.memory_space<vmem>> -> memref<64xi32, #tpu.memory_space<vmem>>
          %dma_start3A_156 = arith.constant 0 : i32
          %dma_start3A_157 = arith.constant 0 : i32
          %dma_start3A_158 = tpu.memref_slice %arg11[%dma_start3A_156, %dma_start3A_157] : memref<10240x128xf32, #tpu.memory_space<vmem_shared>> -> memref<10240x128xf32, #tpu.memory_space<vmem_shared>>
          tpu.enqueue_indirect_dma source(%arg9 : memref<64x128xf32, #tpu.memory_space<vmem>>) target(%dma_start3A_158 : memref<10240x128xf32, #tpu.memory_space<vmem_shared>>) offsets(%dma_start3A_155 : memref<64xi32, #tpu.memory_space<vmem>>) semaphore(%run_scoped3A : memref<!tpu.dma_semaphore, #tpu.memory_space<semaphore_mem>>) {add = true}
          %dma_wait3A_159 = arith.constant 0 : i32
          %dma_wait3A_160 = tpu.memref_slice %arg7[%add3A_139, %dma_wait3A_159] : memref<72x64xi32, #tpu.memory_space<vmem>> -> memref<1x64xi32, #tpu.memory_space<vmem>>
          %dma_wait3A_161 = tpu.memref_squeeze %dma_wait3A_160 : memref<1x64xi32, #tpu.memory_space<vmem>> -> memref<64xi32, #tpu.memory_space<vmem>>
          %dma_wait3A_162 = arith.constant 0 : i32
          %dma_wait3A_163 = arith.constant 0 : i32
          %dma_wait3A_164 = tpu.memref_slice %arg11[%dma_wait3A_162, %dma_wait3A_163] : memref<10240x128xf32, #tpu.memory_space<vmem_shared>> -> memref<10240x128xf32, #tpu.memory_space<vmem_shared>>
          tpu.wait_indirect_dma semaphore(%run_scoped3A : memref<!tpu.dma_semaphore, #tpu.memory_space<semaphore_mem>>) src(%arg9 : memref<64x128xf32, #tpu.memory_space<vmem>>) dst(%dma_wait3A_164 : memref<10240x128xf32, #tpu.memory_space<vmem_shared>>)
          tpu.yield
        }) : () -> ()
        %add3A_146 = arith.constant 2 : i32
        %add3A_147 = arith.addi %add3A_139, %add3A_146 : i32
        %lt3A_148 = arith.constant 72 : i32
        %lt3A_149 = arith.cmpi slt, %add3A_147, %lt3A_148 : i32
        %convert_element_type3A_150 = arith.extui %lt3A_149 : i1 to i32
        %cond3A_151 = arith.constant 0 : i32
        %cond3A_152 = arith.cmpi ne, %convert_element_type3A_150, %cond3A_151 : i32
        scf.if %cond3A_152 {
          %add3A_153 = arith.constant 2 : i32
          %add3A_154 = arith.addi %add3A_139, %add3A_153 : i32
          %dma_start3A_155 = arith.constant 0 : i32
          %dma_start3A_156 = tpu.memref_slice %arg6[%add3A_154, %dma_start3A_155] : memref<72x64xi32, #tpu.memory_space<vmem>> -> memref<1x64xi32, #tpu.memory_space<vmem>>
          %dma_start3A_157 = tpu.memref_squeeze %dma_start3A_156 : memref<1x64xi32, #tpu.memory_space<vmem>> -> memref<64xi32, #tpu.memory_space<vmem>>
          %dma_start3A_158 = arith.constant 0 : i32
          %dma_start3A_159 = arith.constant 0 : i32
          %dma_start3A_160 = tpu.memref_slice %arg2[%dma_start3A_158, %dma_start3A_159] : memref<10240x128xf32, #tpu.memory_space<hbm>> -> memref<10240x128xf32, #tpu.memory_space<hbm>>
          tpu.enqueue_indirect_dma source(%dma_start3A_160 : memref<10240x128xf32, #tpu.memory_space<hbm>>) target(%arg9 : memref<64x128xf32, #tpu.memory_space<vmem>>) offsets(%dma_start3A_157 : memref<64xi32, #tpu.memory_space<vmem>>) semaphore(%arg13 : memref<!tpu.dma_semaphore, #tpu.memory_space<semaphore_mem>>)
        } else {
        }
      }
      %scan3A_34 = arith.constant 36 : i32
      %add3A_35 = arith.constant 72 : i32
      %add3A_36 = arith.addi %mul3A_6, %add3A_35 : i32
      "tpu.region"() ({
        %run_scoped3A = tpu.sem_alloc : memref<!tpu.dma_semaphore, #tpu.memory_space<semaphore_mem>>
        %dma_start3A_119 = arith.constant 0 : i32
        %dma_start3A_120 = arith.constant 0 : i32
        %dma_start3A_121 = tpu.memref_slice %arg6[%dma_start3A_119, %dma_start3A_120] : memref<72x64xi32, #tpu.memory_space<vmem>> -> memref<72x64xi32, #tpu.memory_space<vmem>>
        %dma_start3A_122 = arith.constant 0 : i32
        %dma_start3A_123 = tpu.memref_slice %arg3[%add3A_36, %dma_start3A_122] : memref<5120x64xi32, #tpu.memory_space<hbm>> -> memref<72x64xi32, #tpu.memory_space<hbm>>
        %dma_start3A_124 = arith.constant 0 : i32
        %dma_start3A_125 = arith.constant 0 : i32
        %dma_start3A_126 = tpu.memref_slice %arg6[%dma_start3A_124, %dma_start3A_125] : memref<72x64xi32, #tpu.memory_space<vmem>> -> memref<72x64xi32, #tpu.memory_space<vmem>>
        %dma_start3A_127 = arith.constant 0 : i32
        %dma_start3A_128 = tpu.memref_slice %arg3[%add3A_36, %dma_start3A_127] : memref<5120x64xi32, #tpu.memory_space<hbm>> -> memref<72x64xi32, #tpu.memory_space<hbm>>
        tpu.enqueue_dma source(%dma_start3A_128 : memref<72x64xi32, #tpu.memory_space<hbm>>) target(%dma_start3A_126 : memref<72x64xi32, #tpu.memory_space<vmem>>) target_semaphore(%run_scoped3A : memref<!tpu.dma_semaphore, #tpu.memory_space<semaphore_mem>>)
        %dma_wait3A_129 = arith.constant 0 : i32
        %dma_wait3A_130 = arith.constant 0 : i32
        %dma_wait3A_131 = tpu.memref_slice %arg6[%dma_wait3A_129, %dma_wait3A_130] : memref<72x64xi32, #tpu.memory_space<vmem>> -> memref<72x64xi32, #tpu.memory_space<vmem>>
        %dma_wait3A_132 = arith.constant 0 : i32
        %dma_wait3A_133 = tpu.memref_slice %arg3[%add3A_36, %dma_wait3A_132] : memref<5120x64xi32, #tpu.memory_space<hbm>> -> memref<72x64xi32, #tpu.memory_space<hbm>>
        %dma_wait3A_134 = arith.constant 0 : i32
        %dma_wait3A_135 = arith.constant 0 : i32
        %dma_wait3A_136 = tpu.memref_slice %arg6[%dma_wait3A_134, %dma_wait3A_135] : memref<72x64xi32, #tpu.memory_space<vmem>> -> memref<72x64xi32, #tpu.memory_space<vmem>>
        %dma_wait3A_137 = arith.constant 0 : i32
        %dma_wait3A_138 = tpu.memref_slice %arg3[%add3A_36, %dma_wait3A_137] : memref<5120x64xi32, #tpu.memory_space<hbm>> -> memref<72x64xi32, #tpu.memory_space<hbm>>
        tpu.wait_dma2 semaphore(%run_scoped3A : memref<!tpu.dma_semaphore, #tpu.memory_space<semaphore_mem>>) src(%dma_wait3A_138 : memref<72x64xi32, #tpu.memory_space<hbm>>) dst(%dma_wait3A_136 : memref<72x64xi32, #tpu.memory_space<vmem>>)
        tpu.yield
      }) : () -> ()
      "tpu.region"() ({
        %run_scoped3A = tpu.sem_alloc : memref<!tpu.dma_semaphore, #tpu.memory_space<semaphore_mem>>
        %dma_start3A_119 = arith.constant 0 : i32
        %dma_start3A_120 = arith.constant 0 : i32
        %dma_start3A_121 = tpu.memref_slice %arg7[%dma_start3A_119, %dma_start3A_120] : memref<72x64xi32, #tpu.memory_space<vmem>> -> memref<72x64xi32, #tpu.memory_space<vmem>>
        %dma_start3A_122 = arith.constant 0 : i32
        %dma_start3A_123 = tpu.memref_slice %arg4[%add3A_36, %dma_start3A_122] : memref<5120x64xi32, #tpu.memory_space<hbm>> -> memref<72x64xi32, #tpu.memory_space<hbm>>
        %dma_start3A_124 = arith.constant 0 : i32
        %dma_start3A_125 = arith.constant 0 : i32
        %dma_start3A_126 = tpu.memref_slice %arg7[%dma_start3A_124, %dma_start3A_125] : memref<72x64xi32, #tpu.memory_space<vmem>> -> memref<72x64xi32, #tpu.memory_space<vmem>>
        %dma_start3A_127 = arith.constant 0 : i32
        %dma_start3A_128 = tpu.memref_slice %arg4[%add3A_36, %dma_start3A_127] : memref<5120x64xi32, #tpu.memory_space<hbm>> -> memref<72x64xi32, #tpu.memory_space<hbm>>
        tpu.enqueue_dma source(%dma_start3A_128 : memref<72x64xi32, #tpu.memory_space<hbm>>) target(%dma_start3A_126 : memref<72x64xi32, #tpu.memory_space<vmem>>) target_semaphore(%run_scoped3A : memref<!tpu.dma_semaphore, #tpu.memory_space<semaphore_mem>>)
        %dma_wait3A_129 = arith.constant 0 : i32
        %dma_wait3A_130 = arith.constant 0 : i32
        %dma_wait3A_131 = tpu.memref_slice %arg7[%dma_wait3A_129, %dma_wait3A_130] : memref<72x64xi32, #tpu.memory_space<vmem>> -> memref<72x64xi32, #tpu.memory_space<vmem>>
        %dma_wait3A_132 = arith.constant 0 : i32
        %dma_wait3A_133 = tpu.memref_slice %arg4[%add3A_36, %dma_wait3A_132] : memref<5120x64xi32, #tpu.memory_space<hbm>> -> memref<72x64xi32, #tpu.memory_space<hbm>>
        %dma_wait3A_134 = arith.constant 0 : i32
        %dma_wait3A_135 = arith.constant 0 : i32
        %dma_wait3A_136 = tpu.memref_slice %arg7[%dma_wait3A_134, %dma_wait3A_135] : memref<72x64xi32, #tpu.memory_space<vmem>> -> memref<72x64xi32, #tpu.memory_space<vmem>>
        %dma_wait3A_137 = arith.constant 0 : i32
        %dma_wait3A_138 = tpu.memref_slice %arg4[%add3A_36, %dma_wait3A_137] : memref<5120x64xi32, #tpu.memory_space<hbm>> -> memref<72x64xi32, #tpu.memory_space<hbm>>
        tpu.wait_dma2 semaphore(%run_scoped3A : memref<!tpu.dma_semaphore, #tpu.memory_space<semaphore_mem>>) src(%dma_wait3A_138 : memref<72x64xi32, #tpu.memory_space<hbm>>) dst(%dma_wait3A_136 : memref<72x64xi32, #tpu.memory_space<vmem>>)
        tpu.yield
      }) : () -> ()
      %dma_start3A_37 = arith.constant 0 : i32
      %dma_start3A_38 = arith.constant 0 : i32
      %dma_start3A_39 = tpu.memref_slice %arg6[%dma_start3A_37, %dma_start3A_38] : memref<72x64xi32, #tpu.memory_space<vmem>> -> memref<1x64xi32, #tpu.memory_space<vmem>>
      %dma_start3A_40 = tpu.memref_squeeze %dma_start3A_39 : memref<1x64xi32, #tpu.memory_space<vmem>> -> memref<64xi32, #tpu.memory_space<vmem>>
      %dma_start3A_41 = arith.constant 0 : i32
      %dma_start3A_42 = arith.constant 0 : i32
      %dma_start3A_43 = tpu.memref_slice %arg2[%dma_start3A_41, %dma_start3A_42] : memref<10240x128xf32, #tpu.memory_space<hbm>> -> memref<10240x128xf32, #tpu.memory_space<hbm>>
      tpu.enqueue_indirect_dma source(%dma_start3A_43 : memref<10240x128xf32, #tpu.memory_space<hbm>>) target(%arg8 : memref<64x128xf32, #tpu.memory_space<vmem>>) offsets(%dma_start3A_40 : memref<64xi32, #tpu.memory_space<vmem>>) semaphore(%arg12 : memref<!tpu.dma_semaphore, #tpu.memory_space<semaphore_mem>>)
      %dma_start3A_44 = arith.constant 1 : i32
      %dma_start3A_45 = arith.constant 0 : i32
      %dma_start3A_46 = tpu.memref_slice %arg6[%dma_start3A_44, %dma_start3A_45] : memref<72x64xi32, #tpu.memory_space<vmem>> -> memref<1x64xi32, #tpu.memory_space<vmem>>
      %dma_start3A_47 = tpu.memref_squeeze %dma_start3A_46 : memref<1x64xi32, #tpu.memory_space<vmem>> -> memref<64xi32, #tpu.memory_space<vmem>>
      %dma_start3A_48 = arith.constant 0 : i32
      %dma_start3A_49 = arith.constant 0 : i32
      %dma_start3A_50 = tpu.memref_slice %arg2[%dma_start3A_48, %dma_start3A_49] : memref<10240x128xf32, #tpu.memory_space<hbm>> -> memref<10240x128xf32, #tpu.memory_space<hbm>>
      tpu.enqueue_indirect_dma source(%dma_start3A_50 : memref<10240x128xf32, #tpu.memory_space<hbm>>) target(%arg9 : memref<64x128xf32, #tpu.memory_space<vmem>>) offsets(%dma_start3A_47 : memref<64xi32, #tpu.memory_space<vmem>>) semaphore(%arg13 : memref<!tpu.dma_semaphore, #tpu.memory_space<semaphore_mem>>)
      %scan3A_51 = arith.constant 0 : i32
      %scan3A_52 = arith.constant 36 : i32
      %scan3A_53 = arith.addi %scan3A_51, %scan3A_52 : i32
      %scan3A_54 = arith.constant 1 : i32
      scf.for %scan3A_119 = %scan3A_51 to %scan3A_53 step %scan3A_54  : i32 {
        %mul3A_120 = arith.constant 2 : i32
        %mul3A_121 = arith.muli %mul3A_120, %scan3A_119 : i32
        %add3A_122 = arith.constant 0 : i32
        %add3A_123 = arith.addi %mul3A_121, %add3A_122 : i32
        %dma_wait3A_124 = arith.constant 0 : i32
        %dma_wait3A_125 = tpu.memref_slice %arg6[%add3A_123, %dma_wait3A_124] : memref<72x64xi32, #tpu.memory_space<vmem>> -> memref<1x64xi32, #tpu.memory_space<vmem>>
        %dma_wait3A_126 = tpu.memref_squeeze %dma_wait3A_125 : memref<1x64xi32, #tpu.memory_space<vmem>> -> memref<64xi32, #tpu.memory_space<vmem>>
        %dma_wait3A_127 = arith.constant 0 : i32
        %dma_wait3A_128 = arith.constant 0 : i32
        %dma_wait3A_129 = tpu.memref_slice %arg2[%dma_wait3A_127, %dma_wait3A_128] : memref<10240x128xf32, #tpu.memory_space<hbm>> -> memref<10240x128xf32, #tpu.memory_space<hbm>>
        tpu.wait_indirect_dma semaphore(%arg12 : memref<!tpu.dma_semaphore, #tpu.memory_space<semaphore_mem>>) src(%dma_wait3A_129 : memref<10240x128xf32, #tpu.memory_space<hbm>>) dst(%arg8 : memref<64x128xf32, #tpu.memory_space<vmem>>)
        "tpu.region"() ({
          %run_scoped3A = tpu.sem_alloc : memref<!tpu.dma_semaphore, #tpu.memory_space<semaphore_mem>>
          %dma_start3A_153 = arith.constant 0 : i32
          %dma_start3A_154 = tpu.memref_slice %arg7[%add3A_123, %dma_start3A_153] : memref<72x64xi32, #tpu.memory_space<vmem>> -> memref<1x64xi32, #tpu.memory_space<vmem>>
          %dma_start3A_155 = tpu.memref_squeeze %dma_start3A_154 : memref<1x64xi32, #tpu.memory_space<vmem>> -> memref<64xi32, #tpu.memory_space<vmem>>
          %dma_start3A_156 = arith.constant 0 : i32
          %dma_start3A_157 = arith.constant 0 : i32
          %dma_start3A_158 = tpu.memref_slice %arg11[%dma_start3A_156, %dma_start3A_157] : memref<10240x128xf32, #tpu.memory_space<vmem_shared>> -> memref<10240x128xf32, #tpu.memory_space<vmem_shared>>
          tpu.enqueue_indirect_dma source(%arg8 : memref<64x128xf32, #tpu.memory_space<vmem>>) target(%dma_start3A_158 : memref<10240x128xf32, #tpu.memory_space<vmem_shared>>) offsets(%dma_start3A_155 : memref<64xi32, #tpu.memory_space<vmem>>) semaphore(%run_scoped3A : memref<!tpu.dma_semaphore, #tpu.memory_space<semaphore_mem>>) {add = true}
          %dma_wait3A_159 = arith.constant 0 : i32
          %dma_wait3A_160 = tpu.memref_slice %arg7[%add3A_123, %dma_wait3A_159] : memref<72x64xi32, #tpu.memory_space<vmem>> -> memref<1x64xi32, #tpu.memory_space<vmem>>
          %dma_wait3A_161 = tpu.memref_squeeze %dma_wait3A_160 : memref<1x64xi32, #tpu.memory_space<vmem>> -> memref<64xi32, #tpu.memory_space<vmem>>
          %dma_wait3A_162 = arith.constant 0 : i32
          %dma_wait3A_163 = arith.constant 0 : i32
          %dma_wait3A_164 = tpu.memref_slice %arg11[%dma_wait3A_162, %dma_wait3A_163] : memref<10240x128xf32, #tpu.memory_space<vmem_shared>> -> memref<10240x128xf32, #tpu.memory_space<vmem_shared>>
          tpu.wait_indirect_dma semaphore(%run_scoped3A : memref<!tpu.dma_semaphore, #tpu.memory_space<semaphore_mem>>) src(%arg8 : memref<64x128xf32, #tpu.memory_space<vmem>>) dst(%dma_wait3A_164 : memref<10240x128xf32, #tpu.memory_space<vmem_shared>>)
          tpu.yield
        }) : () -> ()
        %add3A_130 = arith.constant 2 : i32
        %add3A_131 = arith.addi %add3A_123, %add3A_130 : i32
        %lt3A = arith.constant 72 : i32
        %lt3A_132 = arith.cmpi slt, %add3A_131, %lt3A : i32
        %convert_element_type3A_133 = arith.extui %lt3A_132 : i1 to i32
        %cond3A_134 = arith.constant 0 : i32
        %cond3A_135 = arith.cmpi ne, %convert_element_type3A_133, %cond3A_134 : i32
        scf.if %cond3A_135 {
          %add3A_153 = arith.constant 2 : i32
          %add3A_154 = arith.addi %add3A_123, %add3A_153 : i32
          %dma_start3A_155 = arith.constant 0 : i32
          %dma_start3A_156 = tpu.memref_slice %arg6[%add3A_154, %dma_start3A_155] : memref<72x64xi32, #tpu.memory_space<vmem>> -> memref<1x64xi32, #tpu.memory_space<vmem>>
          %dma_start3A_157 = tpu.memref_squeeze %dma_start3A_156 : memref<1x64xi32, #tpu.memory_space<vmem>> -> memref<64xi32, #tpu.memory_space<vmem>>
          %dma_start3A_158 = arith.constant 0 : i32
          %dma_start3A_159 = arith.constant 0 : i32
          %dma_start3A_160 = tpu.memref_slice %arg2[%dma_start3A_158, %dma_start3A_159] : memref<10240x128xf32, #tpu.memory_space<hbm>> -> memref<10240x128xf32, #tpu.memory_space<hbm>>
          tpu.enqueue_indirect_dma source(%dma_start3A_160 : memref<10240x128xf32, #tpu.memory_space<hbm>>) target(%arg8 : memref<64x128xf32, #tpu.memory_space<vmem>>) offsets(%dma_start3A_157 : memref<64xi32, #tpu.memory_space<vmem>>) semaphore(%arg12 : memref<!tpu.dma_semaphore, #tpu.memory_space<semaphore_mem>>)
        } else {
        }
        %mul3A_136 = arith.constant 2 : i32
        %mul3A_137 = arith.muli %mul3A_136, %scan3A_119 : i32
        %add3A_138 = arith.constant 1 : i32
        %add3A_139 = arith.addi %mul3A_137, %add3A_138 : i32
        %dma_wait3A_140 = arith.constant 0 : i32
        %dma_wait3A_141 = tpu.memref_slice %arg6[%add3A_139, %dma_wait3A_140] : memref<72x64xi32, #tpu.memory_space<vmem>> -> memref<1x64xi32, #tpu.memory_space<vmem>>
        %dma_wait3A_142 = tpu.memref_squeeze %dma_wait3A_141 : memref<1x64xi32, #tpu.memory_space<vmem>> -> memref<64xi32, #tpu.memory_space<vmem>>
        %dma_wait3A_143 = arith.constant 0 : i32
        %dma_wait3A_144 = arith.constant 0 : i32
        %dma_wait3A_145 = tpu.memref_slice %arg2[%dma_wait3A_143, %dma_wait3A_144] : memref<10240x128xf32, #tpu.memory_space<hbm>> -> memref<10240x128xf32, #tpu.memory_space<hbm>>
        tpu.wait_indirect_dma semaphore(%arg13 : memref<!tpu.dma_semaphore, #tpu.memory_space<semaphore_mem>>) src(%dma_wait3A_145 : memref<10240x128xf32, #tpu.memory_space<hbm>>) dst(%arg9 : memref<64x128xf32, #tpu.memory_space<vmem>>)
        "tpu.region"() ({
          %run_scoped3A = tpu.sem_alloc : memref<!tpu.dma_semaphore, #tpu.memory_space<semaphore_mem>>
          %dma_start3A_153 = arith.constant 0 : i32
          %dma_start3A_154 = tpu.memref_slice %arg7[%add3A_139, %dma_start3A_153] : memref<72x64xi32, #tpu.memory_space<vmem>> -> memref<1x64xi32, #tpu.memory_space<vmem>>
          %dma_start3A_155 = tpu.memref_squeeze %dma_start3A_154 : memref<1x64xi32, #tpu.memory_space<vmem>> -> memref<64xi32, #tpu.memory_space<vmem>>
          %dma_start3A_156 = arith.constant 0 : i32
          %dma_start3A_157 = arith.constant 0 : i32
          %dma_start3A_158 = tpu.memref_slice %arg11[%dma_start3A_156, %dma_start3A_157] : memref<10240x128xf32, #tpu.memory_space<vmem_shared>> -> memref<10240x128xf32, #tpu.memory_space<vmem_shared>>
          tpu.enqueue_indirect_dma source(%arg9 : memref<64x128xf32, #tpu.memory_space<vmem>>) target(%dma_start3A_158 : memref<10240x128xf32, #tpu.memory_space<vmem_shared>>) offsets(%dma_start3A_155 : memref<64xi32, #tpu.memory_space<vmem>>) semaphore(%run_scoped3A : memref<!tpu.dma_semaphore, #tpu.memory_space<semaphore_mem>>) {add = true}
          %dma_wait3A_159 = arith.constant 0 : i32
          %dma_wait3A_160 = tpu.memref_slice %arg7[%add3A_139, %dma_wait3A_159] : memref<72x64xi32, #tpu.memory_space<vmem>> -> memref<1x64xi32, #tpu.memory_space<vmem>>
          %dma_wait3A_161 = tpu.memref_squeeze %dma_wait3A_160 : memref<1x64xi32, #tpu.memory_space<vmem>> -> memref<64xi32, #tpu.memory_space<vmem>>
          %dma_wait3A_162 = arith.constant 0 : i32
          %dma_wait3A_163 = arith.constant 0 : i32
          %dma_wait3A_164 = tpu.memref_slice %arg11[%dma_wait3A_162, %dma_wait3A_163] : memref<10240x128xf32, #tpu.memory_space<vmem_shared>> -> memref<10240x128xf32, #tpu.memory_space<vmem_shared>>
          tpu.wait_indirect_dma semaphore(%run_scoped3A : memref<!tpu.dma_semaphore, #tpu.memory_space<semaphore_mem>>) src(%arg9 : memref<64x128xf32, #tpu.memory_space<vmem>>) dst(%dma_wait3A_164 : memref<10240x128xf32, #tpu.memory_space<vmem_shared>>)
          tpu.yield
        }) : () -> ()
        %add3A_146 = arith.constant 2 : i32
        %add3A_147 = arith.addi %add3A_139, %add3A_146 : i32
        %lt3A_148 = arith.constant 72 : i32
        %lt3A_149 = arith.cmpi slt, %add3A_147, %lt3A_148 : i32
        %convert_element_type3A_150 = arith.extui %lt3A_149 : i1 to i32
        %cond3A_151 = arith.constant 0 : i32
        %cond3A_152 = arith.cmpi ne, %convert_element_type3A_150, %cond3A_151 : i32
        scf.if %cond3A_152 {
          %add3A_153 = arith.constant 2 : i32
          %add3A_154 = arith.addi %add3A_139, %add3A_153 : i32
          %dma_start3A_155 = arith.constant 0 : i32
          %dma_start3A_156 = tpu.memref_slice %arg6[%add3A_154, %dma_start3A_155] : memref<72x64xi32, #tpu.memory_space<vmem>> -> memref<1x64xi32, #tpu.memory_space<vmem>>
          %dma_start3A_157 = tpu.memref_squeeze %dma_start3A_156 : memref<1x64xi32, #tpu.memory_space<vmem>> -> memref<64xi32, #tpu.memory_space<vmem>>
          %dma_start3A_158 = arith.constant 0 : i32
          %dma_start3A_159 = arith.constant 0 : i32
          %dma_start3A_160 = tpu.memref_slice %arg2[%dma_start3A_158, %dma_start3A_159] : memref<10240x128xf32, #tpu.memory_space<hbm>> -> memref<10240x128xf32, #tpu.memory_space<hbm>>
          tpu.enqueue_indirect_dma source(%dma_start3A_160 : memref<10240x128xf32, #tpu.memory_space<hbm>>) target(%arg9 : memref<64x128xf32, #tpu.memory_space<vmem>>) offsets(%dma_start3A_157 : memref<64xi32, #tpu.memory_space<vmem>>) semaphore(%arg13 : memref<!tpu.dma_semaphore, #tpu.memory_space<semaphore_mem>>)
        } else {
        }
      }
      %scan3A_55 = arith.constant 36 : i32
      %add3A_56 = arith.constant 144 : i32
      %add3A_57 = arith.addi %mul3A_6, %add3A_56 : i32
      "tpu.region"() ({
        %run_scoped3A = tpu.sem_alloc : memref<!tpu.dma_semaphore, #tpu.memory_space<semaphore_mem>>
        %dma_start3A_119 = arith.constant 0 : i32
        %dma_start3A_120 = arith.constant 0 : i32
        %dma_start3A_121 = tpu.memref_slice %arg6[%dma_start3A_119, %dma_start3A_120] : memref<72x64xi32, #tpu.memory_space<vmem>> -> memref<72x64xi32, #tpu.memory_space<vmem>>
        %dma_start3A_122 = arith.constant 0 : i32
        %dma_start3A_123 = tpu.memref_slice %arg3[%add3A_57, %dma_start3A_122] : memref<5120x64xi32, #tpu.memory_space<hbm>> -> memref<72x64xi32, #tpu.memory_space<hbm>>
        %dma_start3A_124 = arith.constant 0 : i32
        %dma_start3A_125 = arith.constant 0 : i32
        %dma_start3A_126 = tpu.memref_slice %arg6[%dma_start3A_124, %dma_start3A_125] : memref<72x64xi32, #tpu.memory_space<vmem>> -> memref<72x64xi32, #tpu.memory_space<vmem>>
        %dma_start3A_127 = arith.constant 0 : i32
        %dma_start3A_128 = tpu.memref_slice %arg3[%add3A_57, %dma_start3A_127] : memref<5120x64xi32, #tpu.memory_space<hbm>> -> memref<72x64xi32, #tpu.memory_space<hbm>>
        tpu.enqueue_dma source(%dma_start3A_128 : memref<72x64xi32, #tpu.memory_space<hbm>>) target(%dma_start3A_126 : memref<72x64xi32, #tpu.memory_space<vmem>>) target_semaphore(%run_scoped3A : memref<!tpu.dma_semaphore, #tpu.memory_space<semaphore_mem>>)
        %dma_wait3A_129 = arith.constant 0 : i32
        %dma_wait3A_130 = arith.constant 0 : i32
        %dma_wait3A_131 = tpu.memref_slice %arg6[%dma_wait3A_129, %dma_wait3A_130] : memref<72x64xi32, #tpu.memory_space<vmem>> -> memref<72x64xi32, #tpu.memory_space<vmem>>
        %dma_wait3A_132 = arith.constant 0 : i32
        %dma_wait3A_133 = tpu.memref_slice %arg3[%add3A_57, %dma_wait3A_132] : memref<5120x64xi32, #tpu.memory_space<hbm>> -> memref<72x64xi32, #tpu.memory_space<hbm>>
        %dma_wait3A_134 = arith.constant 0 : i32
        %dma_wait3A_135 = arith.constant 0 : i32
        %dma_wait3A_136 = tpu.memref_slice %arg6[%dma_wait3A_134, %dma_wait3A_135] : memref<72x64xi32, #tpu.memory_space<vmem>> -> memref<72x64xi32, #tpu.memory_space<vmem>>
        %dma_wait3A_137 = arith.constant 0 : i32
        %dma_wait3A_138 = tpu.memref_slice %arg3[%add3A_57, %dma_wait3A_137] : memref<5120x64xi32, #tpu.memory_space<hbm>> -> memref<72x64xi32, #tpu.memory_space<hbm>>
        tpu.wait_dma2 semaphore(%run_scoped3A : memref<!tpu.dma_semaphore, #tpu.memory_space<semaphore_mem>>) src(%dma_wait3A_138 : memref<72x64xi32, #tpu.memory_space<hbm>>) dst(%dma_wait3A_136 : memref<72x64xi32, #tpu.memory_space<vmem>>)
        tpu.yield
      }) : () -> ()
      "tpu.region"() ({
        %run_scoped3A = tpu.sem_alloc : memref<!tpu.dma_semaphore, #tpu.memory_space<semaphore_mem>>
        %dma_start3A_119 = arith.constant 0 : i32
        %dma_start3A_120 = arith.constant 0 : i32
        %dma_start3A_121 = tpu.memref_slice %arg7[%dma_start3A_119, %dma_start3A_120] : memref<72x64xi32, #tpu.memory_space<vmem>> -> memref<72x64xi32, #tpu.memory_space<vmem>>
        %dma_start3A_122 = arith.constant 0 : i32
        %dma_start3A_123 = tpu.memref_slice %arg4[%add3A_57, %dma_start3A_122] : memref<5120x64xi32, #tpu.memory_space<hbm>> -> memref<72x64xi32, #tpu.memory_space<hbm>>
        %dma_start3A_124 = arith.constant 0 : i32
        %dma_start3A_125 = arith.constant 0 : i32
        %dma_start3A_126 = tpu.memref_slice %arg7[%dma_start3A_124, %dma_start3A_125] : memref<72x64xi32, #tpu.memory_space<vmem>> -> memref<72x64xi32, #tpu.memory_space<vmem>>
        %dma_start3A_127 = arith.constant 0 : i32
        %dma_start3A_128 = tpu.memref_slice %arg4[%add3A_57, %dma_start3A_127] : memref<5120x64xi32, #tpu.memory_space<hbm>> -> memref<72x64xi32, #tpu.memory_space<hbm>>
        tpu.enqueue_dma source(%dma_start3A_128 : memref<72x64xi32, #tpu.memory_space<hbm>>) target(%dma_start3A_126 : memref<72x64xi32, #tpu.memory_space<vmem>>) target_semaphore(%run_scoped3A : memref<!tpu.dma_semaphore, #tpu.memory_space<semaphore_mem>>)
        %dma_wait3A_129 = arith.constant 0 : i32
        %dma_wait3A_130 = arith.constant 0 : i32
        %dma_wait3A_131 = tpu.memref_slice %arg7[%dma_wait3A_129, %dma_wait3A_130] : memref<72x64xi32, #tpu.memory_space<vmem>> -> memref<72x64xi32, #tpu.memory_space<vmem>>
        %dma_wait3A_132 = arith.constant 0 : i32
        %dma_wait3A_133 = tpu.memref_slice %arg4[%add3A_57, %dma_wait3A_132] : memref<5120x64xi32, #tpu.memory_space<hbm>> -> memref<72x64xi32, #tpu.memory_space<hbm>>
        %dma_wait3A_134 = arith.constant 0 : i32
        %dma_wait3A_135 = arith.constant 0 : i32
        %dma_wait3A_136 = tpu.memref_slice %arg7[%dma_wait3A_134, %dma_wait3A_135] : memref<72x64xi32, #tpu.memory_space<vmem>> -> memref<72x64xi32, #tpu.memory_space<vmem>>
        %dma_wait3A_137 = arith.constant 0 : i32
        %dma_wait3A_138 = tpu.memref_slice %arg4[%add3A_57, %dma_wait3A_137] : memref<5120x64xi32, #tpu.memory_space<hbm>> -> memref<72x64xi32, #tpu.memory_space<hbm>>
        tpu.wait_dma2 semaphore(%run_scoped3A : memref<!tpu.dma_semaphore, #tpu.memory_space<semaphore_mem>>) src(%dma_wait3A_138 : memref<72x64xi32, #tpu.memory_space<hbm>>) dst(%dma_wait3A_136 : memref<72x64xi32, #tpu.memory_space<vmem>>)
        tpu.yield
      }) : () -> ()
      %dma_start3A_58 = arith.constant 0 : i32
      %dma_start3A_59 = arith.constant 0 : i32
      %dma_start3A_60 = tpu.memref_slice %arg6[%dma_start3A_58, %dma_start3A_59] : memref<72x64xi32, #tpu.memory_space<vmem>> -> memref<1x64xi32, #tpu.memory_space<vmem>>
      %dma_start3A_61 = tpu.memref_squeeze %dma_start3A_60 : memref<1x64xi32, #tpu.memory_space<vmem>> -> memref<64xi32, #tpu.memory_space<vmem>>
      %dma_start3A_62 = arith.constant 0 : i32
      %dma_start3A_63 = arith.constant 0 : i32
      %dma_start3A_64 = tpu.memref_slice %arg2[%dma_start3A_62, %dma_start3A_63] : memref<10240x128xf32, #tpu.memory_space<hbm>> -> memref<10240x128xf32, #tpu.memory_space<hbm>>
      tpu.enqueue_indirect_dma source(%dma_start3A_64 : memref<10240x128xf32, #tpu.memory_space<hbm>>) target(%arg8 : memref<64x128xf32, #tpu.memory_space<vmem>>) offsets(%dma_start3A_61 : memref<64xi32, #tpu.memory_space<vmem>>) semaphore(%arg12 : memref<!tpu.dma_semaphore, #tpu.memory_space<semaphore_mem>>)
      %dma_start3A_65 = arith.constant 1 : i32
      %dma_start3A_66 = arith.constant 0 : i32
      %dma_start3A_67 = tpu.memref_slice %arg6[%dma_start3A_65, %dma_start3A_66] : memref<72x64xi32, #tpu.memory_space<vmem>> -> memref<1x64xi32, #tpu.memory_space<vmem>>
      %dma_start3A_68 = tpu.memref_squeeze %dma_start3A_67 : memref<1x64xi32, #tpu.memory_space<vmem>> -> memref<64xi32, #tpu.memory_space<vmem>>
      %dma_start3A_69 = arith.constant 0 : i32
      %dma_start3A_70 = arith.constant 0 : i32
      %dma_start3A_71 = tpu.memref_slice %arg2[%dma_start3A_69, %dma_start3A_70] : memref<10240x128xf32, #tpu.memory_space<hbm>> -> memref<10240x128xf32, #tpu.memory_space<hbm>>
      tpu.enqueue_indirect_dma source(%dma_start3A_71 : memref<10240x128xf32, #tpu.memory_space<hbm>>) target(%arg9 : memref<64x128xf32, #tpu.memory_space<vmem>>) offsets(%dma_start3A_68 : memref<64xi32, #tpu.memory_space<vmem>>) semaphore(%arg13 : memref<!tpu.dma_semaphore, #tpu.memory_space<semaphore_mem>>)
      %scan3A_72 = arith.constant 0 : i32
      %scan3A_73 = arith.constant 36 : i32
      %scan3A_74 = arith.addi %scan3A_72, %scan3A_73 : i32
      %scan3A_75 = arith.constant 1 : i32
      scf.for %scan3A_119 = %scan3A_72 to %scan3A_74 step %scan3A_75  : i32 {
        %mul3A_120 = arith.constant 2 : i32
        %mul3A_121 = arith.muli %mul3A_120, %scan3A_119 : i32
        %add3A_122 = arith.constant 0 : i32
        %add3A_123 = arith.addi %mul3A_121, %add3A_122 : i32
        %dma_wait3A_124 = arith.constant 0 : i32
        %dma_wait3A_125 = tpu.memref_slice %arg6[%add3A_123, %dma_wait3A_124] : memref<72x64xi32, #tpu.memory_space<vmem>> -> memref<1x64xi32, #tpu.memory_space<vmem>>
        %dma_wait3A_126 = tpu.memref_squeeze %dma_wait3A_125 : memref<1x64xi32, #tpu.memory_space<vmem>> -> memref<64xi32, #tpu.memory_space<vmem>>
        %dma_wait3A_127 = arith.constant 0 : i32
        %dma_wait3A_128 = arith.constant 0 : i32
        %dma_wait3A_129 = tpu.memref_slice %arg2[%dma_wait3A_127, %dma_wait3A_128] : memref<10240x128xf32, #tpu.memory_space<hbm>> -> memref<10240x128xf32, #tpu.memory_space<hbm>>
        tpu.wait_indirect_dma semaphore(%arg12 : memref<!tpu.dma_semaphore, #tpu.memory_space<semaphore_mem>>) src(%dma_wait3A_129 : memref<10240x128xf32, #tpu.memory_space<hbm>>) dst(%arg8 : memref<64x128xf32, #tpu.memory_space<vmem>>)
        "tpu.region"() ({
          %run_scoped3A = tpu.sem_alloc : memref<!tpu.dma_semaphore, #tpu.memory_space<semaphore_mem>>
          %dma_start3A_153 = arith.constant 0 : i32
          %dma_start3A_154 = tpu.memref_slice %arg7[%add3A_123, %dma_start3A_153] : memref<72x64xi32, #tpu.memory_space<vmem>> -> memref<1x64xi32, #tpu.memory_space<vmem>>
          %dma_start3A_155 = tpu.memref_squeeze %dma_start3A_154 : memref<1x64xi32, #tpu.memory_space<vmem>> -> memref<64xi32, #tpu.memory_space<vmem>>
          %dma_start3A_156 = arith.constant 0 : i32
          %dma_start3A_157 = arith.constant 0 : i32
          %dma_start3A_158 = tpu.memref_slice %arg11[%dma_start3A_156, %dma_start3A_157] : memref<10240x128xf32, #tpu.memory_space<vmem_shared>> -> memref<10240x128xf32, #tpu.memory_space<vmem_shared>>
          tpu.enqueue_indirect_dma source(%arg8 : memref<64x128xf32, #tpu.memory_space<vmem>>) target(%dma_start3A_158 : memref<10240x128xf32, #tpu.memory_space<vmem_shared>>) offsets(%dma_start3A_155 : memref<64xi32, #tpu.memory_space<vmem>>) semaphore(%run_scoped3A : memref<!tpu.dma_semaphore, #tpu.memory_space<semaphore_mem>>) {add = true}
          %dma_wait3A_159 = arith.constant 0 : i32
          %dma_wait3A_160 = tpu.memref_slice %arg7[%add3A_123, %dma_wait3A_159] : memref<72x64xi32, #tpu.memory_space<vmem>> -> memref<1x64xi32, #tpu.memory_space<vmem>>
          %dma_wait3A_161 = tpu.memref_squeeze %dma_wait3A_160 : memref<1x64xi32, #tpu.memory_space<vmem>> -> memref<64xi32, #tpu.memory_space<vmem>>
          %dma_wait3A_162 = arith.constant 0 : i32
          %dma_wait3A_163 = arith.constant 0 : i32
          %dma_wait3A_164 = tpu.memref_slice %arg11[%dma_wait3A_162, %dma_wait3A_163] : memref<10240x128xf32, #tpu.memory_space<vmem_shared>> -> memref<10240x128xf32, #tpu.memory_space<vmem_shared>>
          tpu.wait_indirect_dma semaphore(%run_scoped3A : memref<!tpu.dma_semaphore, #tpu.memory_space<semaphore_mem>>) src(%arg8 : memref<64x128xf32, #tpu.memory_space<vmem>>) dst(%dma_wait3A_164 : memref<10240x128xf32, #tpu.memory_space<vmem_shared>>)
          tpu.yield
        }) : () -> ()
        %add3A_130 = arith.constant 2 : i32
        %add3A_131 = arith.addi %add3A_123, %add3A_130 : i32
        %lt3A = arith.constant 72 : i32
        %lt3A_132 = arith.cmpi slt, %add3A_131, %lt3A : i32
        %convert_element_type3A_133 = arith.extui %lt3A_132 : i1 to i32
        %cond3A_134 = arith.constant 0 : i32
        %cond3A_135 = arith.cmpi ne, %convert_element_type3A_133, %cond3A_134 : i32
        scf.if %cond3A_135 {
          %add3A_153 = arith.constant 2 : i32
          %add3A_154 = arith.addi %add3A_123, %add3A_153 : i32
          %dma_start3A_155 = arith.constant 0 : i32
          %dma_start3A_156 = tpu.memref_slice %arg6[%add3A_154, %dma_start3A_155] : memref<72x64xi32, #tpu.memory_space<vmem>> -> memref<1x64xi32, #tpu.memory_space<vmem>>
          %dma_start3A_157 = tpu.memref_squeeze %dma_start3A_156 : memref<1x64xi32, #tpu.memory_space<vmem>> -> memref<64xi32, #tpu.memory_space<vmem>>
          %dma_start3A_158 = arith.constant 0 : i32
          %dma_start3A_159 = arith.constant 0 : i32
          %dma_start3A_160 = tpu.memref_slice %arg2[%dma_start3A_158, %dma_start3A_159] : memref<10240x128xf32, #tpu.memory_space<hbm>> -> memref<10240x128xf32, #tpu.memory_space<hbm>>
          tpu.enqueue_indirect_dma source(%dma_start3A_160 : memref<10240x128xf32, #tpu.memory_space<hbm>>) target(%arg8 : memref<64x128xf32, #tpu.memory_space<vmem>>) offsets(%dma_start3A_157 : memref<64xi32, #tpu.memory_space<vmem>>) semaphore(%arg12 : memref<!tpu.dma_semaphore, #tpu.memory_space<semaphore_mem>>)
        } else {
        }
        %mul3A_136 = arith.constant 2 : i32
        %mul3A_137 = arith.muli %mul3A_136, %scan3A_119 : i32
        %add3A_138 = arith.constant 1 : i32
        %add3A_139 = arith.addi %mul3A_137, %add3A_138 : i32
        %dma_wait3A_140 = arith.constant 0 : i32
        %dma_wait3A_141 = tpu.memref_slice %arg6[%add3A_139, %dma_wait3A_140] : memref<72x64xi32, #tpu.memory_space<vmem>> -> memref<1x64xi32, #tpu.memory_space<vmem>>
        %dma_wait3A_142 = tpu.memref_squeeze %dma_wait3A_141 : memref<1x64xi32, #tpu.memory_space<vmem>> -> memref<64xi32, #tpu.memory_space<vmem>>
        %dma_wait3A_143 = arith.constant 0 : i32
        %dma_wait3A_144 = arith.constant 0 : i32
        %dma_wait3A_145 = tpu.memref_slice %arg2[%dma_wait3A_143, %dma_wait3A_144] : memref<10240x128xf32, #tpu.memory_space<hbm>> -> memref<10240x128xf32, #tpu.memory_space<hbm>>
        tpu.wait_indirect_dma semaphore(%arg13 : memref<!tpu.dma_semaphore, #tpu.memory_space<semaphore_mem>>) src(%dma_wait3A_145 : memref<10240x128xf32, #tpu.memory_space<hbm>>) dst(%arg9 : memref<64x128xf32, #tpu.memory_space<vmem>>)
        "tpu.region"() ({
          %run_scoped3A = tpu.sem_alloc : memref<!tpu.dma_semaphore, #tpu.memory_space<semaphore_mem>>
          %dma_start3A_153 = arith.constant 0 : i32
          %dma_start3A_154 = tpu.memref_slice %arg7[%add3A_139, %dma_start3A_153] : memref<72x64xi32, #tpu.memory_space<vmem>> -> memref<1x64xi32, #tpu.memory_space<vmem>>
          %dma_start3A_155 = tpu.memref_squeeze %dma_start3A_154 : memref<1x64xi32, #tpu.memory_space<vmem>> -> memref<64xi32, #tpu.memory_space<vmem>>
          %dma_start3A_156 = arith.constant 0 : i32
          %dma_start3A_157 = arith.constant 0 : i32
          %dma_start3A_158 = tpu.memref_slice %arg11[%dma_start3A_156, %dma_start3A_157] : memref<10240x128xf32, #tpu.memory_space<vmem_shared>> -> memref<10240x128xf32, #tpu.memory_space<vmem_shared>>
          tpu.enqueue_indirect_dma source(%arg9 : memref<64x128xf32, #tpu.memory_space<vmem>>) target(%dma_start3A_158 : memref<10240x128xf32, #tpu.memory_space<vmem_shared>>) offsets(%dma_start3A_155 : memref<64xi32, #tpu.memory_space<vmem>>) semaphore(%run_scoped3A : memref<!tpu.dma_semaphore, #tpu.memory_space<semaphore_mem>>) {add = true}
          %dma_wait3A_159 = arith.constant 0 : i32
          %dma_wait3A_160 = tpu.memref_slice %arg7[%add3A_139, %dma_wait3A_159] : memref<72x64xi32, #tpu.memory_space<vmem>> -> memref<1x64xi32, #tpu.memory_space<vmem>>
          %dma_wait3A_161 = tpu.memref_squeeze %dma_wait3A_160 : memref<1x64xi32, #tpu.memory_space<vmem>> -> memref<64xi32, #tpu.memory_space<vmem>>
          %dma_wait3A_162 = arith.constant 0 : i32
          %dma_wait3A_163 = arith.constant 0 : i32
          %dma_wait3A_164 = tpu.memref_slice %arg11[%dma_wait3A_162, %dma_wait3A_163] : memref<10240x128xf32, #tpu.memory_space<vmem_shared>> -> memref<10240x128xf32, #tpu.memory_space<vmem_shared>>
          tpu.wait_indirect_dma semaphore(%run_scoped3A : memref<!tpu.dma_semaphore, #tpu.memory_space<semaphore_mem>>) src(%arg9 : memref<64x128xf32, #tpu.memory_space<vmem>>) dst(%dma_wait3A_164 : memref<10240x128xf32, #tpu.memory_space<vmem_shared>>)
          tpu.yield
        }) : () -> ()
        %add3A_146 = arith.constant 2 : i32
        %add3A_147 = arith.addi %add3A_139, %add3A_146 : i32
        %lt3A_148 = arith.constant 72 : i32
        %lt3A_149 = arith.cmpi slt, %add3A_147, %lt3A_148 : i32
        %convert_element_type3A_150 = arith.extui %lt3A_149 : i1 to i32
        %cond3A_151 = arith.constant 0 : i32
        %cond3A_152 = arith.cmpi ne, %convert_element_type3A_150, %cond3A_151 : i32
        scf.if %cond3A_152 {
          %add3A_153 = arith.constant 2 : i32
          %add3A_154 = arith.addi %add3A_139, %add3A_153 : i32
          %dma_start3A_155 = arith.constant 0 : i32
          %dma_start3A_156 = tpu.memref_slice %arg6[%add3A_154, %dma_start3A_155] : memref<72x64xi32, #tpu.memory_space<vmem>> -> memref<1x64xi32, #tpu.memory_space<vmem>>
          %dma_start3A_157 = tpu.memref_squeeze %dma_start3A_156 : memref<1x64xi32, #tpu.memory_space<vmem>> -> memref<64xi32, #tpu.memory_space<vmem>>
          %dma_start3A_158 = arith.constant 0 : i32
          %dma_start3A_159 = arith.constant 0 : i32
          %dma_start3A_160 = tpu.memref_slice %arg2[%dma_start3A_158, %dma_start3A_159] : memref<10240x128xf32, #tpu.memory_space<hbm>> -> memref<10240x128xf32, #tpu.memory_space<hbm>>
          tpu.enqueue_indirect_dma source(%dma_start3A_160 : memref<10240x128xf32, #tpu.memory_space<hbm>>) target(%arg9 : memref<64x128xf32, #tpu.memory_space<vmem>>) offsets(%dma_start3A_157 : memref<64xi32, #tpu.memory_space<vmem>>) semaphore(%arg13 : memref<!tpu.dma_semaphore, #tpu.memory_space<semaphore_mem>>)
        } else {
        }
      }
      %scan3A_76 = arith.constant 36 : i32
      %add3A_77 = arith.constant 216 : i32
      %add3A_78 = arith.addi %mul3A_6, %add3A_77 : i32
      "tpu.region"() ({
        %run_scoped3A = tpu.sem_alloc : memref<!tpu.dma_semaphore, #tpu.memory_space<semaphore_mem>>
        %dma_start3A_119 = arith.constant 0 : i32
        %dma_start3A_120 = arith.constant 0 : i32
        %dma_start3A_121 = tpu.memref_slice %arg6[%dma_start3A_119, %dma_start3A_120] : memref<72x64xi32, #tpu.memory_space<vmem>> -> memref<72x64xi32, #tpu.memory_space<vmem>>
        %dma_start3A_122 = arith.constant 0 : i32
        %dma_start3A_123 = tpu.memref_slice %arg3[%add3A_78, %dma_start3A_122] : memref<5120x64xi32, #tpu.memory_space<hbm>> -> memref<72x64xi32, #tpu.memory_space<hbm>>
        %dma_start3A_124 = arith.constant 0 : i32
        %dma_start3A_125 = arith.constant 0 : i32
        %dma_start3A_126 = tpu.memref_slice %arg6[%dma_start3A_124, %dma_start3A_125] : memref<72x64xi32, #tpu.memory_space<vmem>> -> memref<72x64xi32, #tpu.memory_space<vmem>>
        %dma_start3A_127 = arith.constant 0 : i32
        %dma_start3A_128 = tpu.memref_slice %arg3[%add3A_78, %dma_start3A_127] : memref<5120x64xi32, #tpu.memory_space<hbm>> -> memref<72x64xi32, #tpu.memory_space<hbm>>
        tpu.enqueue_dma source(%dma_start3A_128 : memref<72x64xi32, #tpu.memory_space<hbm>>) target(%dma_start3A_126 : memref<72x64xi32, #tpu.memory_space<vmem>>) target_semaphore(%run_scoped3A : memref<!tpu.dma_semaphore, #tpu.memory_space<semaphore_mem>>)
        %dma_wait3A_129 = arith.constant 0 : i32
        %dma_wait3A_130 = arith.constant 0 : i32
        %dma_wait3A_131 = tpu.memref_slice %arg6[%dma_wait3A_129, %dma_wait3A_130] : memref<72x64xi32, #tpu.memory_space<vmem>> -> memref<72x64xi32, #tpu.memory_space<vmem>>
        %dma_wait3A_132 = arith.constant 0 : i32
        %dma_wait3A_133 = tpu.memref_slice %arg3[%add3A_78, %dma_wait3A_132] : memref<5120x64xi32, #tpu.memory_space<hbm>> -> memref<72x64xi32, #tpu.memory_space<hbm>>
        %dma_wait3A_134 = arith.constant 0 : i32
        %dma_wait3A_135 = arith.constant 0 : i32
        %dma_wait3A_136 = tpu.memref_slice %arg6[%dma_wait3A_134, %dma_wait3A_135] : memref<72x64xi32, #tpu.memory_space<vmem>> -> memref<72x64xi32, #tpu.memory_space<vmem>>
        %dma_wait3A_137 = arith.constant 0 : i32
        %dma_wait3A_138 = tpu.memref_slice %arg3[%add3A_78, %dma_wait3A_137] : memref<5120x64xi32, #tpu.memory_space<hbm>> -> memref<72x64xi32, #tpu.memory_space<hbm>>
        tpu.wait_dma2 semaphore(%run_scoped3A : memref<!tpu.dma_semaphore, #tpu.memory_space<semaphore_mem>>) src(%dma_wait3A_138 : memref<72x64xi32, #tpu.memory_space<hbm>>) dst(%dma_wait3A_136 : memref<72x64xi32, #tpu.memory_space<vmem>>)
        tpu.yield
      }) : () -> ()
      "tpu.region"() ({
        %run_scoped3A = tpu.sem_alloc : memref<!tpu.dma_semaphore, #tpu.memory_space<semaphore_mem>>
        %dma_start3A_119 = arith.constant 0 : i32
        %dma_start3A_120 = arith.constant 0 : i32
        %dma_start3A_121 = tpu.memref_slice %arg7[%dma_start3A_119, %dma_start3A_120] : memref<72x64xi32, #tpu.memory_space<vmem>> -> memref<72x64xi32, #tpu.memory_space<vmem>>
        %dma_start3A_122 = arith.constant 0 : i32
        %dma_start3A_123 = tpu.memref_slice %arg4[%add3A_78, %dma_start3A_122] : memref<5120x64xi32, #tpu.memory_space<hbm>> -> memref<72x64xi32, #tpu.memory_space<hbm>>
        %dma_start3A_124 = arith.constant 0 : i32
        %dma_start3A_125 = arith.constant 0 : i32
        %dma_start3A_126 = tpu.memref_slice %arg7[%dma_start3A_124, %dma_start3A_125] : memref<72x64xi32, #tpu.memory_space<vmem>> -> memref<72x64xi32, #tpu.memory_space<vmem>>
        %dma_start3A_127 = arith.constant 0 : i32
        %dma_start3A_128 = tpu.memref_slice %arg4[%add3A_78, %dma_start3A_127] : memref<5120x64xi32, #tpu.memory_space<hbm>> -> memref<72x64xi32, #tpu.memory_space<hbm>>
        tpu.enqueue_dma source(%dma_start3A_128 : memref<72x64xi32, #tpu.memory_space<hbm>>) target(%dma_start3A_126 : memref<72x64xi32, #tpu.memory_space<vmem>>) target_semaphore(%run_scoped3A : memref<!tpu.dma_semaphore, #tpu.memory_space<semaphore_mem>>)
        %dma_wait3A_129 = arith.constant 0 : i32
        %dma_wait3A_130 = arith.constant 0 : i32
        %dma_wait3A_131 = tpu.memref_slice %arg7[%dma_wait3A_129, %dma_wait3A_130] : memref<72x64xi32, #tpu.memory_space<vmem>> -> memref<72x64xi32, #tpu.memory_space<vmem>>
        %dma_wait3A_132 = arith.constant 0 : i32
        %dma_wait3A_133 = tpu.memref_slice %arg4[%add3A_78, %dma_wait3A_132] : memref<5120x64xi32, #tpu.memory_space<hbm>> -> memref<72x64xi32, #tpu.memory_space<hbm>>
        %dma_wait3A_134 = arith.constant 0 : i32
        %dma_wait3A_135 = arith.constant 0 : i32
        %dma_wait3A_136 = tpu.memref_slice %arg7[%dma_wait3A_134, %dma_wait3A_135] : memref<72x64xi32, #tpu.memory_space<vmem>> -> memref<72x64xi32, #tpu.memory_space<vmem>>
        %dma_wait3A_137 = arith.constant 0 : i32
        %dma_wait3A_138 = tpu.memref_slice %arg4[%add3A_78, %dma_wait3A_137] : memref<5120x64xi32, #tpu.memory_space<hbm>> -> memref<72x64xi32, #tpu.memory_space<hbm>>
        tpu.wait_dma2 semaphore(%run_scoped3A : memref<!tpu.dma_semaphore, #tpu.memory_space<semaphore_mem>>) src(%dma_wait3A_138 : memref<72x64xi32, #tpu.memory_space<hbm>>) dst(%dma_wait3A_136 : memref<72x64xi32, #tpu.memory_space<vmem>>)
        tpu.yield
      }) : () -> ()
      %dma_start3A_79 = arith.constant 0 : i32
      %dma_start3A_80 = arith.constant 0 : i32
      %dma_start3A_81 = tpu.memref_slice %arg6[%dma_start3A_79, %dma_start3A_80] : memref<72x64xi32, #tpu.memory_space<vmem>> -> memref<1x64xi32, #tpu.memory_space<vmem>>
      %dma_start3A_82 = tpu.memref_squeeze %dma_start3A_81 : memref<1x64xi32, #tpu.memory_space<vmem>> -> memref<64xi32, #tpu.memory_space<vmem>>
      %dma_start3A_83 = arith.constant 0 : i32
      %dma_start3A_84 = arith.constant 0 : i32
      %dma_start3A_85 = tpu.memref_slice %arg2[%dma_start3A_83, %dma_start3A_84] : memref<10240x128xf32, #tpu.memory_space<hbm>> -> memref<10240x128xf32, #tpu.memory_space<hbm>>
      tpu.enqueue_indirect_dma source(%dma_start3A_85 : memref<10240x128xf32, #tpu.memory_space<hbm>>) target(%arg8 : memref<64x128xf32, #tpu.memory_space<vmem>>) offsets(%dma_start3A_82 : memref<64xi32, #tpu.memory_space<vmem>>) semaphore(%arg12 : memref<!tpu.dma_semaphore, #tpu.memory_space<semaphore_mem>>)
      %dma_start3A_86 = arith.constant 1 : i32
      %dma_start3A_87 = arith.constant 0 : i32
      %dma_start3A_88 = tpu.memref_slice %arg6[%dma_start3A_86, %dma_start3A_87] : memref<72x64xi32, #tpu.memory_space<vmem>> -> memref<1x64xi32, #tpu.memory_space<vmem>>
      %dma_start3A_89 = tpu.memref_squeeze %dma_start3A_88 : memref<1x64xi32, #tpu.memory_space<vmem>> -> memref<64xi32, #tpu.memory_space<vmem>>
      %dma_start3A_90 = arith.constant 0 : i32
      %dma_start3A_91 = arith.constant 0 : i32
      %dma_start3A_92 = tpu.memref_slice %arg2[%dma_start3A_90, %dma_start3A_91] : memref<10240x128xf32, #tpu.memory_space<hbm>> -> memref<10240x128xf32, #tpu.memory_space<hbm>>
      tpu.enqueue_indirect_dma source(%dma_start3A_92 : memref<10240x128xf32, #tpu.memory_space<hbm>>) target(%arg9 : memref<64x128xf32, #tpu.memory_space<vmem>>) offsets(%dma_start3A_89 : memref<64xi32, #tpu.memory_space<vmem>>) semaphore(%arg13 : memref<!tpu.dma_semaphore, #tpu.memory_space<semaphore_mem>>)
      %scan3A_93 = arith.constant 0 : i32
      %scan3A_94 = arith.constant 36 : i32
      %scan3A_95 = arith.addi %scan3A_93, %scan3A_94 : i32
      %scan3A_96 = arith.constant 1 : i32
      scf.for %scan3A_119 = %scan3A_93 to %scan3A_95 step %scan3A_96  : i32 {
        %mul3A_120 = arith.constant 2 : i32
        %mul3A_121 = arith.muli %mul3A_120, %scan3A_119 : i32
        %add3A_122 = arith.constant 0 : i32
        %add3A_123 = arith.addi %mul3A_121, %add3A_122 : i32
        %dma_wait3A_124 = arith.constant 0 : i32
        %dma_wait3A_125 = tpu.memref_slice %arg6[%add3A_123, %dma_wait3A_124] : memref<72x64xi32, #tpu.memory_space<vmem>> -> memref<1x64xi32, #tpu.memory_space<vmem>>
        %dma_wait3A_126 = tpu.memref_squeeze %dma_wait3A_125 : memref<1x64xi32, #tpu.memory_space<vmem>> -> memref<64xi32, #tpu.memory_space<vmem>>
        %dma_wait3A_127 = arith.constant 0 : i32
        %dma_wait3A_128 = arith.constant 0 : i32
        %dma_wait3A_129 = tpu.memref_slice %arg2[%dma_wait3A_127, %dma_wait3A_128] : memref<10240x128xf32, #tpu.memory_space<hbm>> -> memref<10240x128xf32, #tpu.memory_space<hbm>>
        tpu.wait_indirect_dma semaphore(%arg12 : memref<!tpu.dma_semaphore, #tpu.memory_space<semaphore_mem>>) src(%dma_wait3A_129 : memref<10240x128xf32, #tpu.memory_space<hbm>>) dst(%arg8 : memref<64x128xf32, #tpu.memory_space<vmem>>)
        "tpu.region"() ({
          %run_scoped3A = tpu.sem_alloc : memref<!tpu.dma_semaphore, #tpu.memory_space<semaphore_mem>>
          %dma_start3A_153 = arith.constant 0 : i32
          %dma_start3A_154 = tpu.memref_slice %arg7[%add3A_123, %dma_start3A_153] : memref<72x64xi32, #tpu.memory_space<vmem>> -> memref<1x64xi32, #tpu.memory_space<vmem>>
          %dma_start3A_155 = tpu.memref_squeeze %dma_start3A_154 : memref<1x64xi32, #tpu.memory_space<vmem>> -> memref<64xi32, #tpu.memory_space<vmem>>
          %dma_start3A_156 = arith.constant 0 : i32
          %dma_start3A_157 = arith.constant 0 : i32
          %dma_start3A_158 = tpu.memref_slice %arg11[%dma_start3A_156, %dma_start3A_157] : memref<10240x128xf32, #tpu.memory_space<vmem_shared>> -> memref<10240x128xf32, #tpu.memory_space<vmem_shared>>
          tpu.enqueue_indirect_dma source(%arg8 : memref<64x128xf32, #tpu.memory_space<vmem>>) target(%dma_start3A_158 : memref<10240x128xf32, #tpu.memory_space<vmem_shared>>) offsets(%dma_start3A_155 : memref<64xi32, #tpu.memory_space<vmem>>) semaphore(%run_scoped3A : memref<!tpu.dma_semaphore, #tpu.memory_space<semaphore_mem>>) {add = true}
          %dma_wait3A_159 = arith.constant 0 : i32
          %dma_wait3A_160 = tpu.memref_slice %arg7[%add3A_123, %dma_wait3A_159] : memref<72x64xi32, #tpu.memory_space<vmem>> -> memref<1x64xi32, #tpu.memory_space<vmem>>
          %dma_wait3A_161 = tpu.memref_squeeze %dma_wait3A_160 : memref<1x64xi32, #tpu.memory_space<vmem>> -> memref<64xi32, #tpu.memory_space<vmem>>
          %dma_wait3A_162 = arith.constant 0 : i32
          %dma_wait3A_163 = arith.constant 0 : i32
          %dma_wait3A_164 = tpu.memref_slice %arg11[%dma_wait3A_162, %dma_wait3A_163] : memref<10240x128xf32, #tpu.memory_space<vmem_shared>> -> memref<10240x128xf32, #tpu.memory_space<vmem_shared>>
          tpu.wait_indirect_dma semaphore(%run_scoped3A : memref<!tpu.dma_semaphore, #tpu.memory_space<semaphore_mem>>) src(%arg8 : memref<64x128xf32, #tpu.memory_space<vmem>>) dst(%dma_wait3A_164 : memref<10240x128xf32, #tpu.memory_space<vmem_shared>>)
          tpu.yield
        }) : () -> ()
        %add3A_130 = arith.constant 2 : i32
        %add3A_131 = arith.addi %add3A_123, %add3A_130 : i32
        %lt3A = arith.constant 72 : i32
        %lt3A_132 = arith.cmpi slt, %add3A_131, %lt3A : i32
        %convert_element_type3A_133 = arith.extui %lt3A_132 : i1 to i32
        %cond3A_134 = arith.constant 0 : i32
        %cond3A_135 = arith.cmpi ne, %convert_element_type3A_133, %cond3A_134 : i32
        scf.if %cond3A_135 {
          %add3A_153 = arith.constant 2 : i32
          %add3A_154 = arith.addi %add3A_123, %add3A_153 : i32
          %dma_start3A_155 = arith.constant 0 : i32
          %dma_start3A_156 = tpu.memref_slice %arg6[%add3A_154, %dma_start3A_155] : memref<72x64xi32, #tpu.memory_space<vmem>> -> memref<1x64xi32, #tpu.memory_space<vmem>>
          %dma_start3A_157 = tpu.memref_squeeze %dma_start3A_156 : memref<1x64xi32, #tpu.memory_space<vmem>> -> memref<64xi32, #tpu.memory_space<vmem>>
          %dma_start3A_158 = arith.constant 0 : i32
          %dma_start3A_159 = arith.constant 0 : i32
          %dma_start3A_160 = tpu.memref_slice %arg2[%dma_start3A_158, %dma_start3A_159] : memref<10240x128xf32, #tpu.memory_space<hbm>> -> memref<10240x128xf32, #tpu.memory_space<hbm>>
          tpu.enqueue_indirect_dma source(%dma_start3A_160 : memref<10240x128xf32, #tpu.memory_space<hbm>>) target(%arg8 : memref<64x128xf32, #tpu.memory_space<vmem>>) offsets(%dma_start3A_157 : memref<64xi32, #tpu.memory_space<vmem>>) semaphore(%arg12 : memref<!tpu.dma_semaphore, #tpu.memory_space<semaphore_mem>>)
        } else {
        }
        %mul3A_136 = arith.constant 2 : i32
        %mul3A_137 = arith.muli %mul3A_136, %scan3A_119 : i32
        %add3A_138 = arith.constant 1 : i32
        %add3A_139 = arith.addi %mul3A_137, %add3A_138 : i32
        %dma_wait3A_140 = arith.constant 0 : i32
        %dma_wait3A_141 = tpu.memref_slice %arg6[%add3A_139, %dma_wait3A_140] : memref<72x64xi32, #tpu.memory_space<vmem>> -> memref<1x64xi32, #tpu.memory_space<vmem>>
        %dma_wait3A_142 = tpu.memref_squeeze %dma_wait3A_141 : memref<1x64xi32, #tpu.memory_space<vmem>> -> memref<64xi32, #tpu.memory_space<vmem>>
        %dma_wait3A_143 = arith.constant 0 : i32
        %dma_wait3A_144 = arith.constant 0 : i32
        %dma_wait3A_145 = tpu.memref_slice %arg2[%dma_wait3A_143, %dma_wait3A_144] : memref<10240x128xf32, #tpu.memory_space<hbm>> -> memref<10240x128xf32, #tpu.memory_space<hbm>>
        tpu.wait_indirect_dma semaphore(%arg13 : memref<!tpu.dma_semaphore, #tpu.memory_space<semaphore_mem>>) src(%dma_wait3A_145 : memref<10240x128xf32, #tpu.memory_space<hbm>>) dst(%arg9 : memref<64x128xf32, #tpu.memory_space<vmem>>)
        "tpu.region"() ({
          %run_scoped3A = tpu.sem_alloc : memref<!tpu.dma_semaphore, #tpu.memory_space<semaphore_mem>>
          %dma_start3A_153 = arith.constant 0 : i32
          %dma_start3A_154 = tpu.memref_slice %arg7[%add3A_139, %dma_start3A_153] : memref<72x64xi32, #tpu.memory_space<vmem>> -> memref<1x64xi32, #tpu.memory_space<vmem>>
          %dma_start3A_155 = tpu.memref_squeeze %dma_start3A_154 : memref<1x64xi32, #tpu.memory_space<vmem>> -> memref<64xi32, #tpu.memory_space<vmem>>
          %dma_start3A_156 = arith.constant 0 : i32
          %dma_start3A_157 = arith.constant 0 : i32
          %dma_start3A_158 = tpu.memref_slice %arg11[%dma_start3A_156, %dma_start3A_157] : memref<10240x128xf32, #tpu.memory_space<vmem_shared>> -> memref<10240x128xf32, #tpu.memory_space<vmem_shared>>
          tpu.enqueue_indirect_dma source(%arg9 : memref<64x128xf32, #tpu.memory_space<vmem>>) target(%dma_start3A_158 : memref<10240x128xf32, #tpu.memory_space<vmem_shared>>) offsets(%dma_start3A_155 : memref<64xi32, #tpu.memory_space<vmem>>) semaphore(%run_scoped3A : memref<!tpu.dma_semaphore, #tpu.memory_space<semaphore_mem>>) {add = true}
          %dma_wait3A_159 = arith.constant 0 : i32
          %dma_wait3A_160 = tpu.memref_slice %arg7[%add3A_139, %dma_wait3A_159] : memref<72x64xi32, #tpu.memory_space<vmem>> -> memref<1x64xi32, #tpu.memory_space<vmem>>
          %dma_wait3A_161 = tpu.memref_squeeze %dma_wait3A_160 : memref<1x64xi32, #tpu.memory_space<vmem>> -> memref<64xi32, #tpu.memory_space<vmem>>
          %dma_wait3A_162 = arith.constant 0 : i32
          %dma_wait3A_163 = arith.constant 0 : i32
          %dma_wait3A_164 = tpu.memref_slice %arg11[%dma_wait3A_162, %dma_wait3A_163] : memref<10240x128xf32, #tpu.memory_space<vmem_shared>> -> memref<10240x128xf32, #tpu.memory_space<vmem_shared>>
          tpu.wait_indirect_dma semaphore(%run_scoped3A : memref<!tpu.dma_semaphore, #tpu.memory_space<semaphore_mem>>) src(%arg9 : memref<64x128xf32, #tpu.memory_space<vmem>>) dst(%dma_wait3A_164 : memref<10240x128xf32, #tpu.memory_space<vmem_shared>>)
          tpu.yield
        }) : () -> ()
        %add3A_146 = arith.constant 2 : i32
        %add3A_147 = arith.addi %add3A_139, %add3A_146 : i32
        %lt3A_148 = arith.constant 72 : i32
        %lt3A_149 = arith.cmpi slt, %add3A_147, %lt3A_148 : i32
        %convert_element_type3A_150 = arith.extui %lt3A_149 : i1 to i32
        %cond3A_151 = arith.constant 0 : i32
        %cond3A_152 = arith.cmpi ne, %convert_element_type3A_150, %cond3A_151 : i32
        scf.if %cond3A_152 {
          %add3A_153 = arith.constant 2 : i32
          %add3A_154 = arith.addi %add3A_139, %add3A_153 : i32
          %dma_start3A_155 = arith.constant 0 : i32
          %dma_start3A_156 = tpu.memref_slice %arg6[%add3A_154, %dma_start3A_155] : memref<72x64xi32, #tpu.memory_space<vmem>> -> memref<1x64xi32, #tpu.memory_space<vmem>>
          %dma_start3A_157 = tpu.memref_squeeze %dma_start3A_156 : memref<1x64xi32, #tpu.memory_space<vmem>> -> memref<64xi32, #tpu.memory_space<vmem>>
          %dma_start3A_158 = arith.constant 0 : i32
          %dma_start3A_159 = arith.constant 0 : i32
          %dma_start3A_160 = tpu.memref_slice %arg2[%dma_start3A_158, %dma_start3A_159] : memref<10240x128xf32, #tpu.memory_space<hbm>> -> memref<10240x128xf32, #tpu.memory_space<hbm>>
          tpu.enqueue_indirect_dma source(%dma_start3A_160 : memref<10240x128xf32, #tpu.memory_space<hbm>>) target(%arg9 : memref<64x128xf32, #tpu.memory_space<vmem>>) offsets(%dma_start3A_157 : memref<64xi32, #tpu.memory_space<vmem>>) semaphore(%arg13 : memref<!tpu.dma_semaphore, #tpu.memory_space<semaphore_mem>>)
        } else {
        }
      }
      %scan3A_97 = arith.constant 36 : i32
      %barrier3A_98 = arith.constant 0 : index
      tpu.barrier barrier_id(%barrier3A_98)
      %scan3A_99 = arith.constant 0 : i32
      %scan3A_100 = arith.constant 5 : i32
      %scan3A_101 = arith.addi %scan3A_99, %scan3A_100 : i32
      %scan3A_102 = arith.constant 1 : i32
      scf.for %scan3A_119 = %scan3A_99 to %scan3A_101 step %scan3A_102  : i32 {
        %mul3A_120 = arith.constant 2 : i32
        %mul3A_121 = arith.muli %mul3A_120, %scan3A_119 : i32
        %add3A_122 = arith.constant 0 : i32
        %add3A_123 = arith.addi %mul3A_121, %add3A_122 : i32
        %mul3A_124 = arith.constant 640 : i32
        %mul3A_125 = arith.muli %arg1, %mul3A_124 : i32
        %mul3A_126 = arith.constant 64 : i32
        %mul3A_127 = arith.muli %add3A_123, %mul3A_126 : i32
        %add3A_128 = arith.addi %mul3A_125, %mul3A_127 : i32
        %ge3A = arith.constant 2 : i32
        %ge3A_129 = arith.cmpi sge, %add3A_123, %ge3A : i32
        %convert_element_type3A_130 = arith.extui %ge3A_129 : i1 to i32
        %cond3A_131 = arith.constant 0 : i32
        %cond3A_132 = arith.cmpi ne, %convert_element_type3A_130, %cond3A_131 : i32
        scf.if %cond3A_132 {
          %mul3A_159 = arith.constant 640 : i32
          %mul3A_160 = arith.muli %arg1, %mul3A_159 : i32
          %dma_wait3A_161 = arith.constant 0 : i32
          %dma_wait3A_162 = tpu.memref_slice %arg5[%arg0, %mul3A_160, %dma_wait3A_161] : memref<2x10240x128xf32, #tpu.memory_space<hbm>> -> memref<1x64x128xf32, #tpu.memory_space<hbm>>
          %dma_wait3A_163 = tpu.memref_squeeze %dma_wait3A_162 : memref<1x64x128xf32, #tpu.memory_space<hbm>> -> memref<64x128xf32, #tpu.memory_space<hbm>>
          %dma_wait3A_164 = arith.constant 0 : i32
          %dma_wait3A_165 = tpu.memref_slice %arg5[%arg0, %mul3A_160, %dma_wait3A_164] : memref<2x10240x128xf32, #tpu.memory_space<hbm>> -> memref<1x64x128xf32, #tpu.memory_space<hbm>>
          %dma_wait3A_166 = tpu.memref_squeeze %dma_wait3A_165 : memref<1x64x128xf32, #tpu.memory_space<hbm>> -> memref<64x128xf32, #tpu.memory_space<hbm>>
          tpu.wait_dma2 semaphore(%arg12 : memref<!tpu.dma_semaphore, #tpu.memory_space<semaphore_mem>>) src(%arg8 : memref<64x128xf32, #tpu.memory_space<vmem>>) dst(%dma_wait3A_166 : memref<64x128xf32, #tpu.memory_space<hbm>>)
        } else {
        }
        "tpu.region"() ({
          %run_scoped3A = tpu.sem_alloc : memref<!tpu.dma_semaphore, #tpu.memory_space<semaphore_mem>>
          %dma_start3A_159 = arith.constant 0 : i32
          %dma_start3A_160 = tpu.memref_slice %arg11[%add3A_128, %dma_start3A_159] : memref<10240x128xf32, #tpu.memory_space<vmem_shared>> -> memref<64x128xf32, #tpu.memory_space<vmem_shared>>
          %dma_start3A_161 = arith.constant 0 : i32
          %dma_start3A_162 = tpu.memref_slice %arg11[%add3A_128, %dma_start3A_161] : memref<10240x128xf32, #tpu.memory_space<vmem_shared>> -> memref<64x128xf32, #tpu.memory_space<vmem_shared>>
          tpu.enqueue_dma source(%dma_start3A_162 : memref<64x128xf32, #tpu.memory_space<vmem_shared>>) target(%arg8 : memref<64x128xf32, #tpu.memory_space<vmem>>) target_semaphore(%run_scoped3A : memref<!tpu.dma_semaphore, #tpu.memory_space<semaphore_mem>>)
          %dma_wait3A_163 = arith.constant 0 : i32
          %dma_wait3A_164 = tpu.memref_slice %arg11[%add3A_128, %dma_wait3A_163] : memref<10240x128xf32, #tpu.memory_space<vmem_shared>> -> memref<64x128xf32, #tpu.memory_space<vmem_shared>>
          %dma_wait3A_165 = arith.constant 0 : i32
          %dma_wait3A_166 = tpu.memref_slice %arg11[%add3A_128, %dma_wait3A_165] : memref<10240x128xf32, #tpu.memory_space<vmem_shared>> -> memref<64x128xf32, #tpu.memory_space<vmem_shared>>
          tpu.wait_dma2 semaphore(%run_scoped3A : memref<!tpu.dma_semaphore, #tpu.memory_space<semaphore_mem>>) src(%dma_wait3A_166 : memref<64x128xf32, #tpu.memory_space<vmem_shared>>) dst(%arg8 : memref<64x128xf32, #tpu.memory_space<vmem>>)
          tpu.yield
        }) : () -> ()
        %dma_start3A_133 = arith.constant 0 : i32
        %dma_start3A_134 = tpu.memref_slice %arg5[%arg0, %add3A_128, %dma_start3A_133] : memref<2x10240x128xf32, #tpu.memory_space<hbm>> -> memref<1x64x128xf32, #tpu.memory_space<hbm>>
        %dma_start3A_135 = tpu.memref_squeeze %dma_start3A_134 : memref<1x64x128xf32, #tpu.memory_space<hbm>> -> memref<64x128xf32, #tpu.memory_space<hbm>>
        %dma_start3A_136 = arith.constant 0 : i32
        %dma_start3A_137 = tpu.memref_slice %arg5[%arg0, %add3A_128, %dma_start3A_136] : memref<2x10240x128xf32, #tpu.memory_space<hbm>> -> memref<1x64x128xf32, #tpu.memory_space<hbm>>
        %dma_start3A_138 = tpu.memref_squeeze %dma_start3A_137 : memref<1x64x128xf32, #tpu.memory_space<hbm>> -> memref<64x128xf32, #tpu.memory_space<hbm>>
        tpu.enqueue_dma source(%arg8 : memref<64x128xf32, #tpu.memory_space<vmem>>) target(%dma_start3A_138 : memref<64x128xf32, #tpu.memory_space<hbm>>) target_semaphore(%arg12 : memref<!tpu.dma_semaphore, #tpu.memory_space<semaphore_mem>>)
        %mul3A_139 = arith.constant 2 : i32
        %mul3A_140 = arith.muli %mul3A_139, %scan3A_119 : i32
        %add3A_141 = arith.constant 1 : i32
        %add3A_142 = arith.addi %mul3A_140, %add3A_141 : i32
        %mul3A_143 = arith.constant 640 : i32
        %mul3A_144 = arith.muli %arg1, %mul3A_143 : i32
        %mul3A_145 = arith.constant 64 : i32
        %mul3A_146 = arith.muli %add3A_142, %mul3A_145 : i32
        %add3A_147 = arith.addi %mul3A_144, %mul3A_146 : i32
        %ge3A_148 = arith.constant 2 : i32
        %ge3A_149 = arith.cmpi sge, %add3A_142, %ge3A_148 : i32
        %convert_element_type3A_150 = arith.extui %ge3A_149 : i1 to i32
        %cond3A_151 = arith.constant 0 : i32
        %cond3A_152 = arith.cmpi ne, %convert_element_type3A_150, %cond3A_151 : i32
        scf.if %cond3A_152 {
          %mul3A_159 = arith.constant 640 : i32
          %mul3A_160 = arith.muli %arg1, %mul3A_159 : i32
          %dma_wait3A_161 = arith.constant 0 : i32
          %dma_wait3A_162 = tpu.memref_slice %arg5[%arg0, %mul3A_160, %dma_wait3A_161] : memref<2x10240x128xf32, #tpu.memory_space<hbm>> -> memref<1x64x128xf32, #tpu.memory_space<hbm>>
          %dma_wait3A_163 = tpu.memref_squeeze %dma_wait3A_162 : memref<1x64x128xf32, #tpu.memory_space<hbm>> -> memref<64x128xf32, #tpu.memory_space<hbm>>
          %dma_wait3A_164 = arith.constant 0 : i32
          %dma_wait3A_165 = tpu.memref_slice %arg5[%arg0, %mul3A_160, %dma_wait3A_164] : memref<2x10240x128xf32, #tpu.memory_space<hbm>> -> memref<1x64x128xf32, #tpu.memory_space<hbm>>
          %dma_wait3A_166 = tpu.memref_squeeze %dma_wait3A_165 : memref<1x64x128xf32, #tpu.memory_space<hbm>> -> memref<64x128xf32, #tpu.memory_space<hbm>>
          tpu.wait_dma2 semaphore(%arg13 : memref<!tpu.dma_semaphore, #tpu.memory_space<semaphore_mem>>) src(%arg9 : memref<64x128xf32, #tpu.memory_space<vmem>>) dst(%dma_wait3A_166 : memref<64x128xf32, #tpu.memory_space<hbm>>)
        } else {
        }
        "tpu.region"() ({
          %run_scoped3A = tpu.sem_alloc : memref<!tpu.dma_semaphore, #tpu.memory_space<semaphore_mem>>
          %dma_start3A_159 = arith.constant 0 : i32
          %dma_start3A_160 = tpu.memref_slice %arg11[%add3A_147, %dma_start3A_159] : memref<10240x128xf32, #tpu.memory_space<vmem_shared>> -> memref<64x128xf32, #tpu.memory_space<vmem_shared>>
          %dma_start3A_161 = arith.constant 0 : i32
          %dma_start3A_162 = tpu.memref_slice %arg11[%add3A_147, %dma_start3A_161] : memref<10240x128xf32, #tpu.memory_space<vmem_shared>> -> memref<64x128xf32, #tpu.memory_space<vmem_shared>>
          tpu.enqueue_dma source(%dma_start3A_162 : memref<64x128xf32, #tpu.memory_space<vmem_shared>>) target(%arg9 : memref<64x128xf32, #tpu.memory_space<vmem>>) target_semaphore(%run_scoped3A : memref<!tpu.dma_semaphore, #tpu.memory_space<semaphore_mem>>)
          %dma_wait3A_163 = arith.constant 0 : i32
          %dma_wait3A_164 = tpu.memref_slice %arg11[%add3A_147, %dma_wait3A_163] : memref<10240x128xf32, #tpu.memory_space<vmem_shared>> -> memref<64x128xf32, #tpu.memory_space<vmem_shared>>
          %dma_wait3A_165 = arith.constant 0 : i32
          %dma_wait3A_166 = tpu.memref_slice %arg11[%add3A_147, %dma_wait3A_165] : memref<10240x128xf32, #tpu.memory_space<vmem_shared>> -> memref<64x128xf32, #tpu.memory_space<vmem_shared>>
          tpu.wait_dma2 semaphore(%run_scoped3A : memref<!tpu.dma_semaphore, #tpu.memory_space<semaphore_mem>>) src(%dma_wait3A_166 : memref<64x128xf32, #tpu.memory_space<vmem_shared>>) dst(%arg9 : memref<64x128xf32, #tpu.memory_space<vmem>>)
          tpu.yield
        }) : () -> ()
        %dma_start3A_153 = arith.constant 0 : i32
        %dma_start3A_154 = tpu.memref_slice %arg5[%arg0, %add3A_147, %dma_start3A_153] : memref<2x10240x128xf32, #tpu.memory_space<hbm>> -> memref<1x64x128xf32, #tpu.memory_space<hbm>>
        %dma_start3A_155 = tpu.memref_squeeze %dma_start3A_154 : memref<1x64x128xf32, #tpu.memory_space<hbm>> -> memref<64x128xf32, #tpu.memory_space<hbm>>
        %dma_start3A_156 = arith.constant 0 : i32
        %dma_start3A_157 = tpu.memref_slice %arg5[%arg0, %add3A_147, %dma_start3A_156] : memref<2x10240x128xf32, #tpu.memory_space<hbm>> -> memref<1x64x128xf32, #tpu.memory_space<hbm>>
        %dma_start3A_158 = tpu.memref_squeeze %dma_start3A_157 : memref<1x64x128xf32, #tpu.memory_space<hbm>> -> memref<64x128xf32, #tpu.memory_space<hbm>>
        tpu.enqueue_dma source(%arg9 : memref<64x128xf32, #tpu.memory_space<vmem>>) target(%dma_start3A_158 : memref<64x128xf32, #tpu.memory_space<hbm>>) target_semaphore(%arg13 : memref<!tpu.dma_semaphore, #tpu.memory_space<semaphore_mem>>)
      }
      %scan3A_103 = arith.constant 5 : i32
      %mul3A_104 = arith.constant 640 : i32
      %mul3A_105 = arith.muli %arg1, %mul3A_104 : i32
      %dma_wait3A = arith.constant 0 : i32
      %dma_wait3A_106 = tpu.memref_slice %arg5[%arg0, %mul3A_105, %dma_wait3A] : memref<2x10240x128xf32, #tpu.memory_space<hbm>> -> memref<1x64x128xf32, #tpu.memory_space<hbm>>
      %dma_wait3A_107 = tpu.memref_squeeze %dma_wait3A_106 : memref<1x64x128xf32, #tpu.memory_space<hbm>> -> memref<64x128xf32, #tpu.memory_space<hbm>>
      %dma_wait3A_108 = arith.constant 0 : i32
      %dma_wait3A_109 = tpu.memref_slice %arg5[%arg0, %mul3A_105, %dma_wait3A_108] : memref<2x10240x128xf32, #tpu.memory_space<hbm>> -> memref<1x64x128xf32, #tpu.memory_space<hbm>>
      %dma_wait3A_110 = tpu.memref_squeeze %dma_wait3A_109 : memref<1x64x128xf32, #tpu.memory_space<hbm>> -> memref<64x128xf32, #tpu.memory_space<hbm>>
      tpu.wait_dma2 semaphore(%arg12 : memref<!tpu.dma_semaphore, #tpu.memory_space<semaphore_mem>>) src(%arg8 : memref<64x128xf32, #tpu.memory_space<vmem>>) dst(%dma_wait3A_110 : memref<64x128xf32, #tpu.memory_space<hbm>>)
      %mul3A_111 = arith.constant 640 : i32
      %mul3A_112 = arith.muli %arg1, %mul3A_111 : i32
      %dma_wait3A_113 = arith.constant 0 : i32
      %dma_wait3A_114 = tpu.memref_slice %arg5[%arg0, %mul3A_112, %dma_wait3A_113] : memref<2x10240x128xf32, #tpu.memory_space<hbm>> -> memref<1x64x128xf32, #tpu.memory_space<hbm>>
      %dma_wait3A_115 = tpu.memref_squeeze %dma_wait3A_114 : memref<1x64x128xf32, #tpu.memory_space<hbm>> -> memref<64x128xf32, #tpu.memory_space<hbm>>
      %dma_wait3A_116 = arith.constant 0 : i32
      %dma_wait3A_117 = tpu.memref_slice %arg5[%arg0, %mul3A_112, %dma_wait3A_116] : memref<2x10240x128xf32, #tpu.memory_space<hbm>> -> memref<1x64x128xf32, #tpu.memory_space<hbm>>
      %dma_wait3A_118 = tpu.memref_squeeze %dma_wait3A_117 : memref<1x64x128xf32, #tpu.memory_space<hbm>> -> memref<64x128xf32, #tpu.memory_space<hbm>>
      tpu.wait_dma2 semaphore(%arg13 : memref<!tpu.dma_semaphore, #tpu.memory_space<semaphore_mem>>) src(%arg9 : memref<64x128xf32, #tpu.memory_space<vmem>>) dst(%dma_wait3A_118 : memref<64x128xf32, #tpu.memory_space<hbm>>)
    } else {
    }
    return
  }
}

#map = affine_map<(d0, d1) -> (0, 0)>
#map1 = affine_map<(d0, d1) -> (0)>
module attributes {stable_mosaic.version = 14 : i64} {
  func.func @_deg_body(%arg0: i32, %arg1: i32, %arg2: memref<5120x64xi32, #tpu.memory_space<hbm>>, %arg3: memref<20480xf32, #tpu.memory_space<hbm>>, %arg4: memref<160x64xi32, #tpu.memory_space<vmem>>, %arg5: memref<1x64xf32, #tpu.memory_space<vmem>>, %arg6: memref<1x640xf32, #tpu.memory_space<vmem>>, %arg7: memref<10240xf32, #tpu.memory_space<vmem_shared>>) attributes {dimension_semantics = [#tpu.dimension_semantics<core_parallel>, #tpu.dimension_semantics<subcore_parallel>], iteration_bounds = array<i64: 2, 16>, scalar_prefetch = 0 : i64, scratch_operands = 4 : i64, tpu.core_type = #tpu.core_type<sc_vector_subcore>, window_params = [{transform_indices = #map}, {transform_indices = #map1}]} {
    %mul3A = arith.constant 2 : i32
    %mul3A_0 = arith.muli %arg1, %mul3A : i32
    %add3A = arith.addi %mul3A_0, %arg0 : i32
    %scan3A = arith.constant 0 : i32
    %scan3A_1 = arith.constant 0 : i32
    %scan3A_2 = arith.constant 4 : i32
    %scan3A_3 = arith.addi %scan3A_1, %scan3A_2 : i32
    %scan3A_4 = arith.constant 1 : i32
    scf.for %scan3A_31 = %scan3A_1 to %scan3A_3 step %scan3A_4  : i32 {
      %broadcast_in_dim3A = arith.constant 1.000000e+00 : f32
      %broadcast_in_dim3A_32 = vector.broadcast %broadcast_in_dim3A : f32 to vector<16xf32>
      %mul3A_33 = arith.constant 16 : i32
      %mul3A_34 = arith.muli %scan3A_31, %mul3A_33 : i32
      %swap3A = arith.index_cast %scan3A : i32 to index
      %swap3A_35 = arith.index_cast %mul3A_34 : i32 to index
      %swap3A_36 = tpu.vector_load %arg5[%swap3A, %swap3A_35] {strides = array<i32>} : memref<1x64xf32, #tpu.memory_space<vmem>>, vector<1x16xf32>,
      %swap3A_37 = vector.shape_cast %swap3A_36 : vector<1x16xf32> to vector<16xf32>
      %swap3A_38 = vector.shape_cast %broadcast_in_dim3A_32 : vector<16xf32> to vector<1x16xf32>
      tpu.vector_store %arg5[%swap3A, %swap3A_35], %swap3A_38 {strides = array<i32>} : memref<1x64xf32, #tpu.memory_space<vmem>>, vector<1x16xf32>,
    }
    %scan3A_5 = arith.constant 4 : i32
    %scan3A_6 = arith.constant 1 : i32
    %scan3A_7 = arith.constant 0 : i32
    %scan3A_8 = arith.constant 0 : i32
    %scan3A_9 = arith.constant 40 : i32
    %scan3A_10 = arith.addi %scan3A_8, %scan3A_9 : i32
    %scan3A_11 = arith.constant 1 : i32
    scf.for %scan3A_31 = %scan3A_8 to %scan3A_10 step %scan3A_11  : i32 {
      %broadcast_in_dim3A = arith.constant 0.000000e+00 : f32
      %broadcast_in_dim3A_32 = vector.broadcast %broadcast_in_dim3A : f32 to vector<16xf32>
      %mul3A_33 = arith.constant 16 : i32
      %mul3A_34 = arith.muli %scan3A_31, %mul3A_33 : i32
      %swap3A = arith.index_cast %scan3A_7 : i32 to index
      %swap3A_35 = arith.index_cast %mul3A_34 : i32 to index
      %swap3A_36 = tpu.vector_load %arg6[%swap3A, %swap3A_35] {strides = array<i32>} : memref<1x640xf32, #tpu.memory_space<vmem>>, vector<1x16xf32>,
      %swap3A_37 = vector.shape_cast %swap3A_36 : vector<1x16xf32> to vector<16xf32>
      %swap3A_38 = vector.shape_cast %broadcast_in_dim3A_32 : vector<16xf32> to vector<1x16xf32>
      tpu.vector_store %arg6[%swap3A, %swap3A_35], %swap3A_38 {strides = array<i32>} : memref<1x640xf32, #tpu.memory_space<vmem>>, vector<1x16xf32>,
    }
    %scan3A_12 = arith.constant 40 : i32
    %scan3A_13 = arith.constant 1 : i32
    %mul3A_14 = arith.constant 640 : i32
    %mul3A_15 = arith.muli %arg1, %mul3A_14 : i32
    %run_scoped3A = arith.constant 0 : i32
    "tpu.region"() ({
      %run_scoped3A_31 = tpu.sem_alloc : memref<!tpu.dma_semaphore, #tpu.memory_space<semaphore_mem>>
      %dma_start3A = arith.constant 0 : i32
      %dma_start3A_32 = tpu.memref_slice %arg6[%run_scoped3A, %dma_start3A] : memref<1x640xf32, #tpu.memory_space<vmem>> -> memref<1x640xf32, #tpu.memory_space<vmem>>
      %dma_start3A_33 = tpu.memref_squeeze %dma_start3A_32 : memref<1x640xf32, #tpu.memory_space<vmem>> -> memref<640xf32, #tpu.memory_space<vmem>>
      %dma_start3A_34 = tpu.memref_slice %arg7[%mul3A_15] : memref<10240xf32, #tpu.memory_space<vmem_shared>> -> memref<640xf32, #tpu.memory_space<vmem_shared>>
      %dma_start3A_35 = tpu.memref_slice %arg7[%mul3A_15] : memref<10240xf32, #tpu.memory_space<vmem_shared>> -> memref<640xf32, #tpu.memory_space<vmem_shared>>
      %dma_start3A_36 = arith.constant 0 : i32
      %dma_start3A_37 = tpu.memref_slice %arg6[%run_scoped3A, %dma_start3A_36] : memref<1x640xf32, #tpu.memory_space<vmem>> -> memref<1x640xf32, #tpu.memory_space<vmem>>
      %dma_start3A_38 = tpu.memref_squeeze %dma_start3A_37 : memref<1x640xf32, #tpu.memory_space<vmem>> -> memref<640xf32, #tpu.memory_space<vmem>>
      tpu.enqueue_dma source(%dma_start3A_38 : memref<640xf32, #tpu.memory_space<vmem>>) target(%dma_start3A_35 : memref<640xf32, #tpu.memory_space<vmem_shared>>) target_semaphore(%run_scoped3A_31 : memref<!tpu.dma_semaphore, #tpu.memory_space<semaphore_mem>>)
      %dma_wait3A = arith.constant 0 : i32
      %dma_wait3A_39 = tpu.memref_slice %arg6[%run_scoped3A, %dma_wait3A] : memref<1x640xf32, #tpu.memory_space<vmem>> -> memref<1x640xf32, #tpu.memory_space<vmem>>
      %dma_wait3A_40 = tpu.memref_squeeze %dma_wait3A_39 : memref<1x640xf32, #tpu.memory_space<vmem>> -> memref<640xf32, #tpu.memory_space<vmem>>
      %dma_wait3A_41 = tpu.memref_slice %arg7[%mul3A_15] : memref<10240xf32, #tpu.memory_space<vmem_shared>> -> memref<640xf32, #tpu.memory_space<vmem_shared>>
      %dma_wait3A_42 = tpu.memref_slice %arg7[%mul3A_15] : memref<10240xf32, #tpu.memory_space<vmem_shared>> -> memref<640xf32, #tpu.memory_space<vmem_shared>>
      %dma_wait3A_43 = arith.constant 0 : i32
      %dma_wait3A_44 = tpu.memref_slice %arg6[%run_scoped3A, %dma_wait3A_43] : memref<1x640xf32, #tpu.memory_space<vmem>> -> memref<1x640xf32, #tpu.memory_space<vmem>>
      %dma_wait3A_45 = tpu.memref_squeeze %dma_wait3A_44 : memref<1x640xf32, #tpu.memory_space<vmem>> -> memref<640xf32, #tpu.memory_space<vmem>>
      tpu.wait_dma2 semaphore(%run_scoped3A_31 : memref<!tpu.dma_semaphore, #tpu.memory_space<semaphore_mem>>) src(%dma_wait3A_45 : memref<640xf32, #tpu.memory_space<vmem>>) dst(%dma_wait3A_42 : memref<640xf32, #tpu.memory_space<vmem_shared>>)
      tpu.yield
    }) : () -> ()
    %barrier3A = arith.constant 0 : index
    tpu.barrier barrier_id(%barrier3A)
    %mul3A_16 = arith.constant 160 : i32
    %mul3A_17 = arith.muli %add3A, %mul3A_16 : i32
    "tpu.region"() ({
      %run_scoped3A_31 = tpu.sem_alloc : memref<!tpu.dma_semaphore, #tpu.memory_space<semaphore_mem>>
      %dma_start3A = arith.constant 0 : i32
      %dma_start3A_32 = tpu.memref_slice %arg2[%mul3A_17, %dma_start3A] : memref<5120x64xi32, #tpu.memory_space<hbm>> -> memref<160x64xi32, #tpu.memory_space<hbm>>
      %dma_start3A_33 = arith.constant 0 : i32
      %dma_start3A_34 = tpu.memref_slice %arg2[%mul3A_17, %dma_start3A_33] : memref<5120x64xi32, #tpu.memory_space<hbm>> -> memref<160x64xi32, #tpu.memory_space<hbm>>
      tpu.enqueue_dma source(%dma_start3A_34 : memref<160x64xi32, #tpu.memory_space<hbm>>) target(%arg4 : memref<160x64xi32, #tpu.memory_space<vmem>>) target_semaphore(%run_scoped3A_31 : memref<!tpu.dma_semaphore, #tpu.memory_space<semaphore_mem>>)
      %dma_wait3A = arith.constant 0 : i32
      %dma_wait3A_35 = tpu.memref_slice %arg2[%mul3A_17, %dma_wait3A] : memref<5120x64xi32, #tpu.memory_space<hbm>> -> memref<160x64xi32, #tpu.memory_space<hbm>>
      %dma_wait3A_36 = arith.constant 0 : i32
      %dma_wait3A_37 = tpu.memref_slice %arg2[%mul3A_17, %dma_wait3A_36] : memref<5120x64xi32, #tpu.memory_space<hbm>> -> memref<160x64xi32, #tpu.memory_space<hbm>>
      tpu.wait_dma2 semaphore(%run_scoped3A_31 : memref<!tpu.dma_semaphore, #tpu.memory_space<semaphore_mem>>) src(%dma_wait3A_37 : memref<160x64xi32, #tpu.memory_space<hbm>>) dst(%arg4 : memref<160x64xi32, #tpu.memory_space<vmem>>)
      tpu.yield
    }) : () -> ()
    %scan3A_18 = arith.constant 0 : i32
    %scan3A_19 = arith.constant 160 : i32
    %scan3A_20 = arith.addi %scan3A_18, %scan3A_19 : i32
    %scan3A_21 = arith.constant 1 : i32
    scf.for %scan3A_31 = %scan3A_18 to %scan3A_20 step %scan3A_21  : i32 {
      %run_scoped3A_32 = arith.constant 0 : i32
      "tpu.region"() ({
        %run_scoped3A_33 = tpu.sem_alloc : memref<!tpu.dma_semaphore, #tpu.memory_space<semaphore_mem>>
        %dma_start3A = arith.constant 0 : i32
        %dma_start3A_34 = tpu.memref_slice %arg5[%run_scoped3A_32, %dma_start3A] : memref<1x64xf32, #tpu.memory_space<vmem>> -> memref<1x64xf32, #tpu.memory_space<vmem>>
        %dma_start3A_35 = tpu.memref_squeeze %dma_start3A_34 : memref<1x64xf32, #tpu.memory_space<vmem>> -> memref<64xf32, #tpu.memory_space<vmem>>
        %dma_start3A_36 = arith.constant 0 : i32
        %dma_start3A_37 = tpu.memref_slice %arg4[%scan3A_31, %dma_start3A_36] : memref<160x64xi32, #tpu.memory_space<vmem>> -> memref<1x64xi32, #tpu.memory_space<vmem>>
        %dma_start3A_38 = tpu.memref_squeeze %dma_start3A_37 : memref<1x64xi32, #tpu.memory_space<vmem>> -> memref<64xi32, #tpu.memory_space<vmem>>
        %dma_start3A_39 = arith.constant 0 : i32
        %dma_start3A_40 = tpu.memref_slice %arg7[%dma_start3A_39] : memref<10240xf32, #tpu.memory_space<vmem_shared>> -> memref<10240xf32, #tpu.memory_space<vmem_shared>>
        tpu.enqueue_indirect_dma source(%dma_start3A_35 : memref<64xf32, #tpu.memory_space<vmem>>) target(%dma_start3A_40 : memref<10240xf32, #tpu.memory_space<vmem_shared>>) offsets(%dma_start3A_38 : memref<64xi32, #tpu.memory_space<vmem>>) semaphore(%run_scoped3A_33 : memref<!tpu.dma_semaphore, #tpu.memory_space<semaphore_mem>>) {add = true}
        %dma_wait3A = arith.constant 0 : i32
        %dma_wait3A_41 = tpu.memref_slice %arg5[%run_scoped3A_32, %dma_wait3A] : memref<1x64xf32, #tpu.memory_space<vmem>> -> memref<1x64xf32, #tpu.memory_space<vmem>>
        %dma_wait3A_42 = tpu.memref_squeeze %dma_wait3A_41 : memref<1x64xf32, #tpu.memory_space<vmem>> -> memref<64xf32, #tpu.memory_space<vmem>>
        %dma_wait3A_43 = arith.constant 0 : i32
        %dma_wait3A_44 = tpu.memref_slice %arg4[%scan3A_31, %dma_wait3A_43] : memref<160x64xi32, #tpu.memory_space<vmem>> -> memref<1x64xi32, #tpu.memory_space<vmem>>
        %dma_wait3A_45 = tpu.memref_squeeze %dma_wait3A_44 : memref<1x64xi32, #tpu.memory_space<vmem>> -> memref<64xi32, #tpu.memory_space<vmem>>
        %dma_wait3A_46 = arith.constant 0 : i32
        %dma_wait3A_47 = tpu.memref_slice %arg7[%dma_wait3A_46] : memref<10240xf32, #tpu.memory_space<vmem_shared>> -> memref<10240xf32, #tpu.memory_space<vmem_shared>>
        tpu.wait_indirect_dma semaphore(%run_scoped3A_33 : memref<!tpu.dma_semaphore, #tpu.memory_space<semaphore_mem>>) src(%dma_wait3A_42 : memref<64xf32, #tpu.memory_space<vmem>>) dst(%dma_wait3A_47 : memref<10240xf32, #tpu.memory_space<vmem_shared>>)
        tpu.yield
      }) : () -> ()
    }
    %scan3A_22 = arith.constant 160 : i32
    %barrier3A_23 = arith.constant 0 : index
    tpu.barrier barrier_id(%barrier3A_23)
    %mul3A_24 = arith.constant 640 : i32
    %mul3A_25 = arith.muli %arg1, %mul3A_24 : i32
    %mul3A_26 = arith.constant 10240 : i32
    %mul3A_27 = arith.muli %arg0, %mul3A_26 : i32
    %mul3A_28 = arith.constant 640 : i32
    %mul3A_29 = arith.muli %arg1, %mul3A_28 : i32
    %add3A_30 = arith.addi %mul3A_27, %mul3A_29 : i32
    "tpu.region"() ({
      %run_scoped3A_31 = tpu.sem_alloc : memref<!tpu.dma_semaphore, #tpu.memory_space<semaphore_mem>>
      %dma_start3A = tpu.memref_slice %arg3[%add3A_30] : memref<20480xf32, #tpu.memory_space<hbm>> -> memref<640xf32, #tpu.memory_space<hbm>>
      %dma_start3A_32 = tpu.memref_slice %arg7[%mul3A_25] : memref<10240xf32, #tpu.memory_space<vmem_shared>> -> memref<640xf32, #tpu.memory_space<vmem_shared>>
      tpu.enqueue_dma source(%dma_start3A_32 : memref<640xf32, #tpu.memory_space<vmem_shared>>) target(%dma_start3A : memref<640xf32, #tpu.memory_space<hbm>>) target_semaphore(%run_scoped3A_31 : memref<!tpu.dma_semaphore, #tpu.memory_space<semaphore_mem>>)
      %dma_wait3A = tpu.memref_slice %arg3[%add3A_30] : memref<20480xf32, #tpu.memory_space<hbm>> -> memref<640xf32, #tpu.memory_space<hbm>>
      %dma_wait3A_33 = tpu.memref_slice %arg7[%mul3A_25] : memref<10240xf32, #tpu.memory_space<vmem_shared>> -> memref<640xf32, #tpu.memory_space<vmem_shared>>
      tpu.wait_dma2 semaphore(%run_scoped3A_31 : memref<!tpu.dma_semaphore, #tpu.memory_space<semaphore_mem>>) src(%dma_wait3A_33 : memref<640xf32, #tpu.memory_space<vmem_shared>>) dst(%dma_wait3A : memref<640xf32, #tpu.memory_space<hbm>>)
      tpu.yield
    }) : () -> ()
    return
  }
}

module attributes {stable_mosaic.version = 14 : i64} {
  func.func @_z_kernel(%arg0: i32, %arg1: memref<640x128xf32, #tpu.memory_space<vmem>>, %arg2: memref<128x128xf32, #tpu.memory_space<vmem>>, %arg3: memref<2x10240xf32, #tpu.memory_space<vmem>>, %arg4: memref<640x128xf32, #tpu.memory_space<vmem>>) attributes {dimension_semantics = [#tpu.dimension_semantics<arbitrary>], iteration_bounds = array<i64: 16>, scalar_prefetch = 0 : i64, scratch_operands = 0 : i64, tpu.core_type = #tpu.core_type<tc>, window_params = [{transform_indices = @transform_0, window_bounds = array<i64: 640, 128>}, {pipeline_mode = #tpu.pipeline_mode<synchronous>, transform_indices = @transform_1, window_bounds = array<i64: 128, 128>}, {pipeline_mode = #tpu.pipeline_mode<synchronous>, transform_indices = @transform_2, window_bounds = array<i64: 2, 10240>}, {transform_indices = @transform_3, window_bounds = array<i64: 640, 128>}]} {
    %mul3A = arith.constant 640 : i32
    %mul3A_0 = arith.muli %arg0, %mul3A : i32
    %get3A = arith.constant 0 : index
    %get3A_1 = arith.index_cast %mul3A_0 : i32 to index
    %get3A_2 = vector.load %arg3[%get3A, %get3A_1] : memref<2x10240xf32, #tpu.memory_space<vmem>>, vector<1x640xf32>
    %get3A_3 = vector.shape_cast %get3A_2 : vector<1x640xf32> to vector<640xf32>
    %mul3A_4 = arith.constant 640 : i32
    %mul3A_5 = arith.muli %arg0, %mul3A_4 : i32
    %get3A_6 = arith.constant 1 : index
    %get3A_7 = arith.index_cast %mul3A_5 : i32 to index
    %get3A_8 = vector.load %arg3[%get3A_6, %get3A_7] : memref<2x10240xf32, #tpu.memory_space<vmem>>, vector<1x640xf32>
    %get3A_9 = vector.shape_cast %get3A_8 : vector<1x640xf32> to vector<640xf32>
    %add3A = arith.addf %get3A_3, %get3A_9 : vector<640xf32>
    %add3A_10 = arith.constant 1.000000e+00 : f32
    %add3A_11 = vector.broadcast %add3A_10 : f32 to vector<640xf32>
    %add3A_12 = arith.addf %add3A, %add3A_11 : vector<640xf32>
    %rsqrt3A = math.rsqrt %add3A_12 : vector<640xf32>
    %get3A_13 = arith.constant 0 : index
    %get3A_14 = arith.constant 0 : index
    %get3A_15 = vector.load %arg1[%get3A_13, %get3A_14] : memref<640x128xf32, #tpu.memory_space<vmem>>, vector<640x128xf32>
    %get3A_16 = arith.constant 0 : index
    %get3A_17 = arith.constant 0 : index
    %get3A_18 = vector.load %arg2[%get3A_16, %get3A_17] : memref<128x128xf32, #tpu.memory_space<vmem>>, vector<128x128xf32>
    %dot_general3A = arith.constant dense<0.000000e+00> : vector<640x128xf32>
    %dot_general3A_19 = tpu.matmul %get3A_15, %get3A_18, %dot_general3A {dimension_numbers = #tpu.dot_dimension_numbers<[1], [0], [0], [1], [0, 0, 1, 1], [], []>, transpose_lhs_hint = false} : vector<640x128xf32>, vector<128x128xf32>, vector<640x128xf32> -> vector<640x128xf32>
    %broadcast_in_dim3A = vector.shape_cast %rsqrt3A : vector<640xf32> to vector<640x1xf32>
    %mul3A_20 = vector.broadcast %broadcast_in_dim3A : vector<640x1xf32> to vector<640x128xf32>
    %mul3A_21 = arith.mulf %dot_general3A_19, %mul3A_20 : vector<640x128xf32>
    %swap3A = arith.constant 0 : index
    %swap3A_22 = arith.constant 0 : index
    %swap3A_23 = vector.load %arg4[%swap3A, %swap3A_22] : memref<640x128xf32, #tpu.memory_space<vmem>>, vector<640x128xf32>
    tpu.vector_store %arg4[%swap3A, %swap3A_22], %mul3A_21 {strides = array<i32>} : memref<640x128xf32, #tpu.memory_space<vmem>>, vector<640x128xf32>,
    return
  }
  func.func @transform_0(%arg0: i32) -> (i32, i32) {
    %c0_i32 = arith.constant 0 : i32
    %c0_i32_0 = arith.constant 0 : i32
    return %arg0, %c0_i32 : i32, i32
  }
  func.func @transform_1(%arg0: i32) -> (i32, i32) {
    %c0_i32 = arith.constant 0 : i32
    %c0_i32_0 = arith.constant 0 : i32
    %c0_i32_1 = arith.constant 0 : i32
    return %c0_i32, %c0_i32_0 : i32, i32
  }
  func.func @transform_2(%arg0: i32) -> (i32, i32) {
    %c0_i32 = arith.constant 0 : i32
    %c0_i32_0 = arith.constant 0 : i32
    %c0_i32_1 = arith.constant 0 : i32
    return %c0_i32, %c0_i32_0 : i32, i32
  }
  func.func @transform_3(%arg0: i32) -> (i32, i32) {
    %c0_i32 = arith.constant 0 : i32
    %c0_i32_0 = arith.constant 0 : i32
    return %arg0, %c0_i32 : i32, i32
  }
}

module attributes {stable_mosaic.version = 14 : i64} {
  func.func @_out_kernel(%arg0: i32, %arg1: memref<2x400x128xf32, #tpu.memory_space<vmem>>, %arg2: memref<400x128xf32, #tpu.memory_space<vmem>>, %arg3: memref<400x2xf32, #tpu.memory_space<vmem>>, %arg4: memref<1x128xf32, #tpu.memory_space<vmem>>, %arg5: memref<400x128xf32, #tpu.memory_space<vmem>>) attributes {dimension_semantics = [#tpu.dimension_semantics<arbitrary>], iteration_bounds = array<i64: 25>, scalar_prefetch = 0 : i64, scratch_operands = 0 : i64, tpu.core_type = #tpu.core_type<tc>, window_params = [{transform_indices = @transform_0, window_bounds = array<i64: 2, 400, 128>}, {transform_indices = @transform_1, window_bounds = array<i64: 400, 128>}, {transform_indices = @transform_2, window_bounds = array<i64: 400, 2>}, {pipeline_mode = #tpu.pipeline_mode<synchronous>, transform_indices = @transform_3, window_bounds = array<i64: 1, 128>}, {transform_indices = @transform_4, window_bounds = array<i64: 400, 128>}]} {
    %get3A = arith.constant 0 : index
    %get3A_0 = arith.constant 0 : index
    %get3A_1 = vector.load %arg3[%get3A, %get3A_0] : memref<400x2xf32, #tpu.memory_space<vmem>>, vector<400x1xf32>
    %get3A_2 = vector.shape_cast %get3A_1 : vector<400x1xf32> to vector<400xf32>
    %get3A_3 = arith.constant 0 : index
    %get3A_4 = arith.constant 1 : index
    %get3A_5 = vector.load %arg3[%get3A_3, %get3A_4] : memref<400x2xf32, #tpu.memory_space<vmem>>, vector<400x1xf32>
    %get3A_6 = vector.shape_cast %get3A_5 : vector<400x1xf32> to vector<400xf32>
    %add3A = arith.addf %get3A_2, %get3A_6 : vector<400xf32>
    %add3A_7 = arith.constant 1.000000e+00 : f32
    %add3A_8 = vector.broadcast %add3A_7 : f32 to vector<400xf32>
    %add3A_9 = arith.addf %add3A, %add3A_8 : vector<400xf32>
    %rsqrt3A = math.rsqrt %add3A_9 : vector<400xf32>
    %get3A_10 = arith.constant 0 : index
    %get3A_11 = arith.constant 0 : index
    %get3A_12 = arith.constant 0 : index
    %get3A_13 = vector.load %arg1[%get3A_10, %get3A_11, %get3A_12] : memref<2x400x128xf32, #tpu.memory_space<vmem>>, vector<1x400x128xf32>
    %get3A_14 = vector.shape_cast %get3A_13 : vector<1x400x128xf32> to vector<400x128xf32>
    %get3A_15 = arith.constant 0 : index
    %get3A_16 = arith.constant 0 : index
    %get3A_17 = vector.load %arg2[%get3A_15, %get3A_16] : memref<400x128xf32, #tpu.memory_space<vmem>>, vector<400x128xf32>
    %add3A_18 = arith.addf %get3A_14, %get3A_17 : vector<400x128xf32>
    %get3A_19 = arith.constant 1 : index
    %get3A_20 = arith.constant 0 : index
    %get3A_21 = arith.constant 0 : index
    %get3A_22 = vector.load %arg1[%get3A_19, %get3A_20, %get3A_21] : memref<2x400x128xf32, #tpu.memory_space<vmem>>, vector<1x400x128xf32>
    %get3A_23 = vector.shape_cast %get3A_22 : vector<1x400x128xf32> to vector<400x128xf32>
    %add3A_24 = arith.addf %add3A_18, %get3A_23 : vector<400x128xf32>
    %broadcast_in_dim3A = vector.shape_cast %rsqrt3A : vector<400xf32> to vector<400x1xf32>
    %mul3A = vector.broadcast %broadcast_in_dim3A : vector<400x1xf32> to vector<400x128xf32>
    %mul3A_25 = arith.mulf %add3A_24, %mul3A : vector<400x128xf32>
    %get3A_26 = arith.constant 0 : index
    %get3A_27 = arith.constant 0 : index
    %get3A_28 = vector.load %arg4[%get3A_26, %get3A_27] : memref<1x128xf32, #tpu.memory_space<vmem>>, vector<1x128xf32>
    %add3A_29 = vector.broadcast %get3A_28 : vector<1x128xf32> to vector<400x128xf32>
    %add3A_30 = arith.addf %mul3A_25, %add3A_29 : vector<400x128xf32>
    %swap3A = arith.constant 0 : index
    %swap3A_31 = arith.constant 0 : index
    %swap3A_32 = vector.load %arg5[%swap3A, %swap3A_31] : memref<400x128xf32, #tpu.memory_space<vmem>>, vector<400x128xf32>
    tpu.vector_store %arg5[%swap3A, %swap3A_31], %add3A_30 {strides = array<i32>} : memref<400x128xf32, #tpu.memory_space<vmem>>, vector<400x128xf32>,
    return
  }
  func.func @transform_0(%arg0: i32) -> (i32, i32, i32) {
    %c0_i32 = arith.constant 0 : i32
    %c0_i32_0 = arith.constant 0 : i32
    %c0_i32_1 = arith.constant 0 : i32
    return %c0_i32, %arg0, %c0_i32_0 : i32, i32, i32
  }
  func.func @transform_1(%arg0: i32) -> (i32, i32) {
    %c0_i32 = arith.constant 0 : i32
    %c0_i32_0 = arith.constant 0 : i32
    return %arg0, %c0_i32 : i32, i32
  }
  func.func @transform_2(%arg0: i32) -> (i32, i32) {
    %c0_i32 = arith.constant 0 : i32
    %c0_i32_0 = arith.constant 0 : i32
    return %arg0, %c0_i32 : i32, i32
  }
  func.func @transform_3(%arg0: i32) -> (i32, i32) {
    %c0_i32 = arith.constant 0 : i32
    %c0_i32_0 = arith.constant 0 : i32
    %c0_i32_1 = arith.constant 0 : i32
    return %c0_i32, %c0_i32_0 : i32, i32
  }
  func.func @transform_4(%arg0: i32) -> (i32, i32) {
    %c0_i32 = arith.constant 0 : i32
    %c0_i32_0 = arith.constant 0 : i32
    return %arg0, %c0_i32 : i32, i32
  }
}

</mosaic_0001>

<sc_bundles>
// kernel: kernel.6.cloned.1.call-start
scs
__scs_entry_jumppad:
0x0: {  	(pc) =	sbr.rel $0x88, $3  }
0x1: {  	(tag) =	ssettag $0x0;
	lr =	simm.s32 $0x1  }
0x2: {  	[smem:$0x3F9B] =	sst lr;
	_ =	strace $0xD0000000  }
0x3: {  	_ = 	snop  }
0x4: {  	_ = 	snop  }
0x5: {  	_ = 	snop  }
0x6: {  	_ = 	snop  }
0x7: {  	_ = 	snop  }
__scs_overlays_trampoline_lowered:
0x8: {  	[smem:$0x3FAA] =	sst s0  }
0x9: {  	[smem:$0x3FAB] =	sst s1  }
0xa: {  	[smem:$0x3FAC] =	sst s2  }
0xb: {  	[smem:$0x3FAD] =	sst s3  }
0xc: {  	[smem:$0x3FAE] =	sst s4  }
0xd: {  	[smem:$0x3FAF] =	sst s5  }
0xe: {  	[smem:$0x3FB0] =	sst s6  }
0xf: {  	[smem:$0x3FB1] =	sst s7  }
0x10: {  	[smem:$0x3FB2] =	sst s8  }
0x11: {  	[smem:$0x3FB3] =	sst s9;
	s0 =	simm.s32 @!p0 $0x0  }
0x12: {  	s1 =	sld [smem:$0x3F99];
	s0 =	simm.s32 @p0 $0x1  }
0x13: {  	[smem:$0x3FB4] =	sst s0;
	s0 =	simm.s32 @!p1 $0x0  }
0x14: {  	s2 =	sld [smem:$0x3F98];
	s0 =	simm.s32 @p1 $0x1  }
0x15: {  	[smem:$0x3FB5] =	sst s0;
	s0 =	simm.s32 @!p2 $0x0  }
0x16: {  	s3 =	sld [smem:$0x3FDB];
	s0 =	simm.s32 @p2 $0x1  }
0x17: {  	s4 =	simm.s32 $0x1BF5;
	[smem:$0x3FB7] =	sst s0  }
0x18: {  	s0 =	sld [smem:$0x3F9A];
	_ =	swait.ge [sflag:s4], $0x0  }
0x19: {  	s7 =	sld [smem:$0x3F9B]  }
0x1a: {  	s8 =	sadd.s32 $0xFFFFE003, lr  }
0x1b: {  	s9 =	sadd.s32 $0xFFFFFEF7, lr;
	s5 =	simm.s32 $0xFFFFFFFF;
	p2 =	slt.u32 s8, $0xFFFFF086  }
0x1c: {  	p1 =	slt.u32 s9, $0xF7A;
	s5 =	simm.s32 @!p2 $0x0  }
0x1d: {  	s5 =	simm.s32 @p1 $0x1;
	p0 =	seq.s32 s7, s2  }
0x1e: {  	s7 =	smul.u32 @!p0 $0xF7A, s2;
	p2 =	seq.s32 @!p0 s5, $0x0  }
0x1f: {  	s9 =	smul.u32 $0xF7A, s1;
	s8 =	simm.s32 @!p0 $0x1BF5;
	p2 =	por !p2, p0  }
0x20: {  	[sflag:s8] =	ssyncset.s32 @!p0 $0xFFFFF086;
	s6 =	sadd.s32 @!p0 s3, s7;
	s7 =	simm.s32 @!p0 $0x108  }
0x21: {  	s3 =	sadd.s32 s3, s9;
	s6 =	sadd.s32 @!p0 $0x88, s6;
	s7 =	simm.s32 @p2 $0x1082  }
0x22: {  	[simem:s7], [sflag:s8] =	dma.local @!p0 [hbm:s6], $0xF7A  }
0x23: {  	s9 =	sor.u32 $0xD0000000, s2;
	s6 =	simm.s32 $0x108;
	_ =	swait.ge @!p0 [sflag:s8], $0x0  }
0x24: {  	s3 =	sadd.s32 $0x88, s3;
	s6 =	simm.s32 @!p1 $0x1082;
	[sflag:s4] =	ssyncset.s32 $0xFFFFF086  }
0x25: {  	[simem:s6], [sflag:s4] =	dma.local [hbm:s3], $0xF7A  }
0x26: {  	[smem:$0x3F9B] =	sst s1;
	(tag) =	ssettag s2;
	_ =	strace s9  }
0x27: {  	s1 =	sld [smem:$0x3FAB]  }
0x28: {  	s2 =	sld [smem:$0x3FAC]  }
0x29: {  	s4 =	sld [smem:$0x3FAE]  }
0x2a: {  	p0 =	seq.s32 s5, $0x0;
	s5 =	sld [smem:$0x3FAF]  }
0x2b: {  	s6 =	sld [smem:$0x3FB0]  }
0x2c: {  	s7 =	sld [smem:$0x3FB1]  }
0x2d: {  	s3 =	simm.s32 $0x108;
	s8 =	sld [smem:$0x3FB2]  }
0x2e: {  	s3 =	simm.s32 @!p0 $0x1082;
	s9 =	sld [smem:$0x3FB3]  }
0x2f: {  	lr =	sadd.s32 s0, s3;
	s0 =	sld [smem:$0x3FAA]  }
0x30: {  	s3 =	sld [smem:$0x3FAD]  }
0x31: {  	[smem:$0x3FB6] =	sst s10  }
0x32: {  	s10 =	sld [smem:$0x3FB4];
	_ =	sdelay $0x3  }
0x33: {  	p0 =	seq.s32 s10, $0x1;
	s10 =	sld [smem:$0x3FB6];
	_ =	sdelay $0x3  }
0x34: {  	[smem:$0x3FB6] =	sst s10  }
0x35: {  	s10 =	sld [smem:$0x3FB5];
	_ =	sdelay $0x3  }
0x36: {  	p1 =	seq.s32 s10, $0x1;
	s10 =	sld [smem:$0x3FB6];
	_ =	sdelay $0x3  }
0x37: {  	[smem:$0x3FB6] =	sst s10  }
0x38: {  	s10 =	sld [smem:$0x3FB7]  }
0x39: {  	_ = 	snop;
	(pc) =	sbr.ind lr, $3  }
0x3a: {  	_ = 	snop  }
0x3b: {  	_ = 	snop  }
0x3c: {  	p2 =	seq.s32 s10, $0x1;
	s10 =	sld [smem:$0x3FB6]  }
0x3d: {  	_ =	shalt  }
0x3e: {  	_ =	shalt  }
0x3f: {  	_ =	shalt  }
0x40: {  	_ =	shalt  }
0x41: {  	_ =	shalt  }
0x42: {  	_ =	shalt  }
0x43: {  	_ =	shalt  }
0x44: {  	_ =	shalt  }
0x45: {  	_ =	shalt  }
0x46: {  	_ =	shalt  }
0x47: {  	_ =	shalt  }
0x48: {  	_ =	shalt  }
0x49: {  	_ =	shalt  }
0x4a: {  	_ =	shalt  }
0x4b: {  	_ =	shalt  }
0x4c: {  	_ =	shalt  }
0x4d: {  	_ =	shalt  }
0x4e: {  	_ =	shalt  }
0x4f: {  	_ =	shalt  }
0x50: {  	_ =	shalt  }
0x51: {  	_ =	shalt  }
0x52: {  	_ =	shalt  }
0x53: {  	_ =	shalt  }
0x54: {  	_ =	shalt  }
0x55: {  	_ =	shalt  }
0x56: {  	_ =	shalt  }
0x57: {  	_ =	shalt  }
0x58: {  	_ =	shalt  }
0x59: {  	_ =	shalt  }
0x5a: {  	_ =	shalt  }
0x5b: {  	_ =	shalt  }
0x5c: {  	_ =	shalt  }
0x5d: {  	_ =	shalt  }
0x5e: {  	_ =	shalt  }
0x5f: {  	_ =	shalt  }
0x60: {  	_ =	shalt  }
0x61: {  	_ =	shalt  }
0x62: {  	_ =	shalt  }
0x63: {  	_ =	shalt  }
0x64: {  	_ =	shalt  }
0x65: {  	_ =	shalt  }
0x66: {  	_ =	shalt  }
0x67: {  	_ =	shalt  }
0x68: {  	_ =	shalt  }
0x69: {  	_ =	shalt  }
0x6a: {  	_ =	shalt  }
0x6b: {  	_ =	shalt  }
0x6c: {  	_ =	shalt  }
0x6d: {  	_ =	shalt  }
0x6e: {  	_ =	shalt  }
0x6f: {  	_ =	shalt  }
0x70: {  	_ =	shalt  }
0x71: {  	_ =	shalt  }
0x72: {  	_ =	shalt  }
0x73: {  	_ =	shalt  }
0x74: {  	_ =	shalt  }
0x75: {  	_ =	shalt  }
0x76: {  	_ =	shalt  }
0x77: {  	_ =	shalt  }
0x78: {  	_ =	shalt  }
0x79: {  	_ =	shalt  }
0x7a: {  	_ =	shalt  }
0x7b: {  	_ =	shalt  }
0x7c: {  	_ =	shalt  }
0x7d: {  	_ =	shalt  }
0x7e: {  	_ =	shalt  }
0x7f: {  	_ =	shalt  }
0x80: {  	_ =	shalt  }
0x81: {  	_ =	shalt  }
0x82: {  	_ =	shalt  }
0x83: {  	_ =	shalt  }
0x84: {  	_ =	shalt  }
0x85: {  	_ =	shalt  }
0x86: {  	_ =	shalt  }
0x87: {  	_ =	shalt  }
.Lfunc_end0:
.L_simem_size_0:
called_computation_lowered:
.L_overlay_start_0:
0x88: {  	s2 =	sld [smem:$0x3FD9]  }
0x89: {  	s3 =	sld [smem:$0x3FFE];
	_ =	sdelay $0x1  }
0x8a: {  	s1 =	srdreg.scid  }
0x8b: {  	s0 =	sand.u32 $0x1, s1  }
0x8c: {  	s14 =	sshll.u32 s0, $0xA;
	s2 =	sadd.s32 s3, s2  }
0x8d: {  	s2 =	sadd.s32 s2, s14  }
0x8e: {  	[smem:$0x3FC2] =	sst s2  }
0x8f: {  	_ = 	snop  }
0x90: {  	s2 =	sld [smem:$0x3FD0];
	_ =	sdelay $0x2  }
0x91: {  	s15 =	simm.s32 $0xA;
	s4 =	simm.s32 $0x10  }
0x92: {  	[smem:s4], [sflag:s15] =	dma.local [hbm:s2], $0x1  }
0x93: {  	_ =	swait.eq [sflag:s15], $0x1  }
0x94: {  	[sflag:s15] =	ssyncset.done $0x0  }
0x95: {  	[sflag:s15] =	ssyncadd.s32 $0xFFFFFFFF  }
0x96: {  	s16 =	sld [smem:$0x11];
	(tm) =	ssettm $0x1  }
0x97: {  	s17 =	sld [smem:$0x3FFB];
	_ =	sdelay $0x3  }
0x98: {  	_ =	strace s17  }
0x99: {  	s3 =	sld [smem:$0x3FFC];
	_ =	sdelay $0x3  }
0x9a: {  	_ =	strace s3  }
0x9b: {  	s3 =	sld [smem:$0x3FFD];
	_ =	sdelay $0x3  }
0x9c: {  	_ =	strace s3  }
0x9d: {  	_ =	strace $0x8FFFFFFF  }
0x9e: {  	s18 =	sld [smem:$0x3FDB];
	_ =	sdelay $0x1  }
0x9f: {  	s19 =	simm.s32 $_scs_section_size  }
0xa0: {  	s5 =	simm.s32 $_size__tile_overlayer_lowered;
	s6 =	simm.s32 $_tile_overlayer_lowered  }
0xa1: {  	s22 =	simm.s32 $0x1BFF;
	s21 =	sshll.u32 s6, $0x1;
	s3 =	sadd.s32 s19, s18  }
0xa2: {  	s7 =	simm.s32 $0x0;
	s20 =	sshll.u32 s5, $0x1;
	s5 =	sadd.s32 s21, s3  }
0xa3: {  	[timem:s7], [sflag:s22] =	dma.local [hbm:s5], s20  }
0xa4: {  	_ =	swait.ge [sflag:s22], s20  }
0xa5: {  	s4 =	ssub.s32 $0x0, s20;
	[sflag:s22] =	ssyncset.done $0x0  }
0xa6: {  	[sflag:s22] =	ssyncadd.s32 s4;
	_ =	sdelay $0x1  }
0xa7: {  	s23 =	simm.s32 $0x1B8B  }
0xa8: {  	_ =	swait.ge [sflag:s23], $0x1  }
0xa9: {  	[sflag:s23] =	ssyncset.done $0x0  }
0xaa: {  	s25 =	simm.s32 $0x1B8E;
	s24 =	sld [smem:$0x3FFE];
	[sflag:s23] =	ssyncadd.s32 $0xFFFFFFFF  }
0xab: {  	s26 =	simm.s32 $execute0_lowered;
	[smem:$0x3FD2] =	sst s25  }
0xac: {  	s5 =	sshll.u32 s26, $0x1;
	_ =	strace $0x80000046;
	[dreg:$0x1] =	wrdreg $0xFFFFFFFF  }
0xad: {  	s28 =	simm.s32 $_size_execute0_lowered;
	s3 =	sadd.s32 s3, s5;
	[dreg:$0x0] =	wrdreg $0x0  }
0xae: {  	s5 =	sshll.u32 s28, $0x1;
	[dreg:$0x2] =	wrdreg s3  }
0xaf: {  	[dreg:$0x3] =	wrdreg s5  }
0xb0: {  	[dreg:$0x4] =	wrdreg $0xC0  }
0xb1: {  	_ =	task [dreg:s7], $0x5FFFF  }
0xb2: {  	[dreg:$0x1] =	wrdreg $0xFFFFFFFF  }
0xb3: {  	[dreg:$0x0] =	wrdreg $0x60  }
0xb4: {  	[dreg:$0x2] =	wrdreg s24  }
0xb5: {  	[dreg:$0x3] =	wrdreg s16  }
0xb6: {  	[dreg:$0x4] =	wrdreg $0x53000  }
0xb7: {  	[dreg:$0x5] =	wrdreg $0x9  }
0xb8: {  	_ =	task.clear_ibuf [dreg:s7], $0x6FFFF;
	_ =	strace $0x90000046  }
0xb9: {  	s29 =	simm.s32 $0x9;
	_ =	strace $0x80000048  }
0xba: {  	_ =	swait.ge [sflag:s29], $0x1  }
0xbb: {  	[sflag:s29] =	ssyncadd.s32 $0xFFFFFFFF  }
0xbc: {  	_ =	strace $0x90000048  }
0xbd: {  	_ =	sfence  }
0xbe: {  	s30 =	sld [smem:$0x0];
	_ =	sdelay $0x2  }
0xbf: {  	s31 =	sshll.u32 s1, $0xD;
	s1 =	sshrl.u32 s1, $0x2  }
0xc0: {  	s3 =	sand.u32 $0x4000, s31;
	s1 =	sadd.s32 s1, s30  }
0xc1: {  	s0 =	sor.u32 s3, s0;
	s1 =	sshll.u32 s1, $0x11  }
0xc2: {  	s0 =	sor.u32 s1, s0  }
0xc3: {  	s0 =	sadd.s32 $0x8F2B, s0  }
0xc4: {  	[sflag:s0] =	ssyncadd.remote.s32 $0x1  }
0xc5: {  	_ =	sfence.sel $0xFFFF  }
0xc6: {  	[dreg:$0x0] =	wrdreg $0xFFFFFFFF;
	(pc) =	sbr.abs _section_cstart, $3  }
0xc7: {  	[dreg:$0x1] =	wrdreg $0xFFFFFFFF  }
0xc8: {  	_ =	task.clear_ibuf [dreg:s7], $0x2FFFF;
	_ =	strace $0x9FFFFFFF  }
0xc9: {  	(tm) =	ssettm $0x7FFFFFFF  }
tec
execute0_lowered:
.L_overlay_start_1:
0x0: {  	(tag) =	ssettag $0x1  }
0x1: {  	s4 =	rddreg [dreg:$0x0]  }
0x2: {  	s6 =	rddreg [dreg:$0x1]  }
0x3: {  	s2 =	rddreg [dreg:$0x2]  }
0x4: {  	s0 =	rddreg [dreg:$0x3]  }
0x5: {  	s3 =	srdreg.scid;
	s1 =	stileid.u32  }
0x6: {  	s11 =	simm.s32 $0x5000;
	s14 =	simm.s32 $0x0;
	s5 =	sand.u32 $0x1, s3  }
0x7: {  	s7 =	sshll.u32 s1, $0x1;
	s8 =	smul.u32 $0x280, s1;
	s3 =	simm.s32 $0x0  }
0x8: {  	s12 =	sshll.u32 s1, $0x6;
	s7 =	sor.u32 s5, s7;
	s9 =	smul.u32 $0x2800, s5  }
0x9: {  	[smem:$0x7FF] =	sst s3;
	s5 =	ssub.s32 $0x2, s5;
	s7 =	smul.u32 $0xA00, s7  }
0xa: {  	s12 =	sor.u32 $0x1C01, s12;
	_ =	strace $0x80000047;
	s10 =	sshrl.u32 s5, $0x1  }
0xb: {  	s9 =	sadd.s32 s8, s9;
	s10 =	ssub.s32 s5, s10;
	s7 =	sadd.s32 s7, s4  }
0xc: {  	s9 =	sshrl.u32 s9, $0x3;
	s4 =	sadd.s32 s8, s2;
	s8 =	simm.s32 $0x5080  }
0xd: {  	s5 =	sadd.s32 $0x1600, s7;
	s6 =	sadd.s32 s6, s9;
	s7 =	smax.u32 s10, $0x1  }
0xe: {  	v0 =	vimm.f32 $1.000000000e+00;
	v1 =	vimm.f32 $0.0e+00;
	s9 =	simm.s32 $0x1;
	s10 =	simm.s32 $0x40;
	s13 =	sshrl.u32 s4, $0x3  }
.LBB2_1:
0xf: {  	[tilespmem:$0x5000] =	vst v0  }
0x10: {  	[tilespmem:$0x5010] =	vst v0  }
0x11: {  	[tilespmem:$0x5020] =	vst v0  }
0x12: {  	[tilespmem:$0x5030] =	vst v0  }
0x13: {  	[tilespmem:$0x5080] =	vst v1  }
0x14: {  	[tilespmem:$0x5090] =	vst v1  }
0x15: {  	[tilespmem:$0x50A0] =	vst v1  }
0x16: {  	[tilespmem:$0x50B0] =	vst v1  }
0x17: {  	[tilespmem:$0x50C0] =	vst v1  }
0x18: {  	[tilespmem:$0x50D0] =	vst v1  }
0x19: {  	[tilespmem:$0x50E0] =	vst v1  }
0x1a: {  	[tilespmem:$0x50F0] =	vst v1  }
0x1b: {  	[tilespmem:$0x5100] =	vst v1  }
0x1c: {  	[tilespmem:$0x5110] =	vst v1  }
0x1d: {  	[tilespmem:$0x5120] =	vst v1  }
0x1e: {  	[tilespmem:$0x5130] =	vst v1  }
0x1f: {  	[tilespmem:$0x5140] =	vst v1  }
0x20: {  	[tilespmem:$0x5150] =	vst v1  }
0x21: {  	[tilespmem:$0x5160] =	vst v1  }
0x22: {  	[tilespmem:$0x5170] =	vst v1  }
0x23: {  	[tilespmem:$0x5180] =	vst v1  }
0x24: {  	[tilespmem:$0x5190] =	vst v1  }
0x25: {  	[tilespmem:$0x51A0] =	vst v1  }
0x26: {  	[tilespmem:$0x51B0] =	vst v1  }
0x27: {  	[tilespmem:$0x51C0] =	vst v1  }
0x28: {  	[tilespmem:$0x51D0] =	vst v1  }
0x29: {  	[tilespmem:$0x51E0] =	vst v1  }
0x2a: {  	[tilespmem:$0x51F0] =	vst v1  }
0x2b: {  	[tilespmem:$0x5200] =	vst v1  }
0x2c: {  	[tilespmem:$0x5210] =	vst v1  }
0x2d: {  	[tilespmem:$0x5220] =	vst v1  }
0x2e: {  	[tilespmem:$0x5230] =	vst v1  }
0x2f: {  	[tilespmem:$0x5240] =	vst v1  }
0x30: {  	[tilespmem:$0x5250] =	vst v1  }
0x31: {  	[tilespmem:$0x5260] =	vst v1  }
0x32: {  	[tilespmem:$0x5270] =	vst v1  }
0x33: {  	[tilespmem:$0x5280] =	vst v1  }
0x34: {  	[tilespmem:$0x5290] =	vst v1  }
0x35: {  	[tilespmem:$0x52A0] =	vst v1  }
0x36: {  	[tilespmem:$0x52B0] =	vst v1  }
0x37: {  	[tilespmem:$0x52C0] =	vst v1  }
0x38: {  	[tilespmem:$0x52D0] =	vst v1  }
0x39: {  	[tilespmem:$0x52E0] =	vst v1  }
0x3a: {  	[tilespmem:$0x52F0] =	vst v1  }
0x3b: {  	[spmem:s4] =	stream.linear.scatter [tilespmem:s8], [sflag:$0x1], $0x280, $0x38;
	[tilespmem:$0x5580] =	vst v63  }
0x3c: {  	_ =	swait.ge [sflag:s9], $0x280  }
0x3d: {  	[sflag:s9] =	ssyncset.done $0x0  }
0x3e: {  	[sflag:s9] =	ssyncadd.s32 $0xFFFFFD80  }
0x3f: {  	[bflag:$0x0] =	sbarrier.arrive $0xFFFF  }
0x40: {  	[tilespmem:s3], [sflag:$0x1] =	stream.linear.gather [hbm4b:s5+s3], $0x5000, $0x38;
	[tilespmem:$0x5580] =	vst v63  }
0x41: {  	_ =	swait.ge [sflag:s9], $0x5000  }
0x42: {  	[sflag:s9] =	ssyncset.done $0x0  }
0x43: {  	s15 =	simm.s32 $0x0;
	[sflag:s9] =	ssyncadd.s32 $0xFFFFB000  }
0x44: {  	[spmem:s2] =	stream.indirect.scatter.add.f32 [tilespmem:s11], [sflag:$0x1], $0x1, s15, s10, $0xb8;
	[tilespmem:$0x5580] =	vst v63  }
0x45: {  	_ =	swait.ge [sflag:s9], $0x40  }
0x46: {  	s15 =	simm.s32 $0x200;
	[sflag:s9] =	ssyncset.done $0x0  }
.LBB2_2:
0x47: {  	s16 =	sshra.s32 s15, $0x2;
	[sflag:s9] =	ssyncadd.s32 $0xFFFFFFC0;
	p0 =	sne.s32 s15, $0x13E00  }
0x48: {  	[spmem:s2] =	stream.indirect.scatter.add.f32 [tilespmem:s11], [sflag:$0x1], $0x1, s16, s10, $0xb8;
	[tilespmem:$0x5580] =	vst v63  }
.Ltmp0:
0x49: {  	_ = 	snop;
	(pc) =	sbr.rel @p0 .LBB2_2-.Ltmp0, $4  }
0x4a: {  	_ = 	snop  }
0x4b: {  	s15 =	sadd.s32 $0x200, s15  }
0x4c: {  	_ =	swait.ge [sflag:s9], $0x40  }
0x4d: {  	[sflag:s9] =	ssyncset.done $0x0  }
0x4e: {  	s14 =	sadd.s32 $0x1, s14  }
0x4f: {  	[sflag:s9] =	ssyncadd.s32 $0xFFFFFFC0;
	p0 =	sne.s32 s14, s7  }
.Ltmp1:
0x50: {  	[bflag:$0x0] =	sbarrier.arrive $0xFFFF;
	(pc) =	sbr.rel @p0 .LBB2_1-.Ltmp1, $4  }
0x51: {  	[hbm:s6], [sflag:s12] =	dma.local [spmem:s13], $0x50  }
0x52: {  	_ =	swait.ge [sflag:s9], $0x50  }
0x53: {  	[sflag:s9] =	ssyncset.done $0x0  }
0x54: {  	[sflag:s9] =	ssyncadd.s32 $0xFFFFFFB0  }
0x55: {  	_ =	sfence.sel $0x180000  }
0x56: {  	[bflag:$0x0] =	sbarrier.arrive $0xFFFF  }
0x57: {  	p0 =	sne.s32 s1, $0x0;
	_ =	strace $0x90000047  }
0x58: {  	s0 =	sadd.s32 @!p0 $0x100000, s0;
	[bflag:$0x2] =	sbarrier.arrive $0xFFFF  }
0x59: {  	[sflag:s0] =	ssyncadd.tile.s32 @!p0 $0x1;
	_ =	shalt  }
.Lfunc_end2:
_tile_overlayer_lowered:
.L_overlay_start_2:
0x5a: {  	(tag) =	ssettag $0x2  }
0x5b: {  	s0 =	rddreg [dreg:$0x0];
	s2 =	stileid.u32  }
0x5c: {  	s1 =	rddreg [dreg:$0x1];
	p0 =	sne.s32 s2, $0x0  }
0x5d: {  	s3 =	rddreg [dreg:$0x2];
	[bflag:$0x3] =	sbarrier.arrive $0xFFFF;
	s2 =	simm.s32 @!p0 $0x1C01  }
0x5e: {  	[timem:s3], [sflag:s2] =	dma.local @!p0 [hbm:s0], s1  }
0x5f: {  	s0 =	simm.s32 @!p0 $0x1  }
0x60: {  	_ =	swait.ge @!p0 [sflag:s0], s1  }
0x61: {  	s1 =	ssub.s32 @!p0 $0x0, s1;
	[sflag:s0] =	ssyncset.done @!p0 $0x0  }
0x62: {  	[sflag:s0] =	ssyncadd.s32 @!p0 s1  }
0x63: {  	[bflag:$0x3] =	sbarrier.arrive $0xFFFF  }
0x64: {  	_ =	shalt  }

// kernel: kernel.9.cloned.1.call-start
scs
__scs_entry_jumppad:
0x0: {  	(pc) =	sbr.rel $0x88, $3  }
0x1: {  	(tag) =	ssettag $0x0;
	lr =	simm.s32 $0x1  }
0x2: {  	[smem:$0x3F9B] =	sst lr;
	_ =	strace $0xD0000000  }
0x3: {  	_ = 	snop  }
0x4: {  	_ = 	snop  }
0x5: {  	_ = 	snop  }
0x6: {  	_ = 	snop  }
0x7: {  	_ = 	snop  }
__scs_overlays_trampoline_lowered:
0x8: {  	[smem:$0x3FAA] =	sst s0  }
0x9: {  	[smem:$0x3FAB] =	sst s1  }
0xa: {  	[smem:$0x3FAC] =	sst s2  }
0xb: {  	[smem:$0x3FAD] =	sst s3  }
0xc: {  	[smem:$0x3FAE] =	sst s4  }
0xd: {  	[smem:$0x3FAF] =	sst s5  }
0xe: {  	[smem:$0x3FB0] =	sst s6  }
0xf: {  	[smem:$0x3FB1] =	sst s7  }
0x10: {  	[smem:$0x3FB2] =	sst s8  }
0x11: {  	[smem:$0x3FB3] =	sst s9;
	s0 =	simm.s32 @!p0 $0x0  }
0x12: {  	s1 =	sld [smem:$0x3F99];
	s0 =	simm.s32 @p0 $0x1  }
0x13: {  	[smem:$0x3FB4] =	sst s0;
	s0 =	simm.s32 @!p1 $0x0  }
0x14: {  	s2 =	sld [smem:$0x3F98];
	s0 =	simm.s32 @p1 $0x1  }
0x15: {  	[smem:$0x3FB5] =	sst s0;
	s0 =	simm.s32 @!p2 $0x0  }
0x16: {  	s3 =	sld [smem:$0x3FDB];
	s0 =	simm.s32 @p2 $0x1  }
0x17: {  	s4 =	simm.s32 $0x1BF5;
	[smem:$0x3FB7] =	sst s0  }
0x18: {  	s0 =	sld [smem:$0x3F9A];
	_ =	swait.ge [sflag:s4], $0x0  }
0x19: {  	s7 =	sld [smem:$0x3F9B]  }
0x1a: {  	s8 =	sadd.s32 $0xFFFFE003, lr  }
0x1b: {  	s9 =	sadd.s32 $0xFFFFFEF7, lr;
	s5 =	simm.s32 $0xFFFFFFFF;
	p2 =	slt.u32 s8, $0xFFFFF086  }
0x1c: {  	p1 =	slt.u32 s9, $0xF7A;
	s5 =	simm.s32 @!p2 $0x0  }
0x1d: {  	s5 =	simm.s32 @p1 $0x1;
	p0 =	seq.s32 s7, s2  }
0x1e: {  	s7 =	smul.u32 @!p0 $0xF7A, s2;
	p2 =	seq.s32 @!p0 s5, $0x0  }
0x1f: {  	s9 =	smul.u32 $0xF7A, s1;
	s8 =	simm.s32 @!p0 $0x1BF5;
	p2 =	por !p2, p0  }
0x20: {  	[sflag:s8] =	ssyncset.s32 @!p0 $0xFFFFF086;
	s6 =	sadd.s32 @!p0 s3, s7;
	s7 =	simm.s32 @!p0 $0x108  }
0x21: {  	s3 =	sadd.s32 s3, s9;
	s6 =	sadd.s32 @!p0 $0x88, s6;
	s7 =	simm.s32 @p2 $0x1082  }
0x22: {  	[simem:s7], [sflag:s8] =	dma.local @!p0 [hbm:s6], $0xF7A  }
0x23: {  	s9 =	sor.u32 $0xD0000000, s2;
	s6 =	simm.s32 $0x108;
	_ =	swait.ge @!p0 [sflag:s8], $0x0  }
0x24: {  	s3 =	sadd.s32 $0x88, s3;
	s6 =	simm.s32 @!p1 $0x1082;
	[sflag:s4] =	ssyncset.s32 $0xFFFFF086  }
0x25: {  	[simem:s6], [sflag:s4] =	dma.local [hbm:s3], $0xF7A  }
0x26: {  	[smem:$0x3F9B] =	sst s1;
	(tag) =	ssettag s2;
	_ =	strace s9  }
0x27: {  	s1 =	sld [smem:$0x3FAB]  }
0x28: {  	s2 =	sld [smem:$0x3FAC]  }
0x29: {  	s4 =	sld [smem:$0x3FAE]  }
0x2a: {  	p0 =	seq.s32 s5, $0x0;
	s5 =	sld [smem:$0x3FAF]  }
0x2b: {  	s6 =	sld [smem:$0x3FB0]  }
0x2c: {  	s7 =	sld [smem:$0x3FB1]  }
0x2d: {  	s3 =	simm.s32 $0x108;
	s8 =	sld [smem:$0x3FB2]  }
0x2e: {  	s3 =	simm.s32 @!p0 $0x1082;
	s9 =	sld [smem:$0x3FB3]  }
0x2f: {  	lr =	sadd.s32 s0, s3;
	s0 =	sld [smem:$0x3FAA]  }
0x30: {  	s3 =	sld [smem:$0x3FAD]  }
0x31: {  	[smem:$0x3FB6] =	sst s10  }
0x32: {  	s10 =	sld [smem:$0x3FB4];
	_ =	sdelay $0x3  }
0x33: {  	p0 =	seq.s32 s10, $0x1;
	s10 =	sld [smem:$0x3FB6];
	_ =	sdelay $0x3  }
0x34: {  	[smem:$0x3FB6] =	sst s10  }
0x35: {  	s10 =	sld [smem:$0x3FB5];
	_ =	sdelay $0x3  }
0x36: {  	p1 =	seq.s32 s10, $0x1;
	s10 =	sld [smem:$0x3FB6];
	_ =	sdelay $0x3  }
0x37: {  	[smem:$0x3FB6] =	sst s10  }
0x38: {  	s10 =	sld [smem:$0x3FB7]  }
0x39: {  	_ = 	snop;
	(pc) =	sbr.ind lr, $3  }
0x3a: {  	_ = 	snop  }
0x3b: {  	_ = 	snop  }
0x3c: {  	p2 =	seq.s32 s10, $0x1;
	s10 =	sld [smem:$0x3FB6]  }
0x3d: {  	_ =	shalt  }
0x3e: {  	_ =	shalt  }
0x3f: {  	_ =	shalt  }
0x40: {  	_ =	shalt  }
0x41: {  	_ =	shalt  }
0x42: {  	_ =	shalt  }
0x43: {  	_ =	shalt  }
0x44: {  	_ =	shalt  }
0x45: {  	_ =	shalt  }
0x46: {  	_ =	shalt  }
0x47: {  	_ =	shalt  }
0x48: {  	_ =	shalt  }
0x49: {  	_ =	shalt  }
0x4a: {  	_ =	shalt  }
0x4b: {  	_ =	shalt  }
0x4c: {  	_ =	shalt  }
0x4d: {  	_ =	shalt  }
0x4e: {  	_ =	shalt  }
0x4f: {  	_ =	shalt  }
0x50: {  	_ =	shalt  }
0x51: {  	_ =	shalt  }
0x52: {  	_ =	shalt  }
0x53: {  	_ =	shalt  }
0x54: {  	_ =	shalt  }
0x55: {  	_ =	shalt  }
0x56: {  	_ =	shalt  }
0x57: {  	_ =	shalt  }
0x58: {  	_ =	shalt  }
0x59: {  	_ =	shalt  }
0x5a: {  	_ =	shalt  }
0x5b: {  	_ =	shalt  }
0x5c: {  	_ =	shalt  }
0x5d: {  	_ =	shalt  }
0x5e: {  	_ =	shalt  }
0x5f: {  	_ =	shalt  }
0x60: {  	_ =	shalt  }
0x61: {  	_ =	shalt  }
0x62: {  	_ =	shalt  }
0x63: {  	_ =	shalt  }
0x64: {  	_ =	shalt  }
0x65: {  	_ =	shalt  }
0x66: {  	_ =	shalt  }
0x67: {  	_ =	shalt  }
0x68: {  	_ =	shalt  }
0x69: {  	_ =	shalt  }
0x6a: {  	_ =	shalt  }
0x6b: {  	_ =	shalt  }
0x6c: {  	_ =	shalt  }
0x6d: {  	_ =	shalt  }
0x6e: {  	_ =	shalt  }
0x6f: {  	_ =	shalt  }
0x70: {  	_ =	shalt  }
0x71: {  	_ =	shalt  }
0x72: {  	_ =	shalt  }
0x73: {  	_ =	shalt  }
0x74: {  	_ =	shalt  }
0x75: {  	_ =	shalt  }
0x76: {  	_ =	shalt  }
0x77: {  	_ =	shalt  }
0x78: {  	_ =	shalt  }
0x79: {  	_ =	shalt  }
0x7a: {  	_ =	shalt  }
0x7b: {  	_ =	shalt  }
0x7c: {  	_ =	shalt  }
0x7d: {  	_ =	shalt  }
0x7e: {  	_ =	shalt  }
0x7f: {  	_ =	shalt  }
0x80: {  	_ =	shalt  }
0x81: {  	_ =	shalt  }
0x82: {  	_ =	shalt  }
0x83: {  	_ =	shalt  }
0x84: {  	_ =	shalt  }
0x85: {  	_ =	shalt  }
0x86: {  	_ =	shalt  }
0x87: {  	_ =	shalt  }
.Lfunc_end0:
.L_simem_size_0:
called_computation.1_lowered:
.L_overlay_start_0:
0x88: {  	s2 =	sld [smem:$0x3FD9]  }
0x89: {  	s3 =	sld [smem:$0x3FFE];
	_ =	sdelay $0x1  }
0x8a: {  	s1 =	srdreg.scid  }
0x8b: {  	s0 =	sand.u32 $0x1, s1  }
0x8c: {  	s16 =	sshll.u32 s0, $0xA;
	s2 =	sadd.s32 s3, s2  }
0x8d: {  	s2 =	sadd.s32 s2, s16  }
0x8e: {  	[smem:$0x3FC2] =	sst s2  }
0x8f: {  	_ = 	snop  }
0x90: {  	(tm) =	ssettm $0x1  }
0x91: {  	s17 =	sld [smem:$0x3FFB];
	_ =	sdelay $0x3  }
0x92: {  	_ =	strace s17  }
0x93: {  	s2 =	sld [smem:$0x3FFC];
	_ =	sdelay $0x3  }
0x94: {  	_ =	strace s2  }
0x95: {  	s2 =	sld [smem:$0x3FFD];
	_ =	sdelay $0x3  }
0x96: {  	_ =	strace s2  }
0x97: {  	_ =	strace $0x8FFFFFFF  }
0x98: {  	s18 =	sld [smem:$0x3FDB];
	_ =	sdelay $0x1  }
0x99: {  	s19 =	simm.s32 $_scs_section_size  }
0x9a: {  	s4 =	simm.s32 $_size__tile_overlayer_lowered;
	s5 =	simm.s32 $_tile_overlayer_lowered  }
0x9b: {  	s22 =	simm.s32 $0x1BFF;
	s21 =	sshll.u32 s5, $0x1;
	s2 =	sadd.s32 s19, s18  }
0x9c: {  	s6 =	simm.s32 $0x0;
	s20 =	sshll.u32 s4, $0x1;
	s4 =	sadd.s32 s21, s2  }
0x9d: {  	[timem:s6], [sflag:s22] =	dma.local [hbm:s4], s20  }
0x9e: {  	_ =	swait.ge [sflag:s22], s20  }
0x9f: {  	s3 =	ssub.s32 $0x0, s20;
	[sflag:s22] =	ssyncset.done $0x0  }
0xa0: {  	[sflag:s22] =	ssyncadd.s32 s3;
	_ =	sdelay $0x1  }
0xa1: {  	s23 =	simm.s32 $0x1B8B  }
0xa2: {  	_ =	swait.ge [sflag:s23], $0x1  }
0xa3: {  	[sflag:s23] =	ssyncset.done $0x0  }
0xa4: {  	s25 =	simm.s32 $0x1B8E;
	s24 =	sld [smem:$0x3FFE];
	[sflag:s23] =	ssyncadd.s32 $0xFFFFFFFF  }
0xa5: {  	s26 =	simm.s32 $execute0_lowered;
	[smem:$0x3FD2] =	sst s25  }
0xa6: {  	s4 =	sshll.u32 s26, $0x1;
	_ =	strace $0x80000049;
	[dreg:$0x1] =	wrdreg $0xFFFFFFFF  }
0xa7: {  	s28 =	simm.s32 $_size_execute0_lowered;
	s2 =	sadd.s32 s2, s4;
	[dreg:$0x0] =	wrdreg $0x0  }
0xa8: {  	s4 =	sshll.u32 s28, $0x1;
	[dreg:$0x2] =	wrdreg s2  }
0xa9: {  	[dreg:$0x3] =	wrdreg s4  }
0xaa: {  	[dreg:$0x4] =	wrdreg $0xC0  }
0xab: {  	_ =	task [dreg:s6], $0x5FFFF  }
0xac: {  	[dreg:$0x1] =	wrdreg $0xFFFFFFFF  }
0xad: {  	[dreg:$0x0] =	wrdreg $0x60  }
0xae: {  	[dreg:$0x2] =	wrdreg s24  }
0xaf: {  	[dreg:$0x3] =	wrdreg $0x88800  }
0xb0: {  	[dreg:$0x4] =	wrdreg $0x9  }
0xb1: {  	_ =	task.clear_ibuf [dreg:s6], $0x5FFFF;
	_ =	strace $0x90000049  }
0xb2: {  	s29 =	simm.s32 $0x9;
	_ =	strace $0x8000004B  }
0xb3: {  	_ =	swait.ge [sflag:s29], $0x1  }
0xb4: {  	[sflag:s29] =	ssyncadd.s32 $0xFFFFFFFF  }
0xb5: {  	_ =	strace $0x9000004B  }
0xb6: {  	_ =	sfence  }
0xb7: {  	s30 =	sld [smem:$0x0];
	_ =	sdelay $0x2  }
0xb8: {  	s31 =	sshll.u32 s1, $0xD;
	s1 =	sshrl.u32 s1, $0x2  }
0xb9: {  	s3 =	sand.u32 $0x4000, s31;
	s1 =	sadd.s32 s1, s30  }
0xba: {  	s0 =	sor.u32 s3, s0;
	s1 =	sshll.u32 s1, $0x11  }
0xbb: {  	s0 =	sor.u32 s1, s0  }
0xbc: {  	s0 =	sadd.s32 $0x8F2B, s0  }
0xbd: {  	[sflag:s0] =	ssyncadd.remote.s32 $0x1  }
0xbe: {  	_ =	sfence.sel $0xFFFF  }
0xbf: {  	[dreg:$0x0] =	wrdreg $0xFFFFFFFF;
	(pc) =	sbr.abs _section_cstart, $3  }
0xc0: {  	[dreg:$0x1] =	wrdreg $0xFFFFFFFF  }
0xc1: {  	_ =	task.clear_ibuf [dreg:s6], $0x2FFFF;
	_ =	strace $0x9FFFFFFF  }
0xc2: {  	(tm) =	ssettm $0x7FFFFFFF  }
0xc3: {  	_ =	shalt  }
tec
execute0_lowered:
.L_overlay_start_1:
0x0: {  	(tag) =	ssettag $0x1  }
0x1: {  	s0 =	srdreg.scid  }
0x2: {  	s5 =	rddreg [dreg:$0x0];
	s26 =	stileid.u32;
	s1 =	simm.s32 $0x0  }
0x3: {  	s30 =	simm.s32 $0x4780;
	s31 =	simm.s32 $0x0;
	s3 =	smul.u32 $0x1200, s26  }
0x4: {  	s6 =	sand.u32 $0x1, s0;
	[smem:$0x7FF] =	sst s1;
	s4 =	smul.u32 $0x9000, s26  }
0x5: {  	s8 =	sadd.s32 $0x15600, s5;
	s9 =	sadd.s32 $0x1600, s5;
	s24 =	sshll.u32 s26, $0x9  }
0x6: {  	s28 =	sadd.s32 $0x79600, s5;
	s0 =	ssub.s32 $0x2, s6;
	p0 =	seq.s32 s6, $0x0  }
0x7: {  	s2 =	sshrl.u32 s0, $0x1;
	s19 =	sadd.s32 s8, s3;
	s20 =	sshrl.u32 s4, $0x3  }
0x8: {  	s3 =	sadd.s32 s9, s3;
	[dreg:$0x3] =	wrdreg s19;
	s21 =	sadd.s32 $0x480, s20  }
0x9: {  	s7 =	ssub.s32 s0, s2;
	[dreg:$0x4] =	wrdreg s3;
	s10 =	sadd.s32 s8, s21  }
0xa: {  	s4 =	sadd.s32 $0x900, s20;
	s3 =	sadd.s32 s9, s21;
	[dreg:$0x5] =	wrdreg s10  }
0xb: {  	s2 =	smul.u32 $0x280, s26;
	s22 =	sadd.s32 s8, s4;
	[dreg:$0x6] =	wrdreg s3  }
0xc: {  	s0 =	sadd.s32 $0xD80, s20;
	s23 =	sadd.s32 s9, s4;
	[dreg:$0x7] =	wrdreg s22  }
0xd: {  	s25 =	sadd.s32 s8, s0;
	[dreg:$0x8] =	wrdreg s23;
	s3 =	sor.u32 $0x12000, s24  }
0xe: {  	s4 =	smul.u32 $0x2800, s26;
	[dreg:$0x9] =	wrdreg s25;
	s8 =	sadd.s32 s8, s3  }
0xf: {  	s3 =	sadd.s32 s9, s3;
	[dreg:$0xb] =	wrdreg s8;
	s8 =	sor.u32 $0x40, s2  }
0x10: {  	s0 =	sadd.s32 s9, s0;
	[dreg:$0xc] =	wrdreg s3;
	s3 =	sshll.u32 s8, $0x4  }
0x11: {  	[dreg:$0xa] =	wrdreg s0;
	s9 =	sadd.s32 $0x80, s2;
	s11 =	sadd.s32 s3, s28  }
0x12: {  	s10 =	sadd.s32 $0xC0, s2;
	[dreg:$0xe] =	wrdreg s11;
	s11 =	sshll.u32 s9, $0x4  }
0x13: {  	s15 =	sadd.s32 $0x140, s2;
	s16 =	sadd.s32 $0x180, s2;
	s13 =	sadd.s32 s11, s28  }
0x14: {  	s22 =	sadd.s32 $0x240, s2;
	[dreg:$0xf] =	wrdreg s13;
	s13 =	sadd.s32 $0x100, s2  }
0x15: {  	s23 =	sadd.s32 s4, s28;
	s12 =	sshll.u32 s10, $0x4;
	s14 =	sshll.u32 s13, $0x4  }
0x16: {  	s18 =	sshll.u32 s16, $0x4;
	[dreg:$0xd] =	wrdreg s23;
	s17 =	sadd.s32 s14, s28  }
0x17: {  	s24 =	sadd.s32 s12, s28;
	[dreg:$0x11] =	wrdreg s17;
	s17 =	sshll.u32 s15, $0x4  }
0x18: {  	s25 =	sadd.s32 s18, s28;
	[dreg:$0x10] =	wrdreg s24;
	s19 =	sadd.s32 s17, s28  }
0x19: {  	s24 =	sshll.u32 s22, $0x4;
	[dreg:$0x12] =	wrdreg s19;
	s19 =	sadd.s32 $0x1C0, s2  }
0x1a: {  	[dreg:$0x13] =	wrdreg s25;
	s0 =	sadd.s32 s24, s28;
	s20 =	sshll.u32 s19, $0x4  }
0x1b: {  	s21 =	sadd.s32 $0x200, s2;
	[dreg:$0x16] =	wrdreg s0;
	s23 =	sadd.s32 s20, s28  }
0x1c: {  	s6 =	smax.u32 s7, $0x1;
	[dreg:$0x14] =	wrdreg s23;
	s23 =	sshll.u32 s21, $0x4  }
0x1d: {  	s10 =	sshll.u32 s10, $0x7;
	s0 =	rddreg [dreg:$0x1];
	s25 =	sadd.s32 s23, s28  }
0x1e: {  	s8 =	sshll.u32 s8, $0x7;
	[dreg:$0x15] =	wrdreg s25;
	s25 =	sadd.s32 $0x51600, s5  }
0x1f: {  	s9 =	sshll.u32 s9, $0x7;
	s8 =	sadd.s32 s8, s0;
	s28 =	sadd.s32 s25, s4  }
0x20: {  	s9 =	sadd.s32 s9, s0;
	s4 =	sadd.s32 s25, s3;
	[dreg:$0x17] =	wrdreg s28  }
0x21: {  	s10 =	sadd.s32 s10, s0;
	s11 =	sadd.s32 s25, s11;
	[dreg:$0x18] =	wrdreg s4  }
0x22: {  	s5 =	sadd.s32 $0x29600, s5;
	s12 =	sadd.s32 s25, s12;
	[dreg:$0x19] =	wrdreg s11  }
0x23: {  	s3 =	sadd.s32 s25, s17;
	s17 =	sadd.s32 s25, s24;
	[dreg:$0x1a] =	wrdreg s12  }
0x24: {  	s24 =	sshll.u32 s16, $0x7;
	s28 =	sadd.s32 s25, s14;
	[dreg:$0x1c] =	wrdreg s3  }
0x25: {  	s4 =	sadd.s32 s25, s18;
	s11 =	sadd.s32 s25, s20;
	s12 =	sadd.s32 s25, s23  }
0x26: {  	s14 =	smul.u32 $0x50000, s26;
	[smem:$0x7FD] =	sst s17;
	s20 =	sshll.u32 s13, $0x7  }
0x27: {  	s23 =	sshll.u32 s15, $0x7;
	s13 =	sadd.s32 s24, s0;
	[dreg:$0x1b] =	wrdreg s28  }
0x28: {  	s25 =	sshll.u32 s19, $0x7;
	s26 =	sshll.u32 s21, $0x7;
	[dreg:$0x1d] =	wrdreg s4  }
0x29: {  	s17 =	simm.s32 $0x40;
	s19 =	simm.s32 $0x4800;
	[dreg:$0x1e] =	wrdreg s11  }
0x2a: {  	s21 =	simm.s32 $0x2400;
	s24 =	simm.s32 $0x6800;
	[dreg:$0x1f] =	wrdreg s12  }
.Ltmp0:
0x2b: {  	s11 =	sadd.s32 s20, s0;
	s12 =	sadd.s32 s23, s0;
	(pc) =	sbr.rel .LBB2_1-.Ltmp0, $4  }
0x2c: {  	s15 =	sadd.s32 s26, s0;
	s28 =	sshll.u32 s22, $0x7;
	s20 =	simm.s32 $0x3  }
0x2d: {  	s23 =	simm.s32 $0x80;
	s26 =	simm.s32 $0x2;
	_ =	strace $0x8000004A  }
0x2e: {  	s18 =	sshrl.u32 s14, $0x2;
	s14 =	sadd.s32 s25, s0;
	s29 =	sadd.s32 s28, s0  }
0x2f: {  	v0 =	vimm.f32 $0.0e+00;
	v1 =	vlaneseq.u32;
	s25 =	simm.s32 $0x1;
	s7 =	sadd.s32 s18, s0;
	s18 =	simm.s32 $0x8800  }
.LBB2_21:
0x30: {  	[tilespmem:s24], [sflag:$0x2] =	stream.indirect.gather [hbm4b:s5+s17], $0x80, s28, s17, $0xb8;
	[tilespmem:$0x1C880] =	vst v63  }
0x31: {  	_ =	swait.ge [sflag:s25], $0x2000  }
0x32: {  	[sflag:s25] =	ssyncset.done $0x0  }
0x33: {  	s3 =	simm.s32 $0x4700;
	[sflag:s25] =	ssyncadd.s32 $0xFFFFE000  }
0x34: {  	[spmem:s0] =	stream.indirect.scatter.add.f32 [tilespmem:s19], [sflag:$0x3], $0x80, s3, s17, $0xb8;
	[tilespmem:$0x1C880] =	vst v63  }
0x35: {  	_ =	swait.ge [sflag:s20], $0x2000  }
0x36: {  	[sflag:s20] =	ssyncset.done $0x0  }
0x37: {  	[sflag:s20] =	ssyncadd.s32 $0xFFFFE000  }
0x38: {  	_ =	swait.ge [sflag:s26], $0x2000  }
0x39: {  	[sflag:s26] =	ssyncset.done $0x0  }
0x3a: {  	[sflag:s26] =	ssyncadd.s32 $0xFFFFE000  }
0x3b: {  	[spmem:s0] =	stream.indirect.scatter.add.f32 [tilespmem:s24], [sflag:$0x3], $0x80, s30, s17, $0xb8;
	[tilespmem:$0x1C880] =	vst v63  }
0x3c: {  	_ =	swait.ge [sflag:s20], $0x2000  }
0x3d: {  	[sflag:s20] =	ssyncset.done $0x0  }
0x3e: {  	[sflag:s20] =	ssyncadd.s32 $0xFFFFE000  }
0x3f: {  	[bflag:$0x0] =	sbarrier.arrive $0xFFFF  }
0x40: {  	[tilespmem:s19], [sflag:$0x3] =	stream.linear.gather [spmem:s7], $0x2000, $0x38;
	[tilespmem:$0x1C880] =	vst v63  }
0x41: {  	_ =	swait.ge [sflag:s20], $0x2000  }
0x42: {  	[sflag:s20] =	ssyncset.done $0x0  }
0x43: {  	s4 =	rddreg [dreg:$0xd];
	[sflag:s20] =	ssyncadd.s32 $0xFFFFE000  }
0x44: {  	[hbm4b:s4+s1] =	stream.linear.scatter [tilespmem:s19], [sflag:$0x1], $0x2000, $0x38;
	[tilespmem:$0x1C880] =	vst v63  }
0x45: {  	_ = 	snop  }
0x46: {  	[tilespmem:s24], [sflag:$0x3] =	stream.linear.gather [spmem:s8], $0x2000, $0x38;
	[tilespmem:$0x1C880] =	vst v63  }
0x47: {  	_ =	swait.ge [sflag:s20], $0x2000  }
0x48: {  	[sflag:s20] =	ssyncset.done $0x0  }
0x49: {  	s9 =	rddreg [dreg:$0xe];
	[sflag:s20] =	ssyncadd.s32 $0xFFFFE000  }
0x4a: {  	[hbm4b:s9+s1] =	stream.linear.scatter [tilespmem:s24], [sflag:$0x2], $0x2000, $0x38;
	[tilespmem:$0x1C880] =	vst v63  }
0x4b: {  	_ =	swait.ge [sflag:s25], $0x2000  }
0x4c: {  	[sflag:s25] =	ssyncset.done $0x0  }
0x4d: {  	[sflag:s25] =	ssyncadd.s32 $0xFFFFE000  }
0x4e: {  	[tilespmem:s19], [sflag:$0x3] =	stream.linear.gather [spmem:s10], $0x2000, $0x38;
	[tilespmem:$0x1C880] =	vst v63  }
0x4f: {  	_ =	swait.ge [sflag:s20], $0x2000  }
0x50: {  	[sflag:s20] =	ssyncset.done $0x0  }
0x51: {  	s9 =	smov.u32 s10;
	s10 =	rddreg [dreg:$0xf];
	[sflag:s20] =	ssyncadd.s32 $0xFFFFE000  }
0x52: {  	[hbm4b:s10+s1] =	stream.linear.scatter [tilespmem:s19], [sflag:$0x1], $0x2000, $0x38;
	[tilespmem:$0x1C880] =	vst v63  }
0x53: {  	_ =	swait.ge [sflag:s26], $0x2000  }
0x54: {  	[sflag:s26] =	ssyncset.done $0x0  }
0x55: {  	[sflag:s26] =	ssyncadd.s32 $0xFFFFE000  }
0x56: {  	[tilespmem:s24], [sflag:$0x3] =	stream.linear.gather [spmem:s11], $0x2000, $0x38;
	[tilespmem:$0x1C880] =	vst v63  }
0x57: {  	_ =	swait.ge [sflag:s20], $0x2000  }
0x58: {  	[sflag:s20] =	ssyncset.done $0x0  }
0x59: {  	s10 =	smov.u32 s11;
	s11 =	rddreg [dreg:$0x10];
	[sflag:s20] =	ssyncadd.s32 $0xFFFFE000  }
0x5a: {  	[hbm4b:s11+s1] =	stream.linear.scatter [tilespmem:s24], [sflag:$0x2], $0x2000, $0x38;
	[tilespmem:$0x1C880] =	vst v63  }
0x5b: {  	_ =	swait.ge [sflag:s25], $0x2000  }
0x5c: {  	[sflag:s25] =	ssyncset.done $0x0  }
0x5d: {  	[sflag:s25] =	ssyncadd.s32 $0xFFFFE000  }
0x5e: {  	[tilespmem:s19], [sflag:$0x3] =	stream.linear.gather [spmem:s12], $0x2000, $0x38;
	[tilespmem:$0x1C880] =	vst v63  }
0x5f: {  	_ =	swait.ge [sflag:s20], $0x2000  }
0x60: {  	[sflag:s20] =	ssyncset.done $0x0  }
0x61: {  	s11 =	smov.u32 s12;
	s12 =	rddreg [dreg:$0x11];
	[sflag:s20] =	ssyncadd.s32 $0xFFFFE000  }
0x62: {  	[hbm4b:s12+s1] =	stream.linear.scatter [tilespmem:s19], [sflag:$0x1], $0x2000, $0x38;
	[tilespmem:$0x1C880] =	vst v63  }
0x63: {  	_ =	swait.ge [sflag:s26], $0x2000  }
0x64: {  	[sflag:s26] =	ssyncset.done $0x0  }
0x65: {  	[sflag:s26] =	ssyncadd.s32 $0xFFFFE000  }
0x66: {  	[tilespmem:s24], [sflag:$0x3] =	stream.linear.gather [spmem:s13], $0x2000, $0x38;
	[tilespmem:$0x1C880] =	vst v63  }
0x67: {  	_ =	swait.ge [sflag:s20], $0x2000  }
0x68: {  	[sflag:s20] =	ssyncset.done $0x0  }
0x69: {  	s12 =	smov.u32 s13;
	s13 =	rddreg [dreg:$0x12];
	[sflag:s20] =	ssyncadd.s32 $0xFFFFE000  }
0x6a: {  	[hbm4b:s13+s1] =	stream.linear.scatter [tilespmem:s24], [sflag:$0x2], $0x2000, $0x38;
	[tilespmem:$0x1C880] =	vst v63  }
0x6b: {  	_ =	swait.ge [sflag:s25], $0x2000  }
0x6c: {  	[sflag:s25] =	ssyncset.done $0x0  }
0x6d: {  	[sflag:s25] =	ssyncadd.s32 $0xFFFFE000  }
0x6e: {  	[tilespmem:s19], [sflag:$0x3] =	stream.linear.gather [spmem:s14], $0x2000, $0x38;
	[tilespmem:$0x1C880] =	vst v63  }
0x6f: {  	_ =	swait.ge [sflag:s20], $0x2000  }
0x70: {  	[sflag:s20] =	ssyncset.done $0x0  }
0x71: {  	s13 =	smov.u32 s14;
	s14 =	rddreg [dreg:$0x13];
	[sflag:s20] =	ssyncadd.s32 $0xFFFFE000  }
0x72: {  	[hbm4b:s14+s1] =	stream.linear.scatter [tilespmem:s19], [sflag:$0x1], $0x2000, $0x38;
	[tilespmem:$0x1C880] =	vst v63  }
0x73: {  	_ =	swait.ge [sflag:s26], $0x2000  }
0x74: {  	[sflag:s26] =	ssyncset.done $0x0  }
0x75: {  	[sflag:s26] =	ssyncadd.s32 $0xFFFFE000  }
0x76: {  	[tilespmem:s24], [sflag:$0x3] =	stream.linear.gather [spmem:s15], $0x2000, $0x38;
	[tilespmem:$0x1C880] =	vst v63  }
0x77: {  	_ =	swait.ge [sflag:s20], $0x2000  }
0x78: {  	[sflag:s20] =	ssyncset.done $0x0  }
0x79: {  	s22 =	rddreg [dreg:$0x14];
	[sflag:s20] =	ssyncadd.s32 $0xFFFFE000  }
0x7a: {  	[hbm4b:s22+s1] =	stream.linear.scatter [tilespmem:s24], [sflag:$0x2], $0x2000, $0x38;
	[tilespmem:$0x1C880] =	vst v63  }
0x7b: {  	_ =	swait.ge [sflag:s25], $0x2000  }
0x7c: {  	[sflag:s25] =	ssyncset.done $0x0  }
0x7d: {  	[sflag:s25] =	ssyncadd.s32 $0xFFFFE000  }
0x7e: {  	[tilespmem:s19], [sflag:$0x3] =	stream.linear.gather [spmem:s16], $0x2000, $0x38;
	[tilespmem:$0x1C880] =	vst v63  }
0x7f: {  	_ =	swait.ge [sflag:s20], $0x2000  }
0x80: {  	[sflag:s20] =	ssyncset.done $0x0  }
0x81: {  	s28 =	rddreg [dreg:$0x15];
	[sflag:s20] =	ssyncadd.s32 $0xFFFFE000  }
0x82: {  	[hbm4b:s28+s1] =	stream.linear.scatter [tilespmem:s19], [sflag:$0x1], $0x2000, $0x38;
	[tilespmem:$0x1C880] =	vst v63  }
0x83: {  	_ =	swait.ge [sflag:s26], $0x2000  }
0x84: {  	s14 =	smov.u32 s15;
	[sflag:s26] =	ssyncset.done $0x0  }
0x85: {  	s15 =	smov.u32 s16;
	s22 =	rddreg [dreg:$0x16];
	[sflag:s26] =	ssyncadd.s32 $0xFFFFE000  }
0x86: {  	[tilespmem:s24], [sflag:$0x3] =	stream.linear.gather [spmem:s29], $0x2000, $0x38;
	[tilespmem:$0x1C880] =	vst v63  }
.LBB2_22:
0x87: {  	_ =	swait.ge [sflag:s20], $0x2000  }
0x88: {  	[sflag:s20] =	ssyncset.done $0x0  }
0x89: {  	s31 =	sadd.s32 $0x1, s31;
	[sflag:s20] =	ssyncadd.s32 $0xFFFFE000  }
0x8a: {  	[hbm4b:s22+s1] =	stream.linear.scatter [tilespmem:s24], [sflag:$0x2], $0x2000, $0x38;
	[tilespmem:$0x1C880] =	vst v63  }
0x8b: {  	p1 =	sne.s32 s31, s6;
	_ =	swait.ge [sflag:s25], $0x2000  }
.Ltmp1:
0x8c: {  	[sflag:s25] =	ssyncset.done $0x0;
	(pc) =	sbr.rel @!p1 .LBB2_23-.Ltmp1, $4  }
0x8d: {  	[sflag:s25] =	ssyncadd.s32 $0xFFFFE000  }
0x8e: {  	_ =	swait.ge [sflag:s26], $0x2000  }
0x8f: {  	[sflag:s26] =	ssyncset.done $0x0  }
0x90: {  	[sflag:s26] =	ssyncadd.s32 $0xFFFFE000  }
.LBB2_1:
.Ltmp2:
0x91: {  	(pc) =	sbr.rel @!p0 .LBB2_9-.Ltmp2, $1  }
0x92: {  	_ =	sdelay $0x3  }
0x93: {  	s22 =	sshra.s32 s1, $0x2;
	s28 =	sadd.s32 $0x200, s1  }
.LBB2_3:
0x94: {  	p1 =	seq.s32 s28, $0x7E00;
	[tilespmem:s22+$0x4870] =	vst v0  }
0x95: {  	[tilespmem:s22+$0x4800] =	vst v0  }
0x96: {  	[tilespmem:s22+$0x4810] =	vst v0  }
.Ltmp3:
0x97: {  	[tilespmem:s22+$0x4820] =	vst v0;
	(pc) =	sbr.rel @!p1 .LBB2_3-.Ltmp3, $4  }
0x98: {  	[tilespmem:s22+$0x4830] =	vst v0  }
0x99: {  	[tilespmem:s22+$0x4840] =	vst v0  }
0x9a: {  	[tilespmem:s22+$0x4850] =	vst v0  }
0x9b: {  	[tilespmem:s22+$0x4860] =	vst v0;
	s22 =	sshra.s32 s28, $0x2;
	s28 =	sadd.s32 $0x200, s28  }
0x9c: {  	[tilespmem:s22+$0x4870] =	vst v0  }
0x9d: {  	[tilespmem:s22+$0x4800] =	vst v0  }
0x9e: {  	[tilespmem:s22+$0x4810] =	vst v0  }
0x9f: {  	[tilespmem:s22+$0x4820] =	vst v0  }
0xa0: {  	[tilespmem:s22+$0x4830] =	vst v0  }
0xa1: {  	[tilespmem:s22+$0x4840] =	vst v0  }
0xa2: {  	[tilespmem:s22+$0x4850] =	vst v0;
	s16 =	sadd.s32 $0x0, s2  }
0xa3: {  	[tilespmem:s22+$0x4860] =	vst v0;
	v2 =	vor.u32 s16, v1;
	s28 =	sadd.s32 $0x30, s16  }
0xa4: {  	s3 =	sadd.s32 $0x20, s16;
	[tilespmem:$0x8800] =	vst v2;
	v3 =	vor.u32 s28, v1  }
0xa5: {  	s22 =	simm.s32 $0x40;
	s28 =	sadd.s32 $0x10, s16;
	v2 =	vor.u32 s3, v1;
	[tilespmem:$0x8830] =	vst v3  }
.LBB2_5:
0xa6: {  	p1 =	sne.s32 s22, $0x240;
	v3 =	vor.u32 s28, v1;
	[tilespmem:$0x8820] =	vst v2  }
0xa7: {  	[tilespmem:$0x8810] =	vst v3;
	[spmem:s0] =	stream.indirect.scatter [tilespmem:s19], [sflag:$0x3], $0x80, s18, s17, $0xb8  }
.Ltmp4:
0xa8: {  	_ =	swait.ge [sflag:s20], $0x2000;
	(pc) =	sbr.rel @p1 .LBB2_5-.Ltmp4, $4  }
0xa9: {  	s3 =	sadd.s32 s22, s2;
	[sflag:s20] =	ssyncset.done $0x0  }
0xaa: {  	v2 =	vor.u32 s3, v1;
	s28 =	sadd.s32 $0x30, s3;
	[sflag:s20] =	ssyncadd.s32 $0xFFFFE000  }
0xab: {  	s4 =	sadd.s32 $0x20, s3;
	v3 =	vor.u32 s28, v1;
	[tilespmem:$0x8800] =	vst v2  }
0xac: {  	s22 =	sadd.s32 $0x40, s22;
	s28 =	sadd.s32 $0x10, s3;
	v2 =	vor.u32 s4, v1;
	[tilespmem:$0x8830] =	vst v3  }
0xad: {  	v3 =	vor.u32 s28, v1;
	[tilespmem:$0x8820] =	vst v2  }
0xae: {  	[tilespmem:$0x8810] =	vst v3  }
0xaf: {  	[spmem:s0] =	stream.indirect.scatter [tilespmem:s19], [sflag:$0x3], $0x80, s18, s17, $0xb8;
	[tilespmem:$0x1C880] =	vst v63  }
0xb0: {  	_ =	swait.ge [sflag:s20], $0x2000  }
0xb1: {  	[sflag:s20] =	ssyncset.done $0x0  }
0xb2: {  	[sflag:s20] =	ssyncadd.s32 $0xFFFFE000  }
0xb3: {  	[bflag:$0x0] =	sbarrier.arrive $0xFFFF  }
0xb4: {  	s3 =	simm.s32 $0x0;
	s4 =	rddreg [dreg:$0xb]  }
0xb5: {  	[tilespmem:s3], [sflag:$0x3] =	stream.linear.gather [hbm4b:s4+s3], $0x1000, $0x38;
	[tilespmem:$0x1C880] =	vst v63  }
0xb6: {  	_ =	swait.ge [sflag:s20], $0x1000  }
0xb7: {  	[sflag:s20] =	ssyncset.done $0x0  }
0xb8: {  	s22 =	rddreg [dreg:$0xc];
	[sflag:s20] =	ssyncadd.s32 $0xFFFFF000  }
0xb9: {  	[tilespmem:s21], [sflag:$0x3] =	stream.linear.gather [hbm4b:s22+s3], $0x1000, $0x38;
	[tilespmem:$0x1C880] =	vst v63  }
0xba: {  	_ =	swait.ge [sflag:s20], $0x1000  }
0xbb: {  	[sflag:s20] =	ssyncset.done $0x0  }
0xbc: {  	[sflag:s20] =	ssyncadd.s32 $0xFFFFF000  }
0xbd: {  	[tilespmem:s19], [sflag:$0x1] =	stream.indirect.gather [hbm4b:s5+s17], $0x80, s3, s17, $0xb8;
	[tilespmem:$0x1C880] =	vst v63  }
0xbe: {  	_ = 	snop  }
0xbf: {  	[tilespmem:s24], [sflag:$0x2] =	stream.indirect.gather [hbm4b:s5+s17], $0x80, s23, s17, $0xb8;
	[tilespmem:$0x1C880] =	vst v63  }
0xc0: {  	_ =	swait.ge [sflag:s25], $0x2000  }
0xc1: {  	[sflag:s25] =	ssyncset.done $0x0  }
0xc2: {  	s4 =	simm.s32 $0x2400;
	[sflag:s25] =	ssyncadd.s32 $0xFFFFE000  }
0xc3: {  	[spmem:s0] =	stream.indirect.scatter.add.f32 [tilespmem:s19], [sflag:$0x3], $0x80, s4, s17, $0xb8;
	[tilespmem:$0x1C880] =	vst v63  }
0xc4: {  	_ =	swait.ge [sflag:s20], $0x2000  }
0xc5: {  	[sflag:s20] =	ssyncset.done $0x0  }
0xc6: {  	s16 =	simm.s32 $0x100;
	[sflag:s20] =	ssyncadd.s32 $0xFFFFE000  }
0xc7: {  	[tilespmem:s19], [sflag:$0x1] =	stream.indirect.gather [hbm4b:s5+s17], $0x80, s16, s17, $0xb8;
	[tilespmem:$0x1C880] =	vst v63  }
0xc8: {  	_ =	swait.ge [sflag:s26], $0x2000  }
0xc9: {  	[sflag:s26] =	ssyncset.done $0x0  }
0xca: {  	s22 =	simm.s32 $0x2480;
	[sflag:s26] =	ssyncadd.s32 $0xFFFFE000  }
0xcb: {  	[spmem:s0] =	stream.indirect.scatter.add.f32 [tilespmem:s24], [sflag:$0x3], $0x80, s22, s17, $0xb8;
	[tilespmem:$0x1C880] =	vst v63  }
0xcc: {  	_ =	swait.ge [sflag:s20], $0x2000  }
0xcd: {  	[sflag:s20] =	ssyncset.done $0x0  }
0xce: {  	s28 =	simm.s32 $0x180;
	s22 =	simm.s32 $0x400;
	[sflag:s20] =	ssyncadd.s32 $0xFFFFE000  }
.LBB2_7:
0xcf: {  	[tilespmem:s24], [sflag:$0x2] =	stream.indirect.gather [hbm4b:s5+s17], $0x80, s28, s17, $0xb8;
	[tilespmem:$0x1C880] =	vst v63  }
0xd0: {  	s3 =	smov.u32 s22  }
0xd1: {  	p1 =	sne.s32 s22, $0x3800;
	s22 =	sadd.s32 $0x400, s22;
	_ =	swait.ge [sflag:s25], $0x2000  }
0xd2: {  	s3 =	sshra.s32 s3, $0x2;
	[sflag:s25] =	ssyncset.done $0x0  }
0xd3: {  	s4 =	sadd.s32 $0x2400, s3;
	[sflag:s25] =	ssyncadd.s32 $0xFFFFE000  }
0xd4: {  	[spmem:s0] =	stream.indirect.scatter.add.f32 [tilespmem:s19], [sflag:$0x3], $0x80, s4, s17, $0xb8;
	[tilespmem:$0x1C880] =	vst v63  }
0xd5: {  	_ =	swait.ge [sflag:s20], $0x2000  }
0xd6: {  	[sflag:s20] =	ssyncset.done $0x0  }
0xd7: {  	s4 =	sadd.s32 $0x100, s3;
	[sflag:s20] =	ssyncadd.s32 $0xFFFFE000  }
0xd8: {  	[tilespmem:s19], [sflag:$0x1] =	stream.indirect.gather [hbm4b:s5+s17], $0x80, s4, s17, $0xb8;
	[tilespmem:$0x1C880] =	vst v63  }
0xd9: {  	_ =	swait.ge [sflag:s26], $0x2000  }
0xda: {  	[sflag:s26] =	ssyncset.done $0x0  }
.Ltmp5:
0xdb: {  	s4 =	sadd.s32 $0x2480, s3;
	[sflag:s26] =	ssyncadd.s32 $0xFFFFE000;
	(pc) =	sbr.rel @p1 .LBB2_7-.Ltmp5, $4  }
0xdc: {  	[spmem:s0] =	stream.indirect.scatter.add.f32 [tilespmem:s24], [sflag:$0x3], $0x80, s4, s17, $0xb8;
	[tilespmem:$0x1C880] =	vst v63  }
0xdd: {  	_ =	swait.ge [sflag:s20], $0x2000  }
0xde: {  	[sflag:s20] =	ssyncset.done $0x0  }
0xdf: {  	s28 =	sadd.s32 $0x180, s3;
	[sflag:s20] =	ssyncadd.s32 $0xFFFFE000  }
0xe0: {  	[tilespmem:s24], [sflag:$0x2] =	stream.indirect.gather [hbm4b:s5+s17], $0x80, s28, s17, $0xb8;
	[tilespmem:$0x1C880] =	vst v63  }
0xe1: {  	_ =	swait.ge [sflag:s25], $0x2000  }
0xe2: {  	[sflag:s25] =	ssyncset.done $0x0  }
0xe3: {  	s3 =	simm.s32 $0x3300;
	[sflag:s25] =	ssyncadd.s32 $0xFFFFE000  }
0xe4: {  	[spmem:s0] =	stream.indirect.scatter.add.f32 [tilespmem:s19], [sflag:$0x3], $0x80, s3, s17, $0xb8;
	[tilespmem:$0x1C880] =	vst v63  }
0xe5: {  	_ =	swait.ge [sflag:s20], $0x2000  }
0xe6: {  	[sflag:s20] =	ssyncset.done $0x0  }
0xe7: {  	[sflag:s20] =	ssyncadd.s32 $0xFFFFE000  }
0xe8: {  	_ =	swait.ge [sflag:s26], $0x2000  }
0xe9: {  	[sflag:s26] =	ssyncset.done $0x0  }
0xea: {  	s22 =	simm.s32 $0x3380;
	[sflag:s26] =	ssyncadd.s32 $0xFFFFE000  }
0xeb: {  	[spmem:s0] =	stream.indirect.scatter.add.f32 [tilespmem:s24], [sflag:$0x3], $0x80, s22, s17, $0xb8;
	[tilespmem:$0x1C880] =	vst v63  }
0xec: {  	_ =	swait.ge [sflag:s20], $0x2000  }
0xed: {  	[sflag:s20] =	ssyncset.done $0x0  }
0xee: {  	[sflag:s20] =	ssyncadd.s32 $0xFFFFE000  }
0xef: {  	[bflag:$0x0] =	sbarrier.arrive $0xFFFF  }
0xf0: {  	[tilespmem:s19], [sflag:$0x3] =	stream.linear.gather [spmem:s7], $0x2000, $0x38;
	[tilespmem:$0x1C880] =	vst v63  }
0xf1: {  	_ =	swait.ge [sflag:s20], $0x2000  }
0xf2: {  	[sflag:s20] =	ssyncset.done $0x0  }
0xf3: {  	s28 =	rddreg [dreg:$0x17];
	[sflag:s20] =	ssyncadd.s32 $0xFFFFE000  }
0xf4: {  	[hbm4b:s28+s1] =	stream.linear.scatter [tilespmem:s19], [sflag:$0x1], $0x2000, $0x38;
	[tilespmem:$0x1C880] =	vst v63  }
0xf5: {  	_ = 	snop  }
0xf6: {  	[tilespmem:s24], [sflag:$0x3] =	stream.linear.gather [spmem:s8], $0x2000, $0x38;
	[tilespmem:$0x1C880] =	vst v63  }
0xf7: {  	_ =	swait.ge [sflag:s20], $0x2000  }
0xf8: {  	[sflag:s20] =	ssyncset.done $0x0  }
0xf9: {  	s4 =	rddreg [dreg:$0x18];
	[sflag:s20] =	ssyncadd.s32 $0xFFFFE000  }
0xfa: {  	[hbm4b:s4+s1] =	stream.linear.scatter [tilespmem:s24], [sflag:$0x2], $0x2000, $0x38;
	[tilespmem:$0x1C880] =	vst v63  }
0xfb: {  	_ =	swait.ge [sflag:s25], $0x2000  }
0xfc: {  	[sflag:s25] =	ssyncset.done $0x0  }
0xfd: {  	[sflag:s25] =	ssyncadd.s32 $0xFFFFE000  }
0xfe: {  	[tilespmem:s19], [sflag:$0x3] =	stream.linear.gather [spmem:s9], $0x2000, $0x38;
	[tilespmem:$0x1C880] =	vst v63  }
0xff: {  	_ =	swait.ge [sflag:s20], $0x2000  }
0x100: {  	[sflag:s20] =	ssyncset.done $0x0  }
0x101: {  	s16 =	rddreg [dreg:$0x19];
	[sflag:s20] =	ssyncadd.s32 $0xFFFFE000  }
0x102: {  	[hbm4b:s16+s1] =	stream.linear.scatter [tilespmem:s19], [sflag:$0x1], $0x2000, $0x38;
	[tilespmem:$0x1C880] =	vst v63  }
0x103: {  	_ =	swait.ge [sflag:s26], $0x2000  }
0x104: {  	[sflag:s26] =	ssyncset.done $0x0  }
0x105: {  	[sflag:s26] =	ssyncadd.s32 $0xFFFFE000  }
0x106: {  	[tilespmem:s24], [sflag:$0x3] =	stream.linear.gather [spmem:s10], $0x2000, $0x38;
	[tilespmem:$0x1C880] =	vst v63  }
0x107: {  	_ =	swait.ge [sflag:s20], $0x2000  }
0x108: {  	[sflag:s20] =	ssyncset.done $0x0  }
0x109: {  	s22 =	rddreg [dreg:$0x1a];
	[sflag:s20] =	ssyncadd.s32 $0xFFFFE000  }
0x10a: {  	[hbm4b:s22+s1] =	stream.linear.scatter [tilespmem:s24], [sflag:$0x2], $0x2000, $0x38;
	[tilespmem:$0x1C880] =	vst v63  }
0x10b: {  	_ =	swait.ge [sflag:s25], $0x2000  }
0x10c: {  	[sflag:s25] =	ssyncset.done $0x0  }
0x10d: {  	[sflag:s25] =	ssyncadd.s32 $0xFFFFE000  }
0x10e: {  	[tilespmem:s19], [sflag:$0x3] =	stream.linear.gather [spmem:s11], $0x2000, $0x38;
	[tilespmem:$0x1C880] =	vst v63  }
0x10f: {  	_ =	swait.ge [sflag:s20], $0x2000  }
0x110: {  	[sflag:s20] =	ssyncset.done $0x0  }
0x111: {  	s28 =	rddreg [dreg:$0x1b];
	[sflag:s20] =	ssyncadd.s32 $0xFFFFE000  }
0x112: {  	[hbm4b:s28+s1] =	stream.linear.scatter [tilespmem:s19], [sflag:$0x1], $0x2000, $0x38;
	[tilespmem:$0x1C880] =	vst v63  }
0x113: {  	_ =	swait.ge [sflag:s26], $0x2000  }
0x114: {  	[sflag:s26] =	ssyncset.done $0x0  }
0x115: {  	[sflag:s26] =	ssyncadd.s32 $0xFFFFE000  }
0x116: {  	[tilespmem:s24], [sflag:$0x3] =	stream.linear.gather [spmem:s12], $0x2000, $0x38;
	[tilespmem:$0x1C880] =	vst v63  }
0x117: {  	_ =	swait.ge [sflag:s20], $0x2000  }
0x118: {  	[sflag:s20] =	ssyncset.done $0x0  }
0x119: {  	s4 =	rddreg [dreg:$0x1c];
	[sflag:s20] =	ssyncadd.s32 $0xFFFFE000  }
0x11a: {  	[hbm4b:s4+s1] =	stream.linear.scatter [tilespmem:s24], [sflag:$0x2], $0x2000, $0x38;
	[tilespmem:$0x1C880] =	vst v63  }
0x11b: {  	_ =	swait.ge [sflag:s25], $0x2000  }
0x11c: {  	[sflag:s25] =	ssyncset.done $0x0  }
0x11d: {  	[sflag:s25] =	ssyncadd.s32 $0xFFFFE000  }
0x11e: {  	[tilespmem:s19], [sflag:$0x3] =	stream.linear.gather [spmem:s13], $0x2000, $0x38;
	[tilespmem:$0x1C880] =	vst v63  }
0x11f: {  	_ =	swait.ge [sflag:s20], $0x2000  }
0x120: {  	[sflag:s20] =	ssyncset.done $0x0  }
0x121: {  	s16 =	rddreg [dreg:$0x1d];
	[sflag:s20] =	ssyncadd.s32 $0xFFFFE000  }
0x122: {  	[hbm4b:s16+s1] =	stream.linear.scatter [tilespmem:s19], [sflag:$0x1], $0x2000, $0x38;
	[tilespmem:$0x1C880] =	vst v63  }
0x123: {  	_ =	swait.ge [sflag:s26], $0x2000  }
0x124: {  	[sflag:s26] =	ssyncset.done $0x0  }
0x125: {  	[sflag:s26] =	ssyncadd.s32 $0xFFFFE000  }
0x126: {  	[tilespmem:s24], [sflag:$0x3] =	stream.linear.gather [spmem:s14], $0x2000, $0x38;
	[tilespmem:$0x1C880] =	vst v63  }
0x127: {  	_ =	swait.ge [sflag:s20], $0x2000  }
0x128: {  	[sflag:s20] =	ssyncset.done $0x0  }
0x129: {  	s22 =	rddreg [dreg:$0x1e];
	[sflag:s20] =	ssyncadd.s32 $0xFFFFE000  }
0x12a: {  	[hbm4b:s22+s1] =	stream.linear.scatter [tilespmem:s24], [sflag:$0x2], $0x2000, $0x38;
	[tilespmem:$0x1C880] =	vst v63  }
0x12b: {  	_ =	swait.ge [sflag:s25], $0x2000  }
0x12c: {  	[sflag:s25] =	ssyncset.done $0x0  }
0x12d: {  	[sflag:s25] =	ssyncadd.s32 $0xFFFFE000  }
0x12e: {  	[tilespmem:s19], [sflag:$0x3] =	stream.linear.gather [spmem:s15], $0x2000, $0x38;
	[tilespmem:$0x1C880] =	vst v63  }
0x12f: {  	_ =	swait.ge [sflag:s20], $0x2000  }
0x130: {  	[sflag:s20] =	ssyncset.done $0x0  }
0x131: {  	s28 =	rddreg [dreg:$0x1f];
	[sflag:s20] =	ssyncadd.s32 $0xFFFFE000  }
0x132: {  	[hbm4b:s28+s1] =	stream.linear.scatter [tilespmem:s19], [sflag:$0x1], $0x2000, $0x38;
	[tilespmem:$0x1C880] =	vst v63  }
.Ltmp6:
0x133: {  	_ = 	snop;
	(pc) =	sbr.rel .LBB2_22-.Ltmp6, $4  }
0x134: {  	_ =	swait.ge [sflag:s26], $0x2000  }
0x135: {  	[sflag:s26] =	ssyncset.done $0x0  }
0x136: {  	s22 =	sld [smem:$0x7FD];
	[sflag:s26] =	ssyncadd.s32 $0xFFFFE000  }
0x137: {  	[tilespmem:s24], [sflag:$0x3] =	stream.linear.gather [spmem:s29], $0x2000, $0x38;
	[tilespmem:$0x1C880] =	vst v63  }
.LBB2_9:
0x138: {  	s16 =	smov.u32 s15  }
0x139: {  	s15 =	smov.u32 s14;
	s14 =	smov.u32 s13;
	s13 =	smov.u32 s12  }
0x13a: {  	s12 =	smov.u32 s11;
	s11 =	smov.u32 s10;
	s10 =	smov.u32 s9  }
0x13b: {  	s9 =	smov.u32 s8;
	s22 =	sshra.s32 s1, $0x2;
	s28 =	sadd.s32 $0x200, s1  }
.LBB2_10:
0x13c: {  	p1 =	seq.s32 s28, $0x7E00;
	[tilespmem:s22+$0x4870] =	vst v0  }
0x13d: {  	[tilespmem:s22+$0x4800] =	vst v0  }
0x13e: {  	[tilespmem:s22+$0x4810] =	vst v0  }
.Ltmp7:
0x13f: {  	[tilespmem:s22+$0x4820] =	vst v0;
	(pc) =	sbr.rel @!p1 .LBB2_10-.Ltmp7, $4  }
0x140: {  	[tilespmem:s22+$0x4830] =	vst v0  }
0x141: {  	[tilespmem:s22+$0x4840] =	vst v0  }
0x142: {  	[tilespmem:s22+$0x4850] =	vst v0  }
0x143: {  	[tilespmem:s22+$0x4860] =	vst v0;
	s22 =	sshra.s32 s28, $0x2;
	s28 =	sadd.s32 $0x200, s28  }
0x144: {  	[tilespmem:s22+$0x4870] =	vst v0  }
0x145: {  	[tilespmem:s22+$0x4800] =	vst v0  }
0x146: {  	[tilespmem:s22+$0x4810] =	vst v0  }
0x147: {  	[tilespmem:s22+$0x4820] =	vst v0  }
0x148: {  	[tilespmem:s22+$0x4830] =	vst v0  }
0x149: {  	[tilespmem:s22+$0x4840] =	vst v0  }
0x14a: {  	[tilespmem:s22+$0x4850] =	vst v0;
	s3 =	sadd.s32 $0x0, s2  }
0x14b: {  	[tilespmem:s22+$0x4860] =	vst v0;
	v2 =	vor.u32 s3, v1;
	s4 =	sadd.s32 $0x30, s3  }
0x14c: {  	s8 =	smov.u32 s7;
	s7 =	smov.u32 s6;
	s6 =	sadd.s32 $0x20, s3;
	[tilespmem:$0x8800] =	vst v2;
	v3 =	vor.u32 s4, v1  }
0x14d: {  	s22 =	simm.s32 $0x40;
	s28 =	sadd.s32 $0x10, s3;
	v2 =	vor.u32 s6, v1;
	[tilespmem:$0x8830] =	vst v3  }
.LBB2_12:
0x14e: {  	p1 =	sne.s32 s22, $0x240;
	v3 =	vor.u32 s28, v1;
	[tilespmem:$0x8820] =	vst v2  }
0x14f: {  	[tilespmem:$0x8810] =	vst v3;
	[spmem:s0] =	stream.indirect.scatter [tilespmem:s19], [sflag:$0x3], $0x80, s18, s17, $0xb8  }
.Ltmp8:
0x150: {  	_ =	swait.ge [sflag:s20], $0x2000;
	(pc) =	sbr.rel @p1 .LBB2_12-.Ltmp8, $4  }
0x151: {  	s3 =	sadd.s32 s22, s2;
	[sflag:s20] =	ssyncset.done $0x0  }
0x152: {  	v2 =	vor.u32 s3, v1;
	s4 =	sadd.s32 $0x30, s3;
	[sflag:s20] =	ssyncadd.s32 $0xFFFFE000  }
0x153: {  	s6 =	sadd.s32 $0x20, s3;
	v3 =	vor.u32 s4, v1;
	[tilespmem:$0x8800] =	vst v2  }
0x154: {  	s22 =	sadd.s32 $0x40, s22;
	s28 =	sadd.s32 $0x10, s3;
	v2 =	vor.u32 s6, v1;
	[tilespmem:$0x8830] =	vst v3  }
0x155: {  	v3 =	vor.u32 s28, v1;
	[tilespmem:$0x8820] =	vst v2  }
0x156: {  	[tilespmem:$0x8810] =	vst v3  }
0x157: {  	[spmem:s0] =	stream.indirect.scatter [tilespmem:s19], [sflag:$0x3], $0x80, s18, s17, $0xb8;
	[tilespmem:$0x1C880] =	vst v63  }
0x158: {  	_ =	swait.ge [sflag:s20], $0x2000  }
0x159: {  	[sflag:s20] =	ssyncset.done $0x0  }
0x15a: {  	[sflag:s20] =	ssyncadd.s32 $0xFFFFE000  }
0x15b: {  	[bflag:$0x0] =	sbarrier.arrive $0xFFFF  }
0x15c: {  	s3 =	simm.s32 $0x0;
	s4 =	rddreg [dreg:$0x3]  }
0x15d: {  	[tilespmem:s3], [sflag:$0x3] =	stream.linear.gather [hbm4b:s4+s3], $0x2400, $0x38;
	[tilespmem:$0x1C880] =	vst v63  }
0x15e: {  	_ =	swait.ge [sflag:s20], $0x2400  }
0x15f: {  	[sflag:s20] =	ssyncset.done $0x0  }
0x160: {  	s22 =	rddreg [dreg:$0x4];
	[sflag:s20] =	ssyncadd.s32 $0xFFFFDC00  }
0x161: {  	[tilespmem:s21], [sflag:$0x3] =	stream.linear.gather [hbm4b:s22+s3], $0x2400, $0x38;
	[tilespmem:$0x1C880] =	vst v63  }
0x162: {  	_ =	swait.ge [sflag:s20], $0x2400  }
0x163: {  	[sflag:s20] =	ssyncset.done $0x0  }
0x164: {  	[sflag:s20] =	ssyncadd.s32 $0xFFFFDC00  }
0x165: {  	[tilespmem:s19], [sflag:$0x1] =	stream.indirect.gather [hbm4b:s5+s17], $0x80, s3, s17, $0xb8;
	[tilespmem:$0x1C880] =	vst v63  }
0x166: {  	_ = 	snop  }
0x167: {  	[tilespmem:s24], [sflag:$0x2] =	stream.indirect.gather [hbm4b:s5+s17], $0x80, s23, s17, $0xb8;
	[tilespmem:$0x1C880] =	vst v63  }
0x168: {  	_ =	swait.ge [sflag:s25], $0x2000  }
0x169: {  	[sflag:s25] =	ssyncset.done $0x0  }
0x16a: {  	s4 =	simm.s32 $0x2400;
	[sflag:s25] =	ssyncadd.s32 $0xFFFFE000  }
0x16b: {  	[spmem:s0] =	stream.indirect.scatter.add.f32 [tilespmem:s19], [sflag:$0x3], $0x80, s4, s17, $0xb8;
	[tilespmem:$0x1C880] =	vst v63  }
0x16c: {  	_ =	swait.ge [sflag:s20], $0x2000  }
0x16d: {  	[sflag:s20] =	ssyncset.done $0x0  }
0x16e: {  	s6 =	simm.s32 $0x100;
	[sflag:s20] =	ssyncadd.s32 $0xFFFFE000  }
0x16f: {  	[tilespmem:s19], [sflag:$0x1] =	stream.indirect.gather [hbm4b:s5+s17], $0x80, s6, s17, $0xb8;
	[tilespmem:$0x1C880] =	vst v63  }
0x170: {  	_ =	swait.ge [sflag:s26], $0x2000  }
0x171: {  	[sflag:s26] =	ssyncset.done $0x0  }
0x172: {  	s22 =	simm.s32 $0x2480;
	[sflag:s26] =	ssyncadd.s32 $0xFFFFE000  }
0x173: {  	[spmem:s0] =	stream.indirect.scatter.add.f32 [tilespmem:s24], [sflag:$0x3], $0x80, s22, s17, $0xb8;
	[tilespmem:$0x1C880] =	vst v63  }
0x174: {  	_ =	swait.ge [sflag:s20], $0x2000  }
0x175: {  	[sflag:s20] =	ssyncset.done $0x0  }
0x176: {  	s28 =	simm.s32 $0x180;
	s22 =	simm.s32 $0x400;
	[sflag:s20] =	ssyncadd.s32 $0xFFFFE000  }
.LBB2_14:
0x177: {  	[tilespmem:s24], [sflag:$0x2] =	stream.indirect.gather [hbm4b:s5+s17], $0x80, s28, s17, $0xb8;
	[tilespmem:$0x1C880] =	vst v63  }
0x178: {  	s3 =	smov.u32 s22  }
0x179: {  	p1 =	sne.s32 s22, $0x8800;
	s22 =	sadd.s32 $0x400, s22;
	_ =	swait.ge [sflag:s25], $0x2000  }
0x17a: {  	s3 =	sshra.s32 s3, $0x2;
	[sflag:s25] =	ssyncset.done $0x0  }
0x17b: {  	s4 =	sadd.s32 $0x2400, s3;
	[sflag:s25] =	ssyncadd.s32 $0xFFFFE000  }
0x17c: {  	[spmem:s0] =	stream.indirect.scatter.add.f32 [tilespmem:s19], [sflag:$0x3], $0x80, s4, s17, $0xb8;
	[tilespmem:$0x1C880] =	vst v63  }
0x17d: {  	_ =	swait.ge [sflag:s20], $0x2000  }
0x17e: {  	[sflag:s20] =	ssyncset.done $0x0  }
0x17f: {  	s4 =	sadd.s32 $0x100, s3;
	[sflag:s20] =	ssyncadd.s32 $0xFFFFE000  }
0x180: {  	[tilespmem:s19], [sflag:$0x1] =	stream.indirect.gather [hbm4b:s5+s17], $0x80, s4, s17, $0xb8;
	[tilespmem:$0x1C880] =	vst v63  }
0x181: {  	_ =	swait.ge [sflag:s26], $0x2000  }
0x182: {  	[sflag:s26] =	ssyncset.done $0x0  }
.Ltmp9:
0x183: {  	s4 =	sadd.s32 $0x2480, s3;
	[sflag:s26] =	ssyncadd.s32 $0xFFFFE000;
	(pc) =	sbr.rel @p1 .LBB2_14-.Ltmp9, $4  }
0x184: {  	[spmem:s0] =	stream.indirect.scatter.add.f32 [tilespmem:s24], [sflag:$0x3], $0x80, s4, s17, $0xb8;
	[tilespmem:$0x1C880] =	vst v63  }
0x185: {  	_ =	swait.ge [sflag:s20], $0x2000  }
0x186: {  	[sflag:s20] =	ssyncset.done $0x0  }
0x187: {  	s28 =	sadd.s32 $0x180, s3;
	[sflag:s20] =	ssyncadd.s32 $0xFFFFE000  }
0x188: {  	[tilespmem:s24], [sflag:$0x2] =	stream.indirect.gather [hbm4b:s5+s17], $0x80, s28, s17, $0xb8;
	[tilespmem:$0x1C880] =	vst v63  }
0x189: {  	_ =	swait.ge [sflag:s25], $0x2000  }
0x18a: {  	[sflag:s25] =	ssyncset.done $0x0  }
0x18b: {  	s3 =	simm.s32 $0x4700;
	[sflag:s25] =	ssyncadd.s32 $0xFFFFE000  }
0x18c: {  	[spmem:s0] =	stream.indirect.scatter.add.f32 [tilespmem:s19], [sflag:$0x3], $0x80, s3, s17, $0xb8;
	[tilespmem:$0x1C880] =	vst v63  }
0x18d: {  	_ =	swait.ge [sflag:s20], $0x2000  }
0x18e: {  	[sflag:s20] =	ssyncset.done $0x0  }
0x18f: {  	[sflag:s20] =	ssyncadd.s32 $0xFFFFE000  }
0x190: {  	_ =	swait.ge [sflag:s26], $0x2000  }
0x191: {  	[sflag:s26] =	ssyncset.done $0x0  }
0x192: {  	[sflag:s26] =	ssyncadd.s32 $0xFFFFE000  }
0x193: {  	[spmem:s0] =	stream.indirect.scatter.add.f32 [tilespmem:s24], [sflag:$0x3], $0x80, s30, s17, $0xb8;
	[tilespmem:$0x1C880] =	vst v63  }
0x194: {  	_ =	swait.ge [sflag:s20], $0x2000  }
0x195: {  	[sflag:s20] =	ssyncset.done $0x0  }
0x196: {  	s6 =	simm.s32 $0x0;
	s4 =	rddreg [dreg:$0x5];
	[sflag:s20] =	ssyncadd.s32 $0xFFFFE000  }
0x197: {  	[tilespmem:s6], [sflag:$0x3] =	stream.linear.gather [hbm4b:s4+s6], $0x2400, $0x38;
	[tilespmem:$0x1C880] =	vst v63  }
0x198: {  	_ =	swait.ge [sflag:s20], $0x2400  }
0x199: {  	[sflag:s20] =	ssyncset.done $0x0  }
0x19a: {  	s22 =	rddreg [dreg:$0x6];
	[sflag:s20] =	ssyncadd.s32 $0xFFFFDC00  }
0x19b: {  	[tilespmem:s21], [sflag:$0x3] =	stream.linear.gather [hbm4b:s22+s6], $0x2400, $0x38;
	[tilespmem:$0x1C880] =	vst v63  }
0x19c: {  	_ =	swait.ge [sflag:s20], $0x2400  }
0x19d: {  	[sflag:s20] =	ssyncset.done $0x0  }
0x19e: {  	[sflag:s20] =	ssyncadd.s32 $0xFFFFDC00  }
0x19f: {  	[tilespmem:s19], [sflag:$0x1] =	stream.indirect.gather [hbm4b:s5+s17], $0x80, s6, s17, $0xb8;
	[tilespmem:$0x1C880] =	vst v63  }
0x1a0: {  	_ = 	snop  }
0x1a1: {  	[tilespmem:s24], [sflag:$0x2] =	stream.indirect.gather [hbm4b:s5+s17], $0x80, s23, s17, $0xb8;
	[tilespmem:$0x1C880] =	vst v63  }
0x1a2: {  	_ =	swait.ge [sflag:s25], $0x2000  }
0x1a3: {  	[sflag:s25] =	ssyncset.done $0x0  }
0x1a4: {  	s4 =	simm.s32 $0x2400;
	[sflag:s25] =	ssyncadd.s32 $0xFFFFE000  }
0x1a5: {  	[spmem:s0] =	stream.indirect.scatter.add.f32 [tilespmem:s19], [sflag:$0x3], $0x80, s4, s17, $0xb8;
	[tilespmem:$0x1C880] =	vst v63  }
0x1a6: {  	_ =	swait.ge [sflag:s20], $0x2000  }
0x1a7: {  	[sflag:s20] =	ssyncset.done $0x0  }
0x1a8: {  	s6 =	simm.s32 $0x100;
	[sflag:s20] =	ssyncadd.s32 $0xFFFFE000  }
0x1a9: {  	[tilespmem:s19], [sflag:$0x1] =	stream.indirect.gather [hbm4b:s5+s17], $0x80, s6, s17, $0xb8;
	[tilespmem:$0x1C880] =	vst v63  }
0x1aa: {  	_ =	swait.ge [sflag:s26], $0x2000  }
0x1ab: {  	[sflag:s26] =	ssyncset.done $0x0  }
0x1ac: {  	s22 =	simm.s32 $0x2480;
	[sflag:s26] =	ssyncadd.s32 $0xFFFFE000  }
0x1ad: {  	[spmem:s0] =	stream.indirect.scatter.add.f32 [tilespmem:s24], [sflag:$0x3], $0x80, s22, s17, $0xb8;
	[tilespmem:$0x1C880] =	vst v63  }
0x1ae: {  	_ =	swait.ge [sflag:s20], $0x2000  }
0x1af: {  	s28 =	simm.s32 $0x180;
	[sflag:s20] =	ssyncset.done $0x0  }
0x1b0: {  	s6 =	smov.u32 s7;
	s22 =	simm.s32 $0x400;
	[sflag:s20] =	ssyncadd.s32 $0xFFFFE000  }
.LBB2_16:
0x1b1: {  	[tilespmem:s24], [sflag:$0x2] =	stream.indirect.gather [hbm4b:s5+s17], $0x80, s28, s17, $0xb8;
	[tilespmem:$0x1C880] =	vst v63  }
0x1b2: {  	s3 =	smov.u32 s22  }
0x1b3: {  	p1 =	sne.s32 s22, $0x8800;
	s22 =	sadd.s32 $0x400, s22;
	_ =	swait.ge [sflag:s25], $0x2000  }
0x1b4: {  	s3 =	sshra.s32 s3, $0x2;
	[sflag:s25] =	ssyncset.done $0x0  }
0x1b5: {  	s4 =	sadd.s32 $0x2400, s3;
	[sflag:s25] =	ssyncadd.s32 $0xFFFFE000  }
0x1b6: {  	[spmem:s0] =	stream.indirect.scatter.add.f32 [tilespmem:s19], [sflag:$0x3], $0x80, s4, s17, $0xb8;
	[tilespmem:$0x1C880] =	vst v63  }
0x1b7: {  	_ =	swait.ge [sflag:s20], $0x2000  }
0x1b8: {  	[sflag:s20] =	ssyncset.done $0x0  }
0x1b9: {  	s4 =	sadd.s32 $0x100, s3;
	[sflag:s20] =	ssyncadd.s32 $0xFFFFE000  }
0x1ba: {  	[tilespmem:s19], [sflag:$0x1] =	stream.indirect.gather [hbm4b:s5+s17], $0x80, s4, s17, $0xb8;
	[tilespmem:$0x1C880] =	vst v63  }
0x1bb: {  	_ =	swait.ge [sflag:s26], $0x2000  }
0x1bc: {  	[sflag:s26] =	ssyncset.done $0x0  }
.Ltmp10:
0x1bd: {  	s4 =	sadd.s32 $0x2480, s3;
	[sflag:s26] =	ssyncadd.s32 $0xFFFFE000;
	(pc) =	sbr.rel @p1 .LBB2_16-.Ltmp10, $4  }
0x1be: {  	[spmem:s0] =	stream.indirect.scatter.add.f32 [tilespmem:s24], [sflag:$0x3], $0x80, s4, s17, $0xb8;
	[tilespmem:$0x1C880] =	vst v63  }
0x1bf: {  	_ =	swait.ge [sflag:s20], $0x2000  }
0x1c0: {  	[sflag:s20] =	ssyncset.done $0x0  }
0x1c1: {  	s28 =	sadd.s32 $0x180, s3;
	[sflag:s20] =	ssyncadd.s32 $0xFFFFE000  }
0x1c2: {  	[tilespmem:s24], [sflag:$0x2] =	stream.indirect.gather [hbm4b:s5+s17], $0x80, s28, s17, $0xb8;
	[tilespmem:$0x1C880] =	vst v63  }
0x1c3: {  	_ =	swait.ge [sflag:s25], $0x2000  }
0x1c4: {  	[sflag:s25] =	ssyncset.done $0x0  }
0x1c5: {  	s3 =	simm.s32 $0x4700;
	[sflag:s25] =	ssyncadd.s32 $0xFFFFE000  }
0x1c6: {  	[spmem:s0] =	stream.indirect.scatter.add.f32 [tilespmem:s19], [sflag:$0x3], $0x80, s3, s17, $0xb8;
	[tilespmem:$0x1C880] =	vst v63  }
0x1c7: {  	_ =	swait.ge [sflag:s20], $0x2000  }
0x1c8: {  	[sflag:s20] =	ssyncset.done $0x0  }
0x1c9: {  	[sflag:s20] =	ssyncadd.s32 $0xFFFFE000  }
0x1ca: {  	_ =	swait.ge [sflag:s26], $0x2000  }
0x1cb: {  	[sflag:s26] =	ssyncset.done $0x0  }
0x1cc: {  	[sflag:s26] =	ssyncadd.s32 $0xFFFFE000  }
0x1cd: {  	[spmem:s0] =	stream.indirect.scatter.add.f32 [tilespmem:s24], [sflag:$0x3], $0x80, s30, s17, $0xb8;
	[tilespmem:$0x1C880] =	vst v63  }
0x1ce: {  	_ =	swait.ge [sflag:s20], $0x2000  }
0x1cf: {  	[sflag:s20] =	ssyncset.done $0x0  }
0x1d0: {  	s7 =	simm.s32 $0x0;
	s4 =	rddreg [dreg:$0x7];
	[sflag:s20] =	ssyncadd.s32 $0xFFFFE000  }
0x1d1: {  	[tilespmem:s7], [sflag:$0x3] =	stream.linear.gather [hbm4b:s4+s7], $0x2400, $0x38;
	[tilespmem:$0x1C880] =	vst v63  }
0x1d2: {  	_ =	swait.ge [sflag:s20], $0x2400  }
0x1d3: {  	[sflag:s20] =	ssyncset.done $0x0  }
0x1d4: {  	s22 =	rddreg [dreg:$0x8];
	[sflag:s20] =	ssyncadd.s32 $0xFFFFDC00  }
0x1d5: {  	[tilespmem:s21], [sflag:$0x3] =	stream.linear.gather [hbm4b:s22+s7], $0x2400, $0x38;
	[tilespmem:$0x1C880] =	vst v63  }
0x1d6: {  	_ =	swait.ge [sflag:s20], $0x2400  }
0x1d7: {  	[sflag:s20] =	ssyncset.done $0x0  }
0x1d8: {  	[sflag:s20] =	ssyncadd.s32 $0xFFFFDC00  }
0x1d9: {  	[tilespmem:s19], [sflag:$0x1] =	stream.indirect.gather [hbm4b:s5+s17], $0x80, s7, s17, $0xb8;
	[tilespmem:$0x1C880] =	vst v63  }
0x1da: {  	_ = 	snop  }
0x1db: {  	[tilespmem:s24], [sflag:$0x2] =	stream.indirect.gather [hbm4b:s5+s17], $0x80, s23, s17, $0xb8;
	[tilespmem:$0x1C880] =	vst v63  }
0x1dc: {  	_ =	swait.ge [sflag:s25], $0x2000  }
0x1dd: {  	[sflag:s25] =	ssyncset.done $0x0  }
0x1de: {  	s4 =	simm.s32 $0x2400;
	[sflag:s25] =	ssyncadd.s32 $0xFFFFE000  }
0x1df: {  	[spmem:s0] =	stream.indirect.scatter.add.f32 [tilespmem:s19], [sflag:$0x3], $0x80, s4, s17, $0xb8;
	[tilespmem:$0x1C880] =	vst v63  }
0x1e0: {  	_ =	swait.ge [sflag:s20], $0x2000  }
0x1e1: {  	[sflag:s20] =	ssyncset.done $0x0  }
0x1e2: {  	s7 =	simm.s32 $0x100;
	[sflag:s20] =	ssyncadd.s32 $0xFFFFE000  }
0x1e3: {  	[tilespmem:s19], [sflag:$0x1] =	stream.indirect.gather [hbm4b:s5+s17], $0x80, s7, s17, $0xb8;
	[tilespmem:$0x1C880] =	vst v63  }
0x1e4: {  	_ =	swait.ge [sflag:s26], $0x2000  }
0x1e5: {  	[sflag:s26] =	ssyncset.done $0x0  }
0x1e6: {  	s22 =	simm.s32 $0x2480;
	[sflag:s26] =	ssyncadd.s32 $0xFFFFE000  }
0x1e7: {  	[spmem:s0] =	stream.indirect.scatter.add.f32 [tilespmem:s24], [sflag:$0x3], $0x80, s22, s17, $0xb8;
	[tilespmem:$0x1C880] =	vst v63  }
0x1e8: {  	_ =	swait.ge [sflag:s20], $0x2000  }
0x1e9: {  	s28 =	simm.s32 $0x180;
	[sflag:s20] =	ssyncset.done $0x0  }
0x1ea: {  	s7 =	smov.u32 s8;
	s22 =	simm.s32 $0x400;
	[sflag:s20] =	ssyncadd.s32 $0xFFFFE000  }
.LBB2_18:
0x1eb: {  	[tilespmem:s24], [sflag:$0x2] =	stream.indirect.gather [hbm4b:s5+s17], $0x80, s28, s17, $0xb8;
	[tilespmem:$0x1C880] =	vst v63  }
0x1ec: {  	s3 =	smov.u32 s22  }
0x1ed: {  	p1 =	sne.s32 s22, $0x8800;
	s22 =	sadd.s32 $0x400, s22;
	_ =	swait.ge [sflag:s25], $0x2000  }
0x1ee: {  	s3 =	sshra.s32 s3, $0x2;
	[sflag:s25] =	ssyncset.done $0x0  }
0x1ef: {  	s4 =	sadd.s32 $0x2400, s3;
	[sflag:s25] =	ssyncadd.s32 $0xFFFFE000  }
0x1f0: {  	[spmem:s0] =	stream.indirect.scatter.add.f32 [tilespmem:s19], [sflag:$0x3], $0x80, s4, s17, $0xb8;
	[tilespmem:$0x1C880] =	vst v63  }
0x1f1: {  	_ =	swait.ge [sflag:s20], $0x2000  }
0x1f2: {  	[sflag:s20] =	ssyncset.done $0x0  }
0x1f3: {  	s4 =	sadd.s32 $0x100, s3;
	[sflag:s20] =	ssyncadd.s32 $0xFFFFE000  }
0x1f4: {  	[tilespmem:s19], [sflag:$0x1] =	stream.indirect.gather [hbm4b:s5+s17], $0x80, s4, s17, $0xb8;
	[tilespmem:$0x1C880] =	vst v63  }
0x1f5: {  	_ =	swait.ge [sflag:s26], $0x2000  }
0x1f6: {  	[sflag:s26] =	ssyncset.done $0x0  }
.Ltmp11:
0x1f7: {  	s4 =	sadd.s32 $0x2480, s3;
	[sflag:s26] =	ssyncadd.s32 $0xFFFFE000;
	(pc) =	sbr.rel @p1 .LBB2_18-.Ltmp11, $4  }
0x1f8: {  	[spmem:s0] =	stream.indirect.scatter.add.f32 [tilespmem:s24], [sflag:$0x3], $0x80, s4, s17, $0xb8;
	[tilespmem:$0x1C880] =	vst v63  }
0x1f9: {  	_ =	swait.ge [sflag:s20], $0x2000  }
0x1fa: {  	[sflag:s20] =	ssyncset.done $0x0  }
0x1fb: {  	s28 =	sadd.s32 $0x180, s3;
	[sflag:s20] =	ssyncadd.s32 $0xFFFFE000  }
0x1fc: {  	[tilespmem:s24], [sflag:$0x2] =	stream.indirect.gather [hbm4b:s5+s17], $0x80, s28, s17, $0xb8;
	[tilespmem:$0x1C880] =	vst v63  }
0x1fd: {  	_ =	swait.ge [sflag:s25], $0x2000  }
0x1fe: {  	[sflag:s25] =	ssyncset.done $0x0  }
0x1ff: {  	s3 =	simm.s32 $0x4700;
	[sflag:s25] =	ssyncadd.s32 $0xFFFFE000  }
0x200: {  	[spmem:s0] =	stream.indirect.scatter.add.f32 [tilespmem:s19], [sflag:$0x3], $0x80, s3, s17, $0xb8;
	[tilespmem:$0x1C880] =	vst v63  }
0x201: {  	_ =	swait.ge [sflag:s20], $0x2000  }
0x202: {  	[sflag:s20] =	ssyncset.done $0x0  }
0x203: {  	[sflag:s20] =	ssyncadd.s32 $0xFFFFE000  }
0x204: {  	_ =	swait.ge [sflag:s26], $0x2000  }
0x205: {  	[sflag:s26] =	ssyncset.done $0x0  }
0x206: {  	[sflag:s26] =	ssyncadd.s32 $0xFFFFE000  }
0x207: {  	[spmem:s0] =	stream.indirect.scatter.add.f32 [tilespmem:s24], [sflag:$0x3], $0x80, s30, s17, $0xb8;
	[tilespmem:$0x1C880] =	vst v63  }
0x208: {  	_ =	swait.ge [sflag:s20], $0x2000  }
0x209: {  	[sflag:s20] =	ssyncset.done $0x0  }
0x20a: {  	s8 =	simm.s32 $0x0;
	s4 =	rddreg [dreg:$0x9];
	[sflag:s20] =	ssyncadd.s32 $0xFFFFE000  }
0x20b: {  	[tilespmem:s8], [sflag:$0x3] =	stream.linear.gather [hbm4b:s4+s8], $0x2400, $0x38;
	[tilespmem:$0x1C880] =	vst v63  }
0x20c: {  	_ =	swait.ge [sflag:s20], $0x2400  }
0x20d: {  	[sflag:s20] =	ssyncset.done $0x0  }
0x20e: {  	s22 =	rddreg [dreg:$0xa];
	[sflag:s20] =	ssyncadd.s32 $0xFFFFDC00  }
0x20f: {  	[tilespmem:s21], [sflag:$0x3] =	stream.linear.gather [hbm4b:s22+s8], $0x2400, $0x38;
	[tilespmem:$0x1C880] =	vst v63  }
0x210: {  	_ =	swait.ge [sflag:s20], $0x2400  }
0x211: {  	[sflag:s20] =	ssyncset.done $0x0  }
0x212: {  	[sflag:s20] =	ssyncadd.s32 $0xFFFFDC00  }
0x213: {  	[tilespmem:s19], [sflag:$0x1] =	stream.indirect.gather [hbm4b:s5+s17], $0x80, s8, s17, $0xb8;
	[tilespmem:$0x1C880] =	vst v63  }
0x214: {  	_ = 	snop  }
0x215: {  	[tilespmem:s24], [sflag:$0x2] =	stream.indirect.gather [hbm4b:s5+s17], $0x80, s23, s17, $0xb8;
	[tilespmem:$0x1C880] =	vst v63  }
0x216: {  	_ =	swait.ge [sflag:s25], $0x2000  }
0x217: {  	[sflag:s25] =	ssyncset.done $0x0  }
0x218: {  	s4 =	simm.s32 $0x2400;
	[sflag:s25] =	ssyncadd.s32 $0xFFFFE000  }
0x219: {  	[spmem:s0] =	stream.indirect.scatter.add.f32 [tilespmem:s19], [sflag:$0x3], $0x80, s4, s17, $0xb8;
	[tilespmem:$0x1C880] =	vst v63  }
0x21a: {  	_ =	swait.ge [sflag:s20], $0x2000  }
0x21b: {  	[sflag:s20] =	ssyncset.done $0x0  }
0x21c: {  	s8 =	simm.s32 $0x100;
	[sflag:s20] =	ssyncadd.s32 $0xFFFFE000  }
0x21d: {  	[tilespmem:s19], [sflag:$0x1] =	stream.indirect.gather [hbm4b:s5+s17], $0x80, s8, s17, $0xb8;
	[tilespmem:$0x1C880] =	vst v63  }
0x21e: {  	_ =	swait.ge [sflag:s26], $0x2000  }
0x21f: {  	[sflag:s26] =	ssyncset.done $0x0  }
0x220: {  	s22 =	simm.s32 $0x2480;
	[sflag:s26] =	ssyncadd.s32 $0xFFFFE000  }
0x221: {  	[spmem:s0] =	stream.indirect.scatter.add.f32 [tilespmem:s24], [sflag:$0x3], $0x80, s22, s17, $0xb8;
	[tilespmem:$0x1C880] =	vst v63  }
0x222: {  	_ =	swait.ge [sflag:s20], $0x2000  }
0x223: {  	s28 =	simm.s32 $0x180;
	[sflag:s20] =	ssyncset.done $0x0  }
0x224: {  	s8 =	smov.u32 s9;
	s22 =	simm.s32 $0x400;
	[sflag:s20] =	ssyncadd.s32 $0xFFFFE000  }
.LBB2_20:
0x225: {  	[tilespmem:s24], [sflag:$0x2] =	stream.indirect.gather [hbm4b:s5+s17], $0x80, s28, s17, $0xb8;
	[tilespmem:$0x1C880] =	vst v63  }
0x226: {  	s3 =	smov.u32 s22  }
0x227: {  	p1 =	sne.s32 s22, $0x8800;
	s22 =	sadd.s32 $0x400, s22;
	_ =	swait.ge [sflag:s25], $0x2000  }
0x228: {  	s3 =	sshra.s32 s3, $0x2;
	[sflag:s25] =	ssyncset.done $0x0  }
0x229: {  	s4 =	sadd.s32 $0x2400, s3;
	[sflag:s25] =	ssyncadd.s32 $0xFFFFE000  }
0x22a: {  	[spmem:s0] =	stream.indirect.scatter.add.f32 [tilespmem:s19], [sflag:$0x3], $0x80, s4, s17, $0xb8;
	[tilespmem:$0x1C880] =	vst v63  }
0x22b: {  	_ =	swait.ge [sflag:s20], $0x2000  }
0x22c: {  	[sflag:s20] =	ssyncset.done $0x0  }
0x22d: {  	s4 =	sadd.s32 $0x100, s3;
	[sflag:s20] =	ssyncadd.s32 $0xFFFFE000  }
0x22e: {  	[tilespmem:s19], [sflag:$0x1] =	stream.indirect.gather [hbm4b:s5+s17], $0x80, s4, s17, $0xb8;
	[tilespmem:$0x1C880] =	vst v63  }
0x22f: {  	_ =	swait.ge [sflag:s26], $0x2000  }
0x230: {  	[sflag:s26] =	ssyncset.done $0x0  }
.Ltmp12:
0x231: {  	s4 =	sadd.s32 $0x2480, s3;
	[sflag:s26] =	ssyncadd.s32 $0xFFFFE000;
	(pc) =	sbr.rel @p1 .LBB2_20-.Ltmp12, $4  }
0x232: {  	[spmem:s0] =	stream.indirect.scatter.add.f32 [tilespmem:s24], [sflag:$0x3], $0x80, s4, s17, $0xb8;
	[tilespmem:$0x1C880] =	vst v63  }
0x233: {  	_ =	swait.ge [sflag:s20], $0x2000  }
0x234: {  	[sflag:s20] =	ssyncset.done $0x0  }
0x235: {  	s28 =	sadd.s32 $0x180, s3;
	[sflag:s20] =	ssyncadd.s32 $0xFFFFE000  }
.Ltmp13:
0x236: {  	_ = 	snop;
	(pc) =	sbr.rel .LBB2_21-.Ltmp13, $1  }
0x237: {  	_ =	sdelay $0x3  }
.LBB2_23:
0x238: {  	_ =	sfence.sel $0x180000  }
0x239: {  	[bflag:$0x0] =	sbarrier.arrive $0xFFFF  }
0x23a: {  	_ =	strace $0x9000004A  }
0x23b: {  	s0 =	stileid.u32;
	[bflag:$0x2] =	sbarrier.arrive $0xFFFF  }
0x23c: {  	p0 =	sne.s32 s0, $0x0;
	s0 =	rddreg [dreg:$0x2]  }
0x23d: {  	s0 =	sadd.s32 @!p0 $0x100000, s0  }
0x23e: {  	[sflag:s0] =	ssyncadd.tile.s32 @!p0 $0x1;
	_ =	shalt  }
.Lfunc_end2:
_tile_overlayer_lowered:
.L_overlay_start_2:
0x23f: {  	(tag) =	ssettag $0x2  }
0x240: {  	s0 =	rddreg [dreg:$0x0];
	s2 =	stileid.u32  }
0x241: {  	s1 =	rddreg [dreg:$0x1];
	p0 =	sne.s32 s2, $0x0  }
0x242: {  	s3 =	rddreg [dreg:$0x2];
	[bflag:$0x3] =	sbarrier.arrive $0xFFFF;
	s2 =	simm.s32 @!p0 $0x1C03  }
0x243: {  	[timem:s3], [sflag:s2] =	dma.local @!p0 [hbm:s0], s1  }
0x244: {  	s0 =	simm.s32 @!p0 $0x3  }
0x245: {  	_ =	swait.ge @!p0 [sflag:s0], s1  }
0x246: {  	s1 =	ssub.s32 @!p0 $0x0, s1;
	[sflag:s0] =	ssyncset.done @!p0 $0x0  }
0x247: {  	[sflag:s0] =	ssyncadd.s32 @!p0 s1  }
0x248: {  	[bflag:$0x3] =	sbarrier.arrive $0xFFFF  }
0x249: {  	_ =	shalt  }

</sc_bundles>
